<compile_context>
chip_gen: v7x
topology: tpu7x:2x2x1
jax: 0.10.2.dev20260603
libtpu: 0.0.44.dev20260713+nightly
codegen_flags: <defaults>
</compile_context>

<pallas_src>
import functools

import jax
import jax.numpy as jnp
from jax import lax
from jax.experimental import pallas as pl
from jax.experimental.pallas import tpu as pltpu
from jax.experimental.pallas import tpu_sc as plsc

_N = 10000
_NP = 10240
_E = 320000
_D = 128
_P = 8
_B = 64
_NC = 2
_NS = 16
_RPT = _NP // _NS
_CH = 128
_CPT = 160
_CPQ = 40
_EPTP = _CH * _CPT
_EP = _EPTP * _NS



@functools.cache
def _sc_degree_fn():
    return functools.partial(
        pl.kernel,
        out_type=jax.ShapeDtypeStruct((_NC * _NS * _NP,), jnp.float32),
        scratch_types=[
            pltpu.VMEM((_NP,), jnp.float32),
            pltpu.VMEM((16, _CH), jnp.int32),
        ],
        mesh=plsc.VectorSubcoreMesh(core_axis_name="c", subcore_axis_name="s",
                                    num_cores=_NC, num_subcores=_NS),
        compiler_params=pltpu.CompilerParams(needs_layout_passes=False),
    )(_sc_degree_body)


def _sc_degree_body(dst2, out, acc, idxb):
    c = lax.axis_index("c")
    s = lax.axis_index("s")
    z16 = jnp.zeros((16,), jnp.float32)
    ones16 = jnp.ones((16,), jnp.float32)

    def zero_body(i, _):
        acc[pl.ds(i * 16, 16)] = z16
        return 0
    lax.fori_loop(0, _NP // 16, zero_body, 0)

    base = (c * _NS + s) * _CPT

    def chunk_body(ci, _):
        pltpu.sync_copy(dst2.at[pl.ds(base + ci * 16, 16)], idxb)

        def grp(j, _):
            v = idxb[j // 8, pl.ds((j % 8) * 16, 16)]
            plsc.addupdate_scatter(acc, [v], ones16)
            return 0
        lax.fori_loop(0, 16 * (_CH // 16), grp, 0)
        return 0
    lax.fori_loop(0, _CPT // 16, chunk_body, 0)
    pltpu.sync_copy(acc, out.at[pl.ds((c * _NS + s) * _NP, _NP)])


@functools.cache
def _sc_edge_fn():
    return functools.partial(
        pl.kernel,
        out_type=jax.ShapeDtypeStruct((_NC, _NP, _D), jnp.float32),
        scratch_types=[
            pltpu.VMEM_SHARED((_NP, _D), jnp.float32),
            pltpu.VMEM((32, _D), jnp.float32),
            pltpu.VMEM((_CPQ, _CH), jnp.int32),
            pltpu.VMEM((_CPQ, _CH), jnp.int32),
            pltpu.VMEM((_CH, _D), jnp.float32),
            pltpu.VMEM((_CH, _D), jnp.float32),
            pltpu.SemaphoreType.DMA,
            pltpu.SemaphoreType.DMA,
            pltpu.SemaphoreType.DMA,
        ],
        mesh=plsc.VectorSubcoreMesh(core_axis_name="c", subcore_axis_name="s",
                                    num_cores=_NC, num_subcores=_NS),
        compiler_params=pltpu.CompilerParams(needs_layout_passes=False),
    )(_sc_edge_body)


def _sc_edge_body(ys, src2, dst2, out, aggsp, zb, sidx, didx,
                  rows0, rows1, sem0, sem1, semz):
    c = lax.axis_index("c")
    s = lax.axis_index("s")
    z16 = jnp.zeros((16,), jnp.float32)
    rb = (c * _NS + s) * _CPT

    def zfill(i, _):
        zb[i // 8, pl.ds((i % 8) * 16, 16)] = z16
        return 0
    lax.fori_loop(0, 32 * (_D // 16), zfill, 0)

    def zcopy(i, _):
        pltpu.async_copy(zb, aggsp.at[pl.ds(s * _RPT + i * 32, 32)], semz)
        return 0
    lax.fori_loop(0, _RPT // 32, zcopy, 0)

    def zdrain(i, _):
        pltpu.make_async_copy(zb, aggsp.at[pl.ds(s * _RPT + i * 32, 32)],
                              semz).wait()
        return 0
    lax.fori_loop(0, _RPT // 32, zdrain, 0)
    plsc.subcore_barrier()

    def quarter(q, _):
        pltpu.sync_copy(src2.at[pl.ds(rb + q * _CPQ, _CPQ)], sidx)
        pltpu.sync_copy(dst2.at[pl.ds(rb + q * _CPQ, _CPQ)], didx)
        pltpu.async_copy(ys.at[c].at[sidx.at[0]], rows0, sem0)

        def ebody(k, _):
            i0 = 2 * k
            h1 = pltpu.async_copy(ys.at[c].at[sidx.at[i0 + 1]], rows1, sem1)
            pltpu.make_async_copy(ys.at[c].at[sidx.at[i0]],
                                  rows0, sem0).wait()
            pltpu.sync_copy(rows0, aggsp.at[didx.at[i0]], add=True)

            @pl.when(k + 1 < _CPQ // 2)
            def _():
                pltpu.async_copy(ys.at[c].at[sidx.at[i0 + 2]], rows0, sem0)
            h1.wait()
            pltpu.sync_copy(rows1, aggsp.at[didx.at[i0 + 1]], add=True)
            return 0
        lax.fori_loop(0, _CPQ // 2, ebody, 0)
        return 0
    lax.fori_loop(0, _CPT // _CPQ, quarter, 0)
    plsc.subcore_barrier()
    pltpu.sync_copy(aggsp.at[pl.ds(s * _RPT, _RPT)],
                    out.at[c, pl.ds(s * _RPT, _RPT)])



_R = 512


def _inv_from_parts(dp):
    deg = jnp.sum(dp, axis=1) + 1.0
    return lax.rsqrt(jnp.maximum(deg, 1.0))


def _tc_pre_body(x_ref, dp_ref, w_ref, b_ref, y_ref):
    inv = _inv_from_parts(dp_ref[0])
    h = jnp.dot(x_ref[0], w_ref[...], preferred_element_type=jnp.float32)
    y_ref[0] = (h + b_ref[...][None, :]) * inv[:, None]


def _tc_pre(xs, degp, W, b):
    return pl.pallas_call(
        _tc_pre_body,
        grid=(2, _NP // _R),
        in_specs=[
            pl.BlockSpec((1, _R, _D), lambda g, i: (g, i, 0)),
            pl.BlockSpec((1, _R, _NS), lambda g, i: (g, i, 0)),
            pl.BlockSpec((_D, _D), lambda g, i: (0, 0)),
            pl.BlockSpec((_D,), lambda g, i: (0,)),
        ],
        out_specs=pl.BlockSpec((1, _R, _D), lambda g, i: (g, i, 0)),
        out_shape=jax.ShapeDtypeStruct((2, _NP, _D), jnp.float32),
    )(xs, degp, W, b)


def _tc_post_body(s_ref, y_ref, dp_ref, w_ref, b_ref, h_ref, yn_ref):
    inv = _inv_from_parts(dp_ref[0])
    agg = (s_ref[0] + y_ref[0]) * inv[:, None]
    h = jnp.dot(agg, w_ref[...], preferred_element_type=jnp.float32)
    h = jnp.maximum(h + b_ref[...][None, :], 0.0)
    h_ref[0] = h
    yn_ref[0] = h * inv[:, None]


def _tc_post(Ss, ys, degp, W, b):
    return pl.pallas_call(
        _tc_post_body,
        grid=(2, _NP // _R),
        in_specs=[
            pl.BlockSpec((1, _R, _D), lambda g, i: (g, i, 0)),
            pl.BlockSpec((1, _R, _D), lambda g, i: (g, i, 0)),
            pl.BlockSpec((1, _R, _NS), lambda g, i: (g, i, 0)),
            pl.BlockSpec((_D, _D), lambda g, i: (0, 0)),
            pl.BlockSpec((_D,), lambda g, i: (0,)),
        ],
        out_specs=[
            pl.BlockSpec((1, _R, _D), lambda g, i: (g, i, 0)),
            pl.BlockSpec((1, _R, _D), lambda g, i: (g, i, 0)),
        ],
        out_shape=[
            jax.ShapeDtypeStruct((2, _NP, _D), jnp.float32),
            jax.ShapeDtypeStruct((2, _NP, _D), jnp.float32),
        ],
    )(Ss, ys, degp, W, b)


def _tc_pool_body(h_ref, bt_ref, q_ref, po_ref, den_ref):
    i = pl.program_id(1)
    h = h_ref[0]
    s = lax.dot_general(h, q_ref[...], (((1,), (1,)), ((), ())),
                        preferred_element_type=jnp.float32)
    e = jnp.exp(s)
    bt = bt_ref[0, 0]
    gids = lax.broadcasted_iota(jnp.int32, (_R, _B), 1)
    oh = (gids == bt[:, None]).astype(jnp.float32)
    den = lax.dot_general(oh, e, (((0,), (0,)), ((), ())),
                          preferred_element_type=jnp.float32, precision=lax.Precision.HIGHEST)

    @pl.when(i == 0)
    def _():
        den_ref[0] = den
        for pq in range(16):
            wh = h * e[:, pq][:, None]
            po_ref[0, pq] = lax.dot_general(
                oh, wh, (((0,), (0,)), ((), ())),
                preferred_element_type=jnp.float32, precision=lax.Precision.HIGHEST)

    @pl.when(i > 0)
    def _():
        den_ref[0] += den
        for pq in range(16):
            wh = h * e[:, pq][:, None]
            po_ref[0, pq] += lax.dot_general(
                oh, wh, (((0,), (0,)), ((), ())),
                preferred_element_type=jnp.float32, precision=lax.Precision.HIGHEST)


def _tc_pool(hs, bt3, Qcat):
    return pl.pallas_call(
        _tc_pool_body,
        grid=(2, _NP // _R),
        in_specs=[
            pl.BlockSpec((1, _R, _D), lambda g, i: (g, i, 0)),
            pl.BlockSpec((1, 1, _R), lambda g, i: (g * (_NP // _R) + i, 0, 0)),
            pl.BlockSpec((2 * _P, _D), lambda g, i: (0, 0)),
        ],
        out_specs=[
            pl.BlockSpec((1, 2 * _P, _B, _D), lambda g, i: (g, 0, 0, 0)),
            pl.BlockSpec((1, _B, 2 * _P), lambda g, i: (g, 0, 0)),
        ],
        out_shape=[
            jax.ShapeDtypeStruct((2, 2 * _P, _B, _D), jnp.float32),
            jax.ShapeDtypeStruct((2, _B, 2 * _P), jnp.float32),
        ],
    )(hs, bt3, Qcat)


_BP = _B * _P


def _tc_final_body(pi1_ref, pi2_ref, pp1_ref, pp2_ref,
                   di1_ref, di2_ref, dp1_ref, dp2_ref,
                   wm1_ref, bm1_ref, wm2_ref, bm2_ref,
                   wm3_ref, bm3_ref, wm4_ref, bm4_ref, out_ref):
    pi1 = pi1_ref[...] / jnp.maximum(di1_ref[...], 1e-9)
    pi2 = pi2_ref[...] / jnp.maximum(di2_ref[...], 1e-9)
    pp1 = pp1_ref[...] / jnp.maximum(dp1_ref[...], 1e-9)
    pp2 = pp2_ref[...] / jnp.maximum(dp2_ref[...], 1e-9)

    n1 = jnp.sqrt(jnp.sum(pp1 * pp1, axis=1, keepdims=True))
    p1n = pp1 / jnp.maximum(n1, 1e-12)
    n2 = jnp.sqrt(jnp.sum(pp2 * pp2, axis=1, keepdims=True))
    p2n = pp2 / jnp.maximum(n2, 1e-12)

    rr = lax.broadcasted_iota(jnp.int32, (_BP, _BP), 0)
    cc = lax.broadcasted_iota(jnp.int32, (_BP, _BP), 1)
    same = (rr // _P) == (cc // _P)
    neg = jnp.float32(-1e30)
    sc = jnp.float32(1.0) / jnp.sqrt(jnp.float32(_D))

    def blockdiag_softmax_matmul(a, b):
        f = lax.dot_general(a, b, (((1,), (1,)), ((), ())),
                            preferred_element_type=jnp.float32) * sc
        f = jnp.where(same, f, neg)
        m = jnp.max(f, axis=1, keepdims=True)
        ex = jnp.exp(f - m)
        dn = jnp.sum(ex, axis=1, keepdims=True)
        attn = ex / dn
        return jnp.dot(attn, b, preferred_element_type=jnp.float32)

    f1 = blockdiag_softmax_matmul(pi1, pi2)
    f2 = blockdiag_softmax_matmul(pi2, pi1)

    rb = lax.broadcasted_iota(jnp.int32, (_B, _BP), 0)
    cb = lax.broadcasted_iota(jnp.int32, (_B, _BP), 1)
    Mavg = jnp.where(rb == (cb // _P), jnp.float32(1.0 / _P), 0.0)
    f1m = jnp.dot(Mavg, f1, preferred_element_type=jnp.float32, precision=lax.Precision.HIGHEST)
    f2m = jnp.dot(Mavg, f2, preferred_element_type=jnp.float32, precision=lax.Precision.HIGHEST)

    def rownorm(x):
        mu = jnp.sum(x, axis=1, keepdims=True) / jnp.float32(_D)
        xm = x - mu
        var = jnp.sum(xm * xm, axis=1, keepdims=True) / jnp.float32(_D - 1)
        return xm * lax.rsqrt(var)

    inter1 = rownorm(f1m)
    inter2 = rownorm(f2m)

    fp = lax.dot_general(p1n, p2n, (((1,), (1,)), ((), ())),
                         preferred_element_type=jnp.float32)
    fpm = jnp.where(same, fp, 0.0)
    ccq = lax.broadcasted_iota(jnp.int32, (_BP, _P), 0)
    ccc = lax.broadcasted_iota(jnp.int32, (_BP, _P), 1)
    C = ((ccq % _P) == ccc).astype(jnp.float32)
    FC = jnp.dot(fpm, C, preferred_element_type=jnp.float32, precision=lax.Precision.HIGHEST)

    w1 = wm1_ref[...]
    h = jnp.dot(inter1, w1[0:_D], preferred_element_type=jnp.float32)
    h = h + jnp.dot(inter2, w1[_D:2 * _D], preferred_element_type=jnp.float32)
    for p in range(_P):
        Ep = ((cb % _P) == p).astype(jnp.float32) * (rb == (cb // _P)).astype(jnp.float32)
        FCp = jnp.dot(Ep, FC, preferred_element_type=jnp.float32, precision=lax.Precision.HIGHEST)
        h = h + jnp.dot(FCp, w1[2 * _D + p * _P: 2 * _D + (p + 1) * _P],
                        preferred_element_type=jnp.float32)
    h = h + bm1_ref[...][None, :]
    h = jnp.maximum(jnp.dot(h, wm2_ref[...], preferred_element_type=jnp.float32)
                    + bm2_ref[...][None, :], 0.0)
    h = jnp.maximum(jnp.dot(h, wm3_ref[...], preferred_element_type=jnp.float32)
                    + bm3_ref[...][None, :], 0.0)
    out_ref[...] = (jnp.dot(h, wm4_ref[...], preferred_element_type=jnp.float32)
                    + bm4_ref[...][None, :])


def _tc_final(pi1, pi2, pp1, pp2, di1, di2, dp1, dp2,
              wm1, bm1, wm2, bm2, wm3, bm3, wm4, bm4):
    full = lambda s: pl.BlockSpec(s, lambda: tuple(0 for _ in s))
    args = [pi1, pi2, pp1, pp2, di1, di2, dp1, dp2,
            wm1, bm1, wm2, bm2, wm3, bm3, wm4, bm4]
    return pl.pallas_call(
        _tc_final_body,
        in_specs=[full(a.shape) for a in args],
        out_specs=full((_B, 1)),
        out_shape=jax.ShapeDtypeStruct((_B, 1), jnp.float32),
    )(*args)



def kernel(x1, x2, edge_index1, edge_index2, batch1, batch2, ddi_type,
           W_node, b_node, W_g1, b_g1, W_g2, b_g2, Q_pool, Q_inter,
           W_m1, b_m1, W_m2, b_m2, W_m3, b_m3, W_m4, b_m4):
    pad = _NP - _N
    epad = _EP - _E
    xs = jnp.pad(jnp.stack([x1, x2]), ((0, 0), (0, pad), (0, 0)))
    fill = jnp.full((epad,), _NP - 1, jnp.int32)
    src2 = jnp.concatenate([edge_index1[0], fill, edge_index2[0], fill]
                           ).reshape(_NC * _NS * _CPT, _CH)
    dst2 = jnp.concatenate([edge_index1[1], fill, edge_index2[1], fill]
                           ).reshape(_NC * _NS * _CPT, _CH)
    bt3 = jnp.pad(jnp.stack([batch1, batch2]), ((0, 0), (0, pad)),
                  constant_values=-1).reshape(2 * (_NP // _R), 1, _R)
    Qcat = jnp.concatenate([Q_inter, Q_pool], axis=0)

    degp = _sc_degree_fn()(dst2).reshape(_NC, _NS, _NP).transpose(0, 2, 1)
    y0 = _tc_pre(xs, degp, W_node, b_node)
    S0 = _sc_edge_fn()(y0, src2, dst2)
    h1, y1 = _tc_post(S0, y0, degp, W_g1, b_g1)
    del h1
    S1 = _sc_edge_fn()(y1, src2, dst2)
    h2, _y2 = _tc_post(S1, y1, degp, W_g2, b_g2)

    pooled, den = _tc_pool(h2, bt3, Qcat)
    pb = pooled.transpose(0, 2, 1, 3)
    pi1 = pb[0, :, :_P, :].reshape(_BP, _D)
    pi2 = pb[1, :, :_P, :].reshape(_BP, _D)
    pp1 = pb[0, :, _P:, :].reshape(_BP, _D)
    pp2 = pb[1, :, _P:, :].reshape(_BP, _D)
    di1 = den[0, :, :_P].reshape(_BP, 1)
    di2 = den[1, :, :_P].reshape(_BP, 1)
    dp1 = den[0, :, _P:].reshape(_BP, 1)
    dp2 = den[1, :, _P:].reshape(_BP, 1)

    score = _tc_final(pi1, pi2, pp1, pp2, di1, di2, dp1, dp2,
                      W_m1, b_m1, W_m2, b_m2, W_m3, b_m3, W_m4, b_m4)
    return score.reshape(_B)

# --- scband reference (transcript-rebuilt; emitter-appended) ---
"""Pipeline reference for scband-interaction-predictor-38706245271917 (READ-ONLY COPY).

The authoritative reference and input builder live on the scoring server;
editing this copy changes nothing except your own understanding.
"""

import jax, jax.numpy as jnp
import numpy as np

N = 10000
E = 320000
D = 128
P = 8
B = 64


def _gcn_conv(x, src, dst, W, b):
    n = x.shape[0]
    loop = jnp.arange(n, dtype=src.dtype)
    s = jnp.concatenate([src, loop])
    d = jnp.concatenate([dst, loop])
    deg = jax.ops.segment_sum(jnp.ones(s.shape[0], dtype=x.dtype), d, num_segments=n)
    inv = jax.lax.rsqrt(jnp.maximum(deg, 1.0))
    msg = x[s] * (inv[s] * inv[d])[:, None]
    agg = jnp.zeros_like(x).at[d].add(msg)
    return agg @ W + b


def _pool(h, batch, Q, nb):
    scores = h @ Q.T
    m = jax.ops.segment_max(scores, batch, num_segments=nb)
    m = jnp.where(jnp.isfinite(m), m, 0.0)
    e = jnp.exp(scores - m[batch])
    den = jax.ops.segment_sum(e, batch, num_segments=nb)
    attn = e / jnp.maximum(den[batch], 1e-9)
    return jax.ops.segment_sum(attn[:, :, None] * h[:, None, :], batch, num_segments=nb)


def setup_inputs(seed: int = 0):
    key = jax.random.key(seed)
    ks = jax.random.split(key, 32)
    s = 0.05
    inp = {}
    inp["x1"] = jax.random.normal(ks[0], (N, D), dtype=jnp.float32)
    inp["x2"] = jax.random.normal(ks[1], (N, D), dtype=jnp.float32)
    inp["edge_index1"] = jax.random.randint(ks[2], (2, E), 0, N, dtype=jnp.int32)
    inp["edge_index2"] = jax.random.randint(ks[3], (2, E), 0, N, dtype=jnp.int32)
    inp["batch1"] = jnp.sort(jax.random.randint(ks[4], (N,), 0, B, dtype=jnp.int32))
    inp["batch2"] = jnp.sort(jax.random.randint(ks[5], (N,), 0, B, dtype=jnp.int32))
    inp["ddi_type"] = jax.random.randint(ks[6], (B,), 0, 86, dtype=jnp.int32)
    inp["W_node"] = jax.random.normal(ks[7], (D, D), dtype=jnp.float32) * s
    inp["b_node"] = jnp.zeros((D,), dtype=jnp.float32)
    inp["W_g1"] = jax.random.normal(ks[8], (D, D), dtype=jnp.float32) * s
    inp["b_g1"] = jnp.zeros((D,), dtype=jnp.float32)
    inp["W_g2"] = jax.random.normal(ks[9], (D, D), dtype=jnp.float32) * s
    inp["b_g2"] = jnp.zeros((D,), dtype=jnp.float32)
    inp["Q_pool"] = jax.random.normal(ks[10], (P, D), dtype=jnp.float32) * 0.5
    inp["Q_inter"] = jax.random.normal(ks[11], (P, D), dtype=jnp.float32) * 0.5
    inp["W_m1"] = jax.random.normal(ks[12], (2 * D + P * P, D), dtype=jnp.float32) * s
    inp["b_m1"] = jnp.zeros((D,), dtype=jnp.float32)
    inp["W_m2"] = jax.random.normal(ks[13], (D, D), dtype=jnp.float32) * s
    inp["b_m2"] = jnp.zeros((D,), dtype=jnp.float32)
    inp["W_m3"] = jax.random.normal(ks[14], (D, D), dtype=jnp.float32) * s
    inp["b_m3"] = jnp.zeros((D,), dtype=jnp.float32)
    inp["W_m4"] = jax.random.normal(ks[15], (D, 1), dtype=jnp.float32) * s
    inp["b_m4"] = jnp.zeros((1,), dtype=jnp.float32)
    return inp


def reference(x1, x2, edge_index1, edge_index2, batch1, batch2, ddi_type,
              W_node, b_node, W_g1, b_g1, W_g2, b_g2, Q_pool, Q_inter,
              W_m1, b_m1, W_m2, b_m2, W_m3, b_m3, W_m4, b_m4):
    def enc(x, ei):
        h = x @ W_node + b_node
        h = jax.nn.relu(_gcn_conv(h, ei[0], ei[1], W_g1, b_g1))
        h = jax.nn.relu(_gcn_conv(h, ei[0], ei[1], W_g2, b_g2))
        return h

    h1 = enc(x1, edge_index1)
    h2 = enc(x2, edge_index2)

    # InterExtractor: pattern pooling + cross-graph attention
    pi1 = _pool(h1, batch1, Q_inter, B)
    pi2 = _pool(h2, batch2, Q_inter, B)
    sc = 1.0 / jnp.sqrt(jnp.float32(D))
    a12 = jax.nn.softmax(jnp.einsum('bpd,bqd->bpq', pi1, pi2) * sc, axis=-1)
    f1 = jnp.einsum('bpq,bqd->bpd', a12, pi2)
    a21 = jax.nn.softmax(jnp.einsum('bpd,bqd->bpq', pi2, pi1) * sc, axis=-1)
    f2 = jnp.einsum('bpq,bqd->bpd', a21, pi1)
    f1m = f1.mean(axis=1)
    f2m = f2.mean(axis=1)
    inter1 = (f1m - f1m.mean(axis=1, keepdims=True)) / jnp.std(f1m, axis=1, keepdims=True, ddof=1)
    inter2 = (f2m - f2m.mean(axis=1, keepdims=True)) / jnp.std(f2m, axis=1, keepdims=True, ddof=1)

    # SubExtractor pooling + normalize
    p1 = _pool(h1, batch1, Q_pool, B)
    p2 = _pool(h2, batch2, Q_pool, B)
    p1 = p1 / jnp.maximum(jnp.linalg.norm(p1, axis=-1, keepdims=True), 1e-12)
    p2 = p2 / jnp.maximum(jnp.linalg.norm(p2, axis=-1, keepdims=True), 1e-12)

    # predict
    sim = jnp.einsum('bpd,bqd->bpq', p1, p2).reshape(B, -1)
    out = jnp.concatenate([inter1, inter2, sim], axis=-1)
    h = out @ W_m1 + b_m1
    h = jax.nn.relu(h @ W_m2 + b_m2)
    h = jax.nn.relu(h @ W_m3 + b_m3)
    score = (h @ W_m4 + b_m4).squeeze(-1)
    return score

if __name__ == "__main__":
    import jax
    _d = setup_inputs()
    print(jax.jit(kernel)(*tuple(_d.values())))

</pallas_src>

<mosaic_0001>
#map = affine_map<(d0, d1) -> (0, 0)>
#map1 = affine_map<(d0, d1) -> (0)>
module attributes {stable_mosaic.version = 14 : i64} {
  func.func @_sc_degree_body(%arg0: i32, %arg1: i32, %arg2: memref<5120x128xi32, #tpu.memory_space<hbm>>, %arg3: memref<327680xf32, #tpu.memory_space<hbm>>, %arg4: memref<10240xf32, #tpu.memory_space<vmem>>, %arg5: memref<16x128xi32, #tpu.memory_space<vmem>>) attributes {dimension_semantics = [#tpu.dimension_semantics<core_parallel>, #tpu.dimension_semantics<subcore_parallel>], iteration_bounds = array<i64: 2, 16>, scalar_prefetch = 0 : i64, scratch_operands = 2 : i64, tpu.core_type = #tpu.core_type<sc_vector_subcore>, window_params = [{transform_indices = #map}, {transform_indices = #map1}]} {
    %broadcast_in_dim3A = arith.constant 0.000000e+00 : f32
    %broadcast_in_dim3A_0 = vector.broadcast %broadcast_in_dim3A : f32 to vector<16xf32>
    %broadcast_in_dim3A_1 = arith.constant 1.000000e+00 : f32
    %broadcast_in_dim3A_2 = vector.broadcast %broadcast_in_dim3A_1 : f32 to vector<16xf32>
    %scan3A = arith.constant 0 : i32
    %scan3A_3 = arith.constant 0 : i32
    %scan3A_4 = arith.constant 640 : i32
    %scan3A_5 = arith.addi %scan3A_3, %scan3A_4 : i32
    %scan3A_6 = arith.constant 1 : i32
    %scan3A_7 = scf.for %scan3A_24 = %scan3A_3 to %scan3A_5 step %scan3A_6 iter_args(%scan3A_25 = %scan3A) -> (i32)  : i32 {
      %mul3A_26 = arith.constant 16 : i32
      %mul3A_27 = arith.muli %scan3A_24, %mul3A_26 : i32
      %swap3A = arith.index_cast %mul3A_27 : i32 to index
      %swap3A_28 = tpu.vector_load %arg4[%swap3A] {strides = array<i32>} : memref<10240xf32, #tpu.memory_space<vmem>>, vector<16xf32>,
      tpu.vector_store %arg4[%swap3A], %broadcast_in_dim3A_0 {strides = array<i32>} : memref<10240xf32, #tpu.memory_space<vmem>>, vector<16xf32>,
      %scan3A_29 = arith.constant 0 : i32
      scf.yield %scan3A_29 : i32
    }
    %scan3A_8 = arith.constant 640 : i32
    %mul3A = arith.constant 16 : i32
    %mul3A_9 = arith.muli %arg0, %mul3A : i32
    %add3A = arith.addi %mul3A_9, %arg1 : i32
    %mul3A_10 = arith.constant 160 : i32
    %mul3A_11 = arith.muli %add3A, %mul3A_10 : i32
    %scan3A_12 = arith.constant 0 : i32
    %scan3A_13 = arith.constant 0 : i32
    %scan3A_14 = arith.constant 10 : i32
    %scan3A_15 = arith.addi %scan3A_13, %scan3A_14 : i32
    %scan3A_16 = arith.constant 1 : i32
    %scan3A_17 = scf.for %scan3A_24 = %scan3A_13 to %scan3A_15 step %scan3A_16 iter_args(%scan3A_25 = %scan3A_12) -> (i32)  : i32 {
      %mul3A_26 = arith.constant 16 : i32
      %mul3A_27 = arith.muli %scan3A_24, %mul3A_26 : i32
      %add3A_28 = arith.addi %mul3A_11, %mul3A_27 : i32
      "tpu.region"() ({
        %run_scoped3A = tpu.sem_alloc : memref<!tpu.dma_semaphore, #tpu.memory_space<semaphore_mem>>
        %dma_start3A = arith.constant 0 : i32
        %dma_start3A_37 = tpu.memref_slice %arg2[%add3A_28, %dma_start3A] : memref<5120x128xi32, #tpu.memory_space<hbm>> -> memref<16x128xi32, #tpu.memory_space<hbm>>
        %dma_start3A_38 = arith.constant 0 : i32
        %dma_start3A_39 = tpu.memref_slice %arg2[%add3A_28, %dma_start3A_38] : memref<5120x128xi32, #tpu.memory_space<hbm>> -> memref<16x128xi32, #tpu.memory_space<hbm>>
        tpu.enqueue_dma source(%dma_start3A_39 : memref<16x128xi32, #tpu.memory_space<hbm>>) target(%arg5 : memref<16x128xi32, #tpu.memory_space<vmem>>) target_semaphore(%run_scoped3A : memref<!tpu.dma_semaphore, #tpu.memory_space<semaphore_mem>>)
        %dma_wait3A = arith.constant 0 : i32
        %dma_wait3A_40 = tpu.memref_slice %arg2[%add3A_28, %dma_wait3A] : memref<5120x128xi32, #tpu.memory_space<hbm>> -> memref<16x128xi32, #tpu.memory_space<hbm>>
        %dma_wait3A_41 = arith.constant 0 : i32
        %dma_wait3A_42 = tpu.memref_slice %arg2[%add3A_28, %dma_wait3A_41] : memref<5120x128xi32, #tpu.memory_space<hbm>> -> memref<16x128xi32, #tpu.memory_space<hbm>>
        tpu.wait_dma2 semaphore(%run_scoped3A : memref<!tpu.dma_semaphore, #tpu.memory_space<semaphore_mem>>) src(%dma_wait3A_42 : memref<16x128xi32, #tpu.memory_space<hbm>>) dst(%arg5 : memref<16x128xi32, #tpu.memory_space<vmem>>)
        tpu.yield
      }) : () -> ()
      %scan3A_29 = arith.constant 0 : i32
      %scan3A_30 = arith.constant 0 : i32
      %scan3A_31 = arith.constant 128 : i32
      %scan3A_32 = arith.addi %scan3A_30, %scan3A_31 : i32
      %scan3A_33 = arith.constant 1 : i32
      %scan3A_34 = scf.for %scan3A_37 = %scan3A_30 to %scan3A_32 step %scan3A_33 iter_args(%scan3A_38 = %scan3A_29) -> (i32)  : i32 {
        %jit3A = arith.constant 8 : i32
        %div3A = arith.divsi %scan3A_37, %jit3A : i32
        %sign3A = arith.constant 0 : i32
        %sign3A_39 = arith.cmpi sgt, %scan3A_37, %sign3A : i32
        %sign3A_40 = arith.extui %sign3A_39 : i1 to i32
        %sign3A_41 = arith.constant 0 : i32
        %sign3A_42 = arith.cmpi slt, %scan3A_37, %sign3A_41 : i32
        %sign3A_43 = arith.extui %sign3A_42 : i1 to i32
        %sign3A_44 = arith.subi %sign3A_40, %sign3A_43 : i32
        %sign3A_45 = arith.constant 0 : i32
        %sign3A_46 = arith.cmpi sgt, %jit3A, %sign3A_45 : i32
        %sign3A_47 = arith.extui %sign3A_46 : i1 to i32
        %sign3A_48 = arith.constant 0 : i32
        %sign3A_49 = arith.cmpi slt, %jit3A, %sign3A_48 : i32
        %sign3A_50 = arith.extui %sign3A_49 : i1 to i32
        %sign3A_51 = arith.subi %sign3A_47, %sign3A_50 : i32
        %ne3A = arith.cmpi ne, %sign3A_44, %sign3A_51 : i32
        %rem3A = arith.remsi %scan3A_37, %jit3A : i32
        %ne3A_52 = arith.constant 0 : i32
        %ne3A_53 = arith.cmpi ne, %rem3A, %ne3A_52 : i32
        %and3A = arith.andi %ne3A, %ne3A_53 : i1
        %sub3A = arith.constant 1 : i32
        %sub3A_54 = arith.subi %div3A, %sub3A : i32
        %select_n3A = arith.select %and3A, %sub3A_54, %div3A : i32
        %jit3A_55 = arith.constant 8 : i32
        %eq3A = arith.constant 0 : i32
        %eq3A_56 = arith.cmpi eq, %jit3A_55, %eq3A : i32
        %jit3A_57 = arith.constant 1 : i32
        %select_n3A_58 = arith.select %eq3A_56, %jit3A_57, %jit3A_55 : i32
        %rem3A_59 = arith.remsi %scan3A_37, %select_n3A_58 : i32
        %ne3A_60 = arith.constant 0 : i32
        %ne3A_61 = arith.cmpi ne, %rem3A_59, %ne3A_60 : i32
        %lt3A = arith.constant 0 : i32
        %lt3A_62 = arith.cmpi slt, %rem3A_59, %lt3A : i32
        %lt3A_63 = arith.constant 0 : i32
        %lt3A_64 = arith.cmpi slt, %select_n3A_58, %lt3A_63 : i32
        %ne3A_65 = arith.xori %lt3A_62, %lt3A_64 : i1
        %and3A_66 = arith.andi %ne3A_65, %ne3A_61 : i1
        %add3A_67 = arith.addi %rem3A_59, %select_n3A_58 : i32
        %select_n3A_68 = arith.select %and3A_66, %add3A_67, %rem3A_59 : i32
        %mul3A_69 = arith.constant 16 : i32
        %mul3A_70 = arith.muli %select_n3A_68, %mul3A_69 : i32
        %get3A = arith.index_cast %select_n3A : i32 to index
        %get3A_71 = arith.index_cast %mul3A_70 : i32 to index
        %get3A_72 = tpu.vector_load %arg5[%get3A, %get3A_71] {strides = array<i32>} : memref<16x128xi32, #tpu.memory_space<vmem>>, vector<16xi32>,
        tpu.vector_store_idx %arg4[%get3A_72], %broadcast_in_dim3A_2 {add = true} : memref<10240xf32, #tpu.memory_space<vmem>>[vector<16xi32>], vector<16xf32>,
        %scan3A_73 = arith.constant 0 : i32
        scf.yield %scan3A_73 : i32
      }
      %scan3A_35 = arith.constant 128 : i32
      %scan3A_36 = arith.constant 0 : i32
      scf.yield %scan3A_36 : i32
    }
    %scan3A_18 = arith.constant 10 : i32
    %mul3A_19 = arith.constant 16 : i32
    %mul3A_20 = arith.muli %arg0, %mul3A_19 : i32
    %add3A_21 = arith.addi %mul3A_20, %arg1 : i32
    %mul3A_22 = arith.constant 10240 : i32
    %mul3A_23 = arith.muli %add3A_21, %mul3A_22 : i32
    "tpu.region"() ({
      %run_scoped3A = tpu.sem_alloc : memref<!tpu.dma_semaphore, #tpu.memory_space<semaphore_mem>>
      %dma_start3A = tpu.memref_slice %arg3[%mul3A_23] : memref<327680xf32, #tpu.memory_space<hbm>> -> memref<10240xf32, #tpu.memory_space<hbm>>
      %dma_start3A_24 = tpu.memref_slice %arg3[%mul3A_23] : memref<327680xf32, #tpu.memory_space<hbm>> -> memref<10240xf32, #tpu.memory_space<hbm>>
      tpu.enqueue_dma source(%arg4 : memref<10240xf32, #tpu.memory_space<vmem>>) target(%dma_start3A_24 : memref<10240xf32, #tpu.memory_space<hbm>>) target_semaphore(%run_scoped3A : memref<!tpu.dma_semaphore, #tpu.memory_space<semaphore_mem>>)
      %dma_wait3A = tpu.memref_slice %arg3[%mul3A_23] : memref<327680xf32, #tpu.memory_space<hbm>> -> memref<10240xf32, #tpu.memory_space<hbm>>
      %dma_wait3A_25 = tpu.memref_slice %arg3[%mul3A_23] : memref<327680xf32, #tpu.memory_space<hbm>> -> memref<10240xf32, #tpu.memory_space<hbm>>
      tpu.wait_dma2 semaphore(%run_scoped3A : memref<!tpu.dma_semaphore, #tpu.memory_space<semaphore_mem>>) src(%arg4 : memref<10240xf32, #tpu.memory_space<vmem>>) dst(%dma_wait3A_25 : memref<10240xf32, #tpu.memory_space<hbm>>)
      tpu.yield
    }) : () -> ()
    return
  }
}

#map = affine_map<(d0, d1) -> (0, 0, 0)>
#map1 = affine_map<(d0, d1) -> (0, 0)>
module attributes {stable_mosaic.version = 14 : i64} {
  func.func @_sc_edge_body(%arg0: i32, %arg1: i32, %arg2: memref<2x10240x128xf32, #tpu.memory_space<hbm>>, %arg3: memref<5120x128xi32, #tpu.memory_space<hbm>>, %arg4: memref<5120x128xi32, #tpu.memory_space<hbm>>, %arg5: memref<2x10240x128xf32, #tpu.memory_space<hbm>>, %arg6: memref<10240x128xf32, #tpu.memory_space<vmem_shared>>, %arg7: memref<32x128xf32, #tpu.memory_space<vmem>>, %arg8: memref<40x128xi32, #tpu.memory_space<vmem>>, %arg9: memref<40x128xi32, #tpu.memory_space<vmem>>, %arg10: memref<128x128xf32, #tpu.memory_space<vmem>>, %arg11: memref<128x128xf32, #tpu.memory_space<vmem>>, %arg12: memref<!tpu.dma_semaphore, #tpu.memory_space<semaphore_mem>>, %arg13: memref<!tpu.dma_semaphore, #tpu.memory_space<semaphore_mem>>, %arg14: memref<!tpu.dma_semaphore, #tpu.memory_space<semaphore_mem>>) attributes {dimension_semantics = [#tpu.dimension_semantics<core_parallel>, #tpu.dimension_semantics<subcore_parallel>], iteration_bounds = array<i64: 2, 16>, scalar_prefetch = 0 : i64, scratch_operands = 9 : i64, tpu.core_type = #tpu.core_type<sc_vector_subcore>, window_params = [{transform_indices = #map}, {transform_indices = #map1}, {transform_indices = #map1}, {transform_indices = #map}]} {
    %broadcast_in_dim3A = arith.constant 0.000000e+00 : f32
    %broadcast_in_dim3A_0 = vector.broadcast %broadcast_in_dim3A : f32 to vector<16xf32>
    %mul3A = arith.constant 16 : i32
    %mul3A_1 = arith.muli %arg0, %mul3A : i32
    %add3A = arith.addi %mul3A_1, %arg1 : i32
    %mul3A_2 = arith.constant 160 : i32
    %mul3A_3 = arith.muli %add3A, %mul3A_2 : i32
    %scan3A = arith.constant 0 : i32
    %scan3A_4 = arith.constant 0 : i32
    %scan3A_5 = arith.constant 256 : i32
    %scan3A_6 = arith.addi %scan3A_4, %scan3A_5 : i32
    %scan3A_7 = arith.constant 1 : i32
    %scan3A_8 = scf.for %scan3A_36 = %scan3A_4 to %scan3A_6 step %scan3A_7 iter_args(%scan3A_37 = %scan3A) -> (i32)  : i32 {
      %jit3A = arith.constant 8 : i32
      %div3A = arith.divsi %scan3A_36, %jit3A : i32
      %sign3A = arith.constant 0 : i32
      %sign3A_38 = arith.cmpi sgt, %scan3A_36, %sign3A : i32
      %sign3A_39 = arith.extui %sign3A_38 : i1 to i32
      %sign3A_40 = arith.constant 0 : i32
      %sign3A_41 = arith.cmpi slt, %scan3A_36, %sign3A_40 : i32
      %sign3A_42 = arith.extui %sign3A_41 : i1 to i32
      %sign3A_43 = arith.subi %sign3A_39, %sign3A_42 : i32
      %sign3A_44 = arith.constant 0 : i32
      %sign3A_45 = arith.cmpi sgt, %jit3A, %sign3A_44 : i32
      %sign3A_46 = arith.extui %sign3A_45 : i1 to i32
      %sign3A_47 = arith.constant 0 : i32
      %sign3A_48 = arith.cmpi slt, %jit3A, %sign3A_47 : i32
      %sign3A_49 = arith.extui %sign3A_48 : i1 to i32
      %sign3A_50 = arith.subi %sign3A_46, %sign3A_49 : i32
      %ne3A = arith.cmpi ne, %sign3A_43, %sign3A_50 : i32
      %rem3A = arith.remsi %scan3A_36, %jit3A : i32
      %ne3A_51 = arith.constant 0 : i32
      %ne3A_52 = arith.cmpi ne, %rem3A, %ne3A_51 : i32
      %and3A = arith.andi %ne3A, %ne3A_52 : i1
      %sub3A = arith.constant 1 : i32
      %sub3A_53 = arith.subi %div3A, %sub3A : i32
      %select_n3A = arith.select %and3A, %sub3A_53, %div3A : i32
      %jit3A_54 = arith.constant 8 : i32
      %eq3A = arith.constant 0 : i32
      %eq3A_55 = arith.cmpi eq, %jit3A_54, %eq3A : i32
      %jit3A_56 = arith.constant 1 : i32
      %select_n3A_57 = arith.select %eq3A_55, %jit3A_56, %jit3A_54 : i32
      %rem3A_58 = arith.remsi %scan3A_36, %select_n3A_57 : i32
      %ne3A_59 = arith.constant 0 : i32
      %ne3A_60 = arith.cmpi ne, %rem3A_58, %ne3A_59 : i32
      %lt3A = arith.constant 0 : i32
      %lt3A_61 = arith.cmpi slt, %rem3A_58, %lt3A : i32
      %lt3A_62 = arith.constant 0 : i32
      %lt3A_63 = arith.cmpi slt, %select_n3A_57, %lt3A_62 : i32
      %ne3A_64 = arith.xori %lt3A_61, %lt3A_63 : i1
      %and3A_65 = arith.andi %ne3A_64, %ne3A_60 : i1
      %add3A_66 = arith.addi %rem3A_58, %select_n3A_57 : i32
      %select_n3A_67 = arith.select %and3A_65, %add3A_66, %rem3A_58 : i32
      %mul3A_68 = arith.constant 16 : i32
      %mul3A_69 = arith.muli %select_n3A_67, %mul3A_68 : i32
      %swap3A = arith.index_cast %select_n3A : i32 to index
      %swap3A_70 = arith.index_cast %mul3A_69 : i32 to index
      %swap3A_71 = tpu.vector_load %arg7[%swap3A, %swap3A_70] {strides = array<i32>} : memref<32x128xf32, #tpu.memory_space<vmem>>, vector<16xf32>,
      tpu.vector_store %arg7[%swap3A, %swap3A_70], %broadcast_in_dim3A_0 {strides = array<i32>} : memref<32x128xf32, #tpu.memory_space<vmem>>, vector<16xf32>,
      %scan3A_72 = arith.constant 0 : i32
      scf.yield %scan3A_72 : i32
    }
    %scan3A_9 = arith.constant 256 : i32
    %scan3A_10 = arith.constant 0 : i32
    %scan3A_11 = arith.constant 0 : i32
    %scan3A_12 = arith.constant 20 : i32
    %scan3A_13 = arith.addi %scan3A_11, %scan3A_12 : i32
    %scan3A_14 = arith.constant 1 : i32
    %scan3A_15 = scf.for %scan3A_36 = %scan3A_11 to %scan3A_13 step %scan3A_14 iter_args(%scan3A_37 = %scan3A_10) -> (i32)  : i32 {
      %mul3A_38 = arith.constant 640 : i32
      %mul3A_39 = arith.muli %arg1, %mul3A_38 : i32
      %mul3A_40 = arith.constant 32 : i32
      %mul3A_41 = arith.muli %scan3A_36, %mul3A_40 : i32
      %add3A_42 = arith.addi %mul3A_39, %mul3A_41 : i32
      %dma_start3A = arith.constant 0 : i32
      %dma_start3A_43 = tpu.memref_slice %arg6[%add3A_42, %dma_start3A] : memref<10240x128xf32, #tpu.memory_space<vmem_shared>> -> memref<32x128xf32, #tpu.memory_space<vmem_shared>>
      %dma_start3A_44 = arith.constant 0 : i32
      %dma_start3A_45 = tpu.memref_slice %arg6[%add3A_42, %dma_start3A_44] : memref<10240x128xf32, #tpu.memory_space<vmem_shared>> -> memref<32x128xf32, #tpu.memory_space<vmem_shared>>
      tpu.enqueue_dma source(%arg7 : memref<32x128xf32, #tpu.memory_space<vmem>>) target(%dma_start3A_45 : memref<32x128xf32, #tpu.memory_space<vmem_shared>>) target_semaphore(%arg14 : memref<!tpu.dma_semaphore, #tpu.memory_space<semaphore_mem>>)
      %scan3A_46 = arith.constant 0 : i32
      scf.yield %scan3A_46 : i32
    }
    %scan3A_16 = arith.constant 20 : i32
    %scan3A_17 = arith.constant 0 : i32
    %scan3A_18 = arith.constant 0 : i32
    %scan3A_19 = arith.constant 20 : i32
    %scan3A_20 = arith.addi %scan3A_18, %scan3A_19 : i32
    %scan3A_21 = arith.constant 1 : i32
    %scan3A_22 = scf.for %scan3A_36 = %scan3A_18 to %scan3A_20 step %scan3A_21 iter_args(%scan3A_37 = %scan3A_17) -> (i32)  : i32 {
      %mul3A_38 = arith.constant 640 : i32
      %mul3A_39 = arith.muli %arg1, %mul3A_38 : i32
      %mul3A_40 = arith.constant 32 : i32
      %mul3A_41 = arith.muli %scan3A_36, %mul3A_40 : i32
      %add3A_42 = arith.addi %mul3A_39, %mul3A_41 : i32
      %dma_wait3A = arith.constant 0 : i32
      %dma_wait3A_43 = tpu.memref_slice %arg6[%add3A_42, %dma_wait3A] : memref<10240x128xf32, #tpu.memory_space<vmem_shared>> -> memref<32x128xf32, #tpu.memory_space<vmem_shared>>
      %dma_wait3A_44 = arith.constant 0 : i32
      %dma_wait3A_45 = tpu.memref_slice %arg6[%add3A_42, %dma_wait3A_44] : memref<10240x128xf32, #tpu.memory_space<vmem_shared>> -> memref<32x128xf32, #tpu.memory_space<vmem_shared>>
      tpu.wait_dma2 semaphore(%arg14 : memref<!tpu.dma_semaphore, #tpu.memory_space<semaphore_mem>>) src(%arg7 : memref<32x128xf32, #tpu.memory_space<vmem>>) dst(%dma_wait3A_45 : memref<32x128xf32, #tpu.memory_space<vmem_shared>>)
      %scan3A_46 = arith.constant 0 : i32
      scf.yield %scan3A_46 : i32
    }
    %scan3A_23 = arith.constant 20 : i32
    %barrier3A = arith.constant 0 : index
    tpu.barrier barrier_id(%barrier3A)
    %scan3A_24 = arith.constant 0 : i32
    %scan3A_25 = arith.constant 0 : i32
    %scan3A_26 = arith.constant 4 : i32
    %scan3A_27 = arith.addi %scan3A_25, %scan3A_26 : i32
    %scan3A_28 = arith.constant 1 : i32
    %scan3A_29 = scf.for %scan3A_36 = %scan3A_25 to %scan3A_27 step %scan3A_28 iter_args(%scan3A_37 = %scan3A_24) -> (i32)  : i32 {
      %mul3A_38 = arith.constant 40 : i32
      %mul3A_39 = arith.muli %scan3A_36, %mul3A_38 : i32
      %add3A_40 = arith.addi %mul3A_3, %mul3A_39 : i32
      "tpu.region"() ({
        %run_scoped3A = tpu.sem_alloc : memref<!tpu.dma_semaphore, #tpu.memory_space<semaphore_mem>>
        %dma_start3A_62 = arith.constant 0 : i32
        %dma_start3A_63 = tpu.memref_slice %arg3[%add3A_40, %dma_start3A_62] : memref<5120x128xi32, #tpu.memory_space<hbm>> -> memref<40x128xi32, #tpu.memory_space<hbm>>
        %dma_start3A_64 = arith.constant 0 : i32
        %dma_start3A_65 = tpu.memref_slice %arg3[%add3A_40, %dma_start3A_64] : memref<5120x128xi32, #tpu.memory_space<hbm>> -> memref<40x128xi32, #tpu.memory_space<hbm>>
        tpu.enqueue_dma source(%dma_start3A_65 : memref<40x128xi32, #tpu.memory_space<hbm>>) target(%arg8 : memref<40x128xi32, #tpu.memory_space<vmem>>) target_semaphore(%run_scoped3A : memref<!tpu.dma_semaphore, #tpu.memory_space<semaphore_mem>>)
        %dma_wait3A = arith.constant 0 : i32
        %dma_wait3A_66 = tpu.memref_slice %arg3[%add3A_40, %dma_wait3A] : memref<5120x128xi32, #tpu.memory_space<hbm>> -> memref<40x128xi32, #tpu.memory_space<hbm>>
        %dma_wait3A_67 = arith.constant 0 : i32
        %dma_wait3A_68 = tpu.memref_slice %arg3[%add3A_40, %dma_wait3A_67] : memref<5120x128xi32, #tpu.memory_space<hbm>> -> memref<40x128xi32, #tpu.memory_space<hbm>>
        tpu.wait_dma2 semaphore(%run_scoped3A : memref<!tpu.dma_semaphore, #tpu.memory_space<semaphore_mem>>) src(%dma_wait3A_68 : memref<40x128xi32, #tpu.memory_space<hbm>>) dst(%arg8 : memref<40x128xi32, #tpu.memory_space<vmem>>)
        tpu.yield
      }) : () -> ()
      %mul3A_41 = arith.constant 40 : i32
      %mul3A_42 = arith.muli %scan3A_36, %mul3A_41 : i32
      %add3A_43 = arith.addi %mul3A_3, %mul3A_42 : i32
      "tpu.region"() ({
        %run_scoped3A = tpu.sem_alloc : memref<!tpu.dma_semaphore, #tpu.memory_space<semaphore_mem>>
        %dma_start3A_62 = arith.constant 0 : i32
        %dma_start3A_63 = tpu.memref_slice %arg4[%add3A_43, %dma_start3A_62] : memref<5120x128xi32, #tpu.memory_space<hbm>> -> memref<40x128xi32, #tpu.memory_space<hbm>>
        %dma_start3A_64 = arith.constant 0 : i32
        %dma_start3A_65 = tpu.memref_slice %arg4[%add3A_43, %dma_start3A_64] : memref<5120x128xi32, #tpu.memory_space<hbm>> -> memref<40x128xi32, #tpu.memory_space<hbm>>
        tpu.enqueue_dma source(%dma_start3A_65 : memref<40x128xi32, #tpu.memory_space<hbm>>) target(%arg9 : memref<40x128xi32, #tpu.memory_space<vmem>>) target_semaphore(%run_scoped3A : memref<!tpu.dma_semaphore, #tpu.memory_space<semaphore_mem>>)
        %dma_wait3A = arith.constant 0 : i32
        %dma_wait3A_66 = tpu.memref_slice %arg4[%add3A_43, %dma_wait3A] : memref<5120x128xi32, #tpu.memory_space<hbm>> -> memref<40x128xi32, #tpu.memory_space<hbm>>
        %dma_wait3A_67 = arith.constant 0 : i32
        %dma_wait3A_68 = tpu.memref_slice %arg4[%add3A_43, %dma_wait3A_67] : memref<5120x128xi32, #tpu.memory_space<hbm>> -> memref<40x128xi32, #tpu.memory_space<hbm>>
        tpu.wait_dma2 semaphore(%run_scoped3A : memref<!tpu.dma_semaphore, #tpu.memory_space<semaphore_mem>>) src(%dma_wait3A_68 : memref<40x128xi32, #tpu.memory_space<hbm>>) dst(%arg9 : memref<40x128xi32, #tpu.memory_space<vmem>>)
        tpu.yield
      }) : () -> ()
      %dma_start3A = arith.constant 0 : i32
      %dma_start3A_44 = arith.constant 0 : i32
      %dma_start3A_45 = tpu.memref_slice %arg8[%dma_start3A, %dma_start3A_44] : memref<40x128xi32, #tpu.memory_space<vmem>> -> memref<1x128xi32, #tpu.memory_space<vmem>>
      %dma_start3A_46 = tpu.memref_squeeze %dma_start3A_45 : memref<1x128xi32, #tpu.memory_space<vmem>> -> memref<128xi32, #tpu.memory_space<vmem>>
      %dma_start3A_47 = arith.constant 0 : i32
      %dma_start3A_48 = arith.constant 0 : i32
      %dma_start3A_49 = tpu.memref_slice %arg2[%arg0, %dma_start3A_47, %dma_start3A_48] : memref<2x10240x128xf32, #tpu.memory_space<hbm>> -> memref<1x10240x128xf32, #tpu.memory_space<hbm>>
      %dma_start3A_50 = tpu.memref_squeeze %dma_start3A_49 : memref<1x10240x128xf32, #tpu.memory_space<hbm>> -> memref<10240x128xf32, #tpu.memory_space<hbm>>
      %dma_start3A_51 = arith.constant 0 : i32
      %dma_start3A_52 = arith.constant 0 : i32
      %dma_start3A_53 = tpu.memref_slice %dma_start3A_50[%dma_start3A_51, %dma_start3A_52] : memref<10240x128xf32, #tpu.memory_space<hbm>> -> memref<10240x128xf32, #tpu.memory_space<hbm>>
      tpu.enqueue_indirect_dma source(%dma_start3A_53 : memref<10240x128xf32, #tpu.memory_space<hbm>>) target(%arg10 : memref<128x128xf32, #tpu.memory_space<vmem>>) offsets(%dma_start3A_46 : memref<128xi32, #tpu.memory_space<vmem>>) semaphore(%arg12 : memref<!tpu.dma_semaphore, #tpu.memory_space<semaphore_mem>>)
      %scan3A_54 = arith.constant 0 : i32
      %scan3A_55 = arith.constant 0 : i32
      %scan3A_56 = arith.constant 20 : i32
      %scan3A_57 = arith.addi %scan3A_55, %scan3A_56 : i32
      %scan3A_58 = arith.constant 1 : i32
      %scan3A_59 = scf.for %scan3A_62 = %scan3A_55 to %scan3A_57 step %scan3A_58 iter_args(%scan3A_63 = %scan3A_54) -> (i32)  : i32 {
        %mul3A_64 = arith.constant 2 : i32
        %mul3A_65 = arith.muli %mul3A_64, %scan3A_62 : i32
        %add3A_66 = arith.constant 1 : i32
        %add3A_67 = arith.addi %mul3A_65, %add3A_66 : i32
        %dma_start3A_68 = arith.constant 0 : i32
        %dma_start3A_69 = tpu.memref_slice %arg8[%add3A_67, %dma_start3A_68] : memref<40x128xi32, #tpu.memory_space<vmem>> -> memref<1x128xi32, #tpu.memory_space<vmem>>
        %dma_start3A_70 = tpu.memref_squeeze %dma_start3A_69 : memref<1x128xi32, #tpu.memory_space<vmem>> -> memref<128xi32, #tpu.memory_space<vmem>>
        %dma_start3A_71 = arith.constant 0 : i32
        %dma_start3A_72 = arith.constant 0 : i32
        %dma_start3A_73 = tpu.memref_slice %arg2[%arg0, %dma_start3A_71, %dma_start3A_72] : memref<2x10240x128xf32, #tpu.memory_space<hbm>> -> memref<1x10240x128xf32, #tpu.memory_space<hbm>>
        %dma_start3A_74 = tpu.memref_squeeze %dma_start3A_73 : memref<1x10240x128xf32, #tpu.memory_space<hbm>> -> memref<10240x128xf32, #tpu.memory_space<hbm>>
        %dma_start3A_75 = arith.constant 0 : i32
        %dma_start3A_76 = arith.constant 0 : i32
        %dma_start3A_77 = tpu.memref_slice %dma_start3A_74[%dma_start3A_75, %dma_start3A_76] : memref<10240x128xf32, #tpu.memory_space<hbm>> -> memref<10240x128xf32, #tpu.memory_space<hbm>>
        tpu.enqueue_indirect_dma source(%dma_start3A_77 : memref<10240x128xf32, #tpu.memory_space<hbm>>) target(%arg11 : memref<128x128xf32, #tpu.memory_space<vmem>>) offsets(%dma_start3A_70 : memref<128xi32, #tpu.memory_space<vmem>>) semaphore(%arg13 : memref<!tpu.dma_semaphore, #tpu.memory_space<semaphore_mem>>)
        %dma_wait3A = arith.constant 0 : i32
        %dma_wait3A_78 = tpu.memref_slice %arg8[%mul3A_65, %dma_wait3A] : memref<40x128xi32, #tpu.memory_space<vmem>> -> memref<1x128xi32, #tpu.memory_space<vmem>>
        %dma_wait3A_79 = tpu.memref_squeeze %dma_wait3A_78 : memref<1x128xi32, #tpu.memory_space<vmem>> -> memref<128xi32, #tpu.memory_space<vmem>>
        %dma_wait3A_80 = arith.constant 0 : i32
        %dma_wait3A_81 = arith.constant 0 : i32
        %dma_wait3A_82 = tpu.memref_slice %arg2[%arg0, %dma_wait3A_80, %dma_wait3A_81] : memref<2x10240x128xf32, #tpu.memory_space<hbm>> -> memref<1x10240x128xf32, #tpu.memory_space<hbm>>
        %dma_wait3A_83 = tpu.memref_squeeze %dma_wait3A_82 : memref<1x10240x128xf32, #tpu.memory_space<hbm>> -> memref<10240x128xf32, #tpu.memory_space<hbm>>
        %dma_wait3A_84 = arith.constant 0 : i32
        %dma_wait3A_85 = arith.constant 0 : i32
        %dma_wait3A_86 = tpu.memref_slice %dma_wait3A_83[%dma_wait3A_84, %dma_wait3A_85] : memref<10240x128xf32, #tpu.memory_space<hbm>> -> memref<10240x128xf32, #tpu.memory_space<hbm>>
        tpu.wait_indirect_dma semaphore(%arg12 : memref<!tpu.dma_semaphore, #tpu.memory_space<semaphore_mem>>) src(%dma_wait3A_86 : memref<10240x128xf32, #tpu.memory_space<hbm>>) dst(%arg10 : memref<128x128xf32, #tpu.memory_space<vmem>>)
        "tpu.region"() ({
          %run_scoped3A = tpu.sem_alloc : memref<!tpu.dma_semaphore, #tpu.memory_space<semaphore_mem>>
          %dma_start3A_104 = arith.constant 0 : i32
          %dma_start3A_105 = tpu.memref_slice %arg9[%mul3A_65, %dma_start3A_104] : memref<40x128xi32, #tpu.memory_space<vmem>> -> memref<1x128xi32, #tpu.memory_space<vmem>>
          %dma_start3A_106 = tpu.memref_squeeze %dma_start3A_105 : memref<1x128xi32, #tpu.memory_space<vmem>> -> memref<128xi32, #tpu.memory_space<vmem>>
          %dma_start3A_107 = arith.constant 0 : i32
          %dma_start3A_108 = arith.constant 0 : i32
          %dma_start3A_109 = tpu.memref_slice %arg6[%dma_start3A_107, %dma_start3A_108] : memref<10240x128xf32, #tpu.memory_space<vmem_shared>> -> memref<10240x128xf32, #tpu.memory_space<vmem_shared>>
          tpu.enqueue_indirect_dma source(%arg10 : memref<128x128xf32, #tpu.memory_space<vmem>>) target(%dma_start3A_109 : memref<10240x128xf32, #tpu.memory_space<vmem_shared>>) offsets(%dma_start3A_106 : memref<128xi32, #tpu.memory_space<vmem>>) semaphore(%run_scoped3A : memref<!tpu.dma_semaphore, #tpu.memory_space<semaphore_mem>>) {add = true}
          %dma_wait3A_110 = arith.constant 0 : i32
          %dma_wait3A_111 = tpu.memref_slice %arg9[%mul3A_65, %dma_wait3A_110] : memref<40x128xi32, #tpu.memory_space<vmem>> -> memref<1x128xi32, #tpu.memory_space<vmem>>
          %dma_wait3A_112 = tpu.memref_squeeze %dma_wait3A_111 : memref<1x128xi32, #tpu.memory_space<vmem>> -> memref<128xi32, #tpu.memory_space<vmem>>
          %dma_wait3A_113 = arith.constant 0 : i32
          %dma_wait3A_114 = arith.constant 0 : i32
          %dma_wait3A_115 = tpu.memref_slice %arg6[%dma_wait3A_113, %dma_wait3A_114] : memref<10240x128xf32, #tpu.memory_space<vmem_shared>> -> memref<10240x128xf32, #tpu.memory_space<vmem_shared>>
          tpu.wait_indirect_dma semaphore(%run_scoped3A : memref<!tpu.dma_semaphore, #tpu.memory_space<semaphore_mem>>) src(%arg10 : memref<128x128xf32, #tpu.memory_space<vmem>>) dst(%dma_wait3A_115 : memref<10240x128xf32, #tpu.memory_space<vmem_shared>>)
          tpu.yield
        }) : () -> ()
        %add3A_87 = arith.constant 1 : i32
        %add3A_88 = arith.addi %scan3A_62, %add3A_87 : i32
        %lt3A = arith.constant 20 : i32
        %lt3A_89 = arith.cmpi slt, %add3A_88, %lt3A : i32
        %convert_element_type3A = arith.extui %lt3A_89 : i1 to i32
        %cond3A = arith.constant 0 : i32
        %cond3A_90 = arith.cmpi ne, %convert_element_type3A, %cond3A : i32
        scf.if %cond3A_90 {
          %add3A_104 = arith.constant 2 : i32
          %add3A_105 = arith.addi %mul3A_65, %add3A_104 : i32
          %dma_start3A_106 = arith.constant 0 : i32
          %dma_start3A_107 = tpu.memref_slice %arg8[%add3A_105, %dma_start3A_106] : memref<40x128xi32, #tpu.memory_space<vmem>> -> memref<1x128xi32, #tpu.memory_space<vmem>>
          %dma_start3A_108 = tpu.memref_squeeze %dma_start3A_107 : memref<1x128xi32, #tpu.memory_space<vmem>> -> memref<128xi32, #tpu.memory_space<vmem>>
          %dma_start3A_109 = arith.constant 0 : i32
          %dma_start3A_110 = arith.constant 0 : i32
          %dma_start3A_111 = tpu.memref_slice %arg2[%arg0, %dma_start3A_109, %dma_start3A_110] : memref<2x10240x128xf32, #tpu.memory_space<hbm>> -> memref<1x10240x128xf32, #tpu.memory_space<hbm>>
          %dma_start3A_112 = tpu.memref_squeeze %dma_start3A_111 : memref<1x10240x128xf32, #tpu.memory_space<hbm>> -> memref<10240x128xf32, #tpu.memory_space<hbm>>
          %dma_start3A_113 = arith.constant 0 : i32
          %dma_start3A_114 = arith.constant 0 : i32
          %dma_start3A_115 = tpu.memref_slice %dma_start3A_112[%dma_start3A_113, %dma_start3A_114] : memref<10240x128xf32, #tpu.memory_space<hbm>> -> memref<10240x128xf32, #tpu.memory_space<hbm>>
          tpu.enqueue_indirect_dma source(%dma_start3A_115 : memref<10240x128xf32, #tpu.memory_space<hbm>>) target(%arg10 : memref<128x128xf32, #tpu.memory_space<vmem>>) offsets(%dma_start3A_108 : memref<128xi32, #tpu.memory_space<vmem>>) semaphore(%arg12 : memref<!tpu.dma_semaphore, #tpu.memory_space<semaphore_mem>>)
        } else {
        }
        %dma_wait3A_91 = arith.constant 0 : i32
        %dma_wait3A_92 = tpu.memref_slice %arg8[%add3A_67, %dma_wait3A_91] : memref<40x128xi32, #tpu.memory_space<vmem>> -> memref<1x128xi32, #tpu.memory_space<vmem>>
        %dma_wait3A_93 = tpu.memref_squeeze %dma_wait3A_92 : memref<1x128xi32, #tpu.memory_space<vmem>> -> memref<128xi32, #tpu.memory_space<vmem>>
        %dma_wait3A_94 = arith.constant 0 : i32
        %dma_wait3A_95 = arith.constant 0 : i32
        %dma_wait3A_96 = tpu.memref_slice %arg2[%arg0, %dma_wait3A_94, %dma_wait3A_95] : memref<2x10240x128xf32, #tpu.memory_space<hbm>> -> memref<1x10240x128xf32, #tpu.memory_space<hbm>>
        %dma_wait3A_97 = tpu.memref_squeeze %dma_wait3A_96 : memref<1x10240x128xf32, #tpu.memory_space<hbm>> -> memref<10240x128xf32, #tpu.memory_space<hbm>>
        %dma_wait3A_98 = arith.constant 0 : i32
        %dma_wait3A_99 = arith.constant 0 : i32
        %dma_wait3A_100 = tpu.memref_slice %dma_wait3A_97[%dma_wait3A_98, %dma_wait3A_99] : memref<10240x128xf32, #tpu.memory_space<hbm>> -> memref<10240x128xf32, #tpu.memory_space<hbm>>
        tpu.wait_indirect_dma semaphore(%arg13 : memref<!tpu.dma_semaphore, #tpu.memory_space<semaphore_mem>>) src(%dma_wait3A_100 : memref<10240x128xf32, #tpu.memory_space<hbm>>) dst(%arg11 : memref<128x128xf32, #tpu.memory_space<vmem>>)
        %add3A_101 = arith.constant 1 : i32
        %add3A_102 = arith.addi %mul3A_65, %add3A_101 : i32
        "tpu.region"() ({
          %run_scoped3A = tpu.sem_alloc : memref<!tpu.dma_semaphore, #tpu.memory_space<semaphore_mem>>
          %dma_start3A_104 = arith.constant 0 : i32
          %dma_start3A_105 = tpu.memref_slice %arg9[%add3A_102, %dma_start3A_104] : memref<40x128xi32, #tpu.memory_space<vmem>> -> memref<1x128xi32, #tpu.memory_space<vmem>>
          %dma_start3A_106 = tpu.memref_squeeze %dma_start3A_105 : memref<1x128xi32, #tpu.memory_space<vmem>> -> memref<128xi32, #tpu.memory_space<vmem>>
          %dma_start3A_107 = arith.constant 0 : i32
          %dma_start3A_108 = arith.constant 0 : i32
          %dma_start3A_109 = tpu.memref_slice %arg6[%dma_start3A_107, %dma_start3A_108] : memref<10240x128xf32, #tpu.memory_space<vmem_shared>> -> memref<10240x128xf32, #tpu.memory_space<vmem_shared>>
          tpu.enqueue_indirect_dma source(%arg11 : memref<128x128xf32, #tpu.memory_space<vmem>>) target(%dma_start3A_109 : memref<10240x128xf32, #tpu.memory_space<vmem_shared>>) offsets(%dma_start3A_106 : memref<128xi32, #tpu.memory_space<vmem>>) semaphore(%run_scoped3A : memref<!tpu.dma_semaphore, #tpu.memory_space<semaphore_mem>>) {add = true}
          %dma_wait3A_110 = arith.constant 0 : i32
          %dma_wait3A_111 = tpu.memref_slice %arg9[%add3A_102, %dma_wait3A_110] : memref<40x128xi32, #tpu.memory_space<vmem>> -> memref<1x128xi32, #tpu.memory_space<vmem>>
          %dma_wait3A_112 = tpu.memref_squeeze %dma_wait3A_111 : memref<1x128xi32, #tpu.memory_space<vmem>> -> memref<128xi32, #tpu.memory_space<vmem>>
          %dma_wait3A_113 = arith.constant 0 : i32
          %dma_wait3A_114 = arith.constant 0 : i32
          %dma_wait3A_115 = tpu.memref_slice %arg6[%dma_wait3A_113, %dma_wait3A_114] : memref<10240x128xf32, #tpu.memory_space<vmem_shared>> -> memref<10240x128xf32, #tpu.memory_space<vmem_shared>>
          tpu.wait_indirect_dma semaphore(%run_scoped3A : memref<!tpu.dma_semaphore, #tpu.memory_space<semaphore_mem>>) src(%arg11 : memref<128x128xf32, #tpu.memory_space<vmem>>) dst(%dma_wait3A_115 : memref<10240x128xf32, #tpu.memory_space<vmem_shared>>)
          tpu.yield
        }) : () -> ()
        %scan3A_103 = arith.constant 0 : i32
        scf.yield %scan3A_103 : i32
      }
      %scan3A_60 = arith.constant 20 : i32
      %scan3A_61 = arith.constant 0 : i32
      scf.yield %scan3A_61 : i32
    }
    %scan3A_30 = arith.constant 4 : i32
    %barrier3A_31 = arith.constant 0 : index
    tpu.barrier barrier_id(%barrier3A_31)
    %mul3A_32 = arith.constant 640 : i32
    %mul3A_33 = arith.muli %arg1, %mul3A_32 : i32
    %mul3A_34 = arith.constant 640 : i32
    %mul3A_35 = arith.muli %arg1, %mul3A_34 : i32
    "tpu.region"() ({
      %run_scoped3A = tpu.sem_alloc : memref<!tpu.dma_semaphore, #tpu.memory_space<semaphore_mem>>
      %dma_start3A = arith.constant 0 : i32
      %dma_start3A_36 = tpu.memref_slice %arg5[%arg0, %mul3A_35, %dma_start3A] : memref<2x10240x128xf32, #tpu.memory_space<hbm>> -> memref<1x640x128xf32, #tpu.memory_space<hbm>>
      %dma_start3A_37 = tpu.memref_squeeze %dma_start3A_36 : memref<1x640x128xf32, #tpu.memory_space<hbm>> -> memref<640x128xf32, #tpu.memory_space<hbm>>
      %dma_start3A_38 = arith.constant 0 : i32
      %dma_start3A_39 = tpu.memref_slice %arg6[%mul3A_33, %dma_start3A_38] : memref<10240x128xf32, #tpu.memory_space<vmem_shared>> -> memref<640x128xf32, #tpu.memory_space<vmem_shared>>
      tpu.enqueue_dma source(%dma_start3A_39 : memref<640x128xf32, #tpu.memory_space<vmem_shared>>) target(%dma_start3A_37 : memref<640x128xf32, #tpu.memory_space<hbm>>) target_semaphore(%run_scoped3A : memref<!tpu.dma_semaphore, #tpu.memory_space<semaphore_mem>>)
      %dma_wait3A = arith.constant 0 : i32
      %dma_wait3A_40 = tpu.memref_slice %arg5[%arg0, %mul3A_35, %dma_wait3A] : memref<2x10240x128xf32, #tpu.memory_space<hbm>> -> memref<1x640x128xf32, #tpu.memory_space<hbm>>
      %dma_wait3A_41 = tpu.memref_squeeze %dma_wait3A_40 : memref<1x640x128xf32, #tpu.memory_space<hbm>> -> memref<640x128xf32, #tpu.memory_space<hbm>>
      %dma_wait3A_42 = arith.constant 0 : i32
      %dma_wait3A_43 = tpu.memref_slice %arg6[%mul3A_33, %dma_wait3A_42] : memref<10240x128xf32, #tpu.memory_space<vmem_shared>> -> memref<640x128xf32, #tpu.memory_space<vmem_shared>>
      tpu.wait_dma2 semaphore(%run_scoped3A : memref<!tpu.dma_semaphore, #tpu.memory_space<semaphore_mem>>) src(%dma_wait3A_43 : memref<640x128xf32, #tpu.memory_space<vmem_shared>>) dst(%dma_wait3A_41 : memref<640x128xf32, #tpu.memory_space<hbm>>)
      tpu.yield
    }) : () -> ()
    return
  }
}

#map = affine_map<(d0, d1) -> (0, 0, 0)>
#map1 = affine_map<(d0, d1) -> (0, 0)>
module attributes {stable_mosaic.version = 14 : i64} {
  func.func @_sc_edge_body(%arg0: i32, %arg1: i32, %arg2: memref<2x10240x128xf32, #tpu.memory_space<hbm>>, %arg3: memref<5120x128xi32, #tpu.memory_space<hbm>>, %arg4: memref<5120x128xi32, #tpu.memory_space<hbm>>, %arg5: memref<2x10240x128xf32, #tpu.memory_space<hbm>>, %arg6: memref<10240x128xf32, #tpu.memory_space<vmem_shared>>, %arg7: memref<32x128xf32, #tpu.memory_space<vmem>>, %arg8: memref<40x128xi32, #tpu.memory_space<vmem>>, %arg9: memref<40x128xi32, #tpu.memory_space<vmem>>, %arg10: memref<128x128xf32, #tpu.memory_space<vmem>>, %arg11: memref<128x128xf32, #tpu.memory_space<vmem>>, %arg12: memref<!tpu.dma_semaphore, #tpu.memory_space<semaphore_mem>>, %arg13: memref<!tpu.dma_semaphore, #tpu.memory_space<semaphore_mem>>, %arg14: memref<!tpu.dma_semaphore, #tpu.memory_space<semaphore_mem>>) attributes {dimension_semantics = [#tpu.dimension_semantics<core_parallel>, #tpu.dimension_semantics<subcore_parallel>], iteration_bounds = array<i64: 2, 16>, scalar_prefetch = 0 : i64, scratch_operands = 9 : i64, tpu.core_type = #tpu.core_type<sc_vector_subcore>, window_params = [{transform_indices = #map}, {transform_indices = #map1}, {transform_indices = #map1}, {transform_indices = #map}]} {
    %broadcast_in_dim3A = arith.constant 0.000000e+00 : f32
    %broadcast_in_dim3A_0 = vector.broadcast %broadcast_in_dim3A : f32 to vector<16xf32>
    %mul3A = arith.constant 16 : i32
    %mul3A_1 = arith.muli %arg0, %mul3A : i32
    %add3A = arith.addi %mul3A_1, %arg1 : i32
    %mul3A_2 = arith.constant 160 : i32
    %mul3A_3 = arith.muli %add3A, %mul3A_2 : i32
    %scan3A = arith.constant 0 : i32
    %scan3A_4 = arith.constant 0 : i32
    %scan3A_5 = arith.constant 256 : i32
    %scan3A_6 = arith.addi %scan3A_4, %scan3A_5 : i32
    %scan3A_7 = arith.constant 1 : i32
    %scan3A_8 = scf.for %scan3A_36 = %scan3A_4 to %scan3A_6 step %scan3A_7 iter_args(%scan3A_37 = %scan3A) -> (i32)  : i32 {
      %jit3A = arith.constant 8 : i32
      %div3A = arith.divsi %scan3A_36, %jit3A : i32
      %sign3A = arith.constant 0 : i32
      %sign3A_38 = arith.cmpi sgt, %scan3A_36, %sign3A : i32
      %sign3A_39 = arith.extui %sign3A_38 : i1 to i32
      %sign3A_40 = arith.constant 0 : i32
      %sign3A_41 = arith.cmpi slt, %scan3A_36, %sign3A_40 : i32
      %sign3A_42 = arith.extui %sign3A_41 : i1 to i32
      %sign3A_43 = arith.subi %sign3A_39, %sign3A_42 : i32
      %sign3A_44 = arith.constant 0 : i32
      %sign3A_45 = arith.cmpi sgt, %jit3A, %sign3A_44 : i32
      %sign3A_46 = arith.extui %sign3A_45 : i1 to i32
      %sign3A_47 = arith.constant 0 : i32
      %sign3A_48 = arith.cmpi slt, %jit3A, %sign3A_47 : i32
      %sign3A_49 = arith.extui %sign3A_48 : i1 to i32
      %sign3A_50 = arith.subi %sign3A_46, %sign3A_49 : i32
      %ne3A = arith.cmpi ne, %sign3A_43, %sign3A_50 : i32
      %rem3A = arith.remsi %scan3A_36, %jit3A : i32
      %ne3A_51 = arith.constant 0 : i32
      %ne3A_52 = arith.cmpi ne, %rem3A, %ne3A_51 : i32
      %and3A = arith.andi %ne3A, %ne3A_52 : i1
      %sub3A = arith.constant 1 : i32
      %sub3A_53 = arith.subi %div3A, %sub3A : i32
      %select_n3A = arith.select %and3A, %sub3A_53, %div3A : i32
      %jit3A_54 = arith.constant 8 : i32
      %eq3A = arith.constant 0 : i32
      %eq3A_55 = arith.cmpi eq, %jit3A_54, %eq3A : i32
      %jit3A_56 = arith.constant 1 : i32
      %select_n3A_57 = arith.select %eq3A_55, %jit3A_56, %jit3A_54 : i32
      %rem3A_58 = arith.remsi %scan3A_36, %select_n3A_57 : i32
      %ne3A_59 = arith.constant 0 : i32
      %ne3A_60 = arith.cmpi ne, %rem3A_58, %ne3A_59 : i32
      %lt3A = arith.constant 0 : i32
      %lt3A_61 = arith.cmpi slt, %rem3A_58, %lt3A : i32
      %lt3A_62 = arith.constant 0 : i32
      %lt3A_63 = arith.cmpi slt, %select_n3A_57, %lt3A_62 : i32
      %ne3A_64 = arith.xori %lt3A_61, %lt3A_63 : i1
      %and3A_65 = arith.andi %ne3A_64, %ne3A_60 : i1
      %add3A_66 = arith.addi %rem3A_58, %select_n3A_57 : i32
      %select_n3A_67 = arith.select %and3A_65, %add3A_66, %rem3A_58 : i32
      %mul3A_68 = arith.constant 16 : i32
      %mul3A_69 = arith.muli %select_n3A_67, %mul3A_68 : i32
      %swap3A = arith.index_cast %select_n3A : i32 to index
      %swap3A_70 = arith.index_cast %mul3A_69 : i32 to index
      %swap3A_71 = tpu.vector_load %arg7[%swap3A, %swap3A_70] {strides = array<i32>} : memref<32x128xf32, #tpu.memory_space<vmem>>, vector<16xf32>,
      tpu.vector_store %arg7[%swap3A, %swap3A_70], %broadcast_in_dim3A_0 {strides = array<i32>} : memref<32x128xf32, #tpu.memory_space<vmem>>, vector<16xf32>,
      %scan3A_72 = arith.constant 0 : i32
      scf.yield %scan3A_72 : i32
    }
    %scan3A_9 = arith.constant 256 : i32
    %scan3A_10 = arith.constant 0 : i32
    %scan3A_11 = arith.constant 0 : i32
    %scan3A_12 = arith.constant 20 : i32
    %scan3A_13 = arith.addi %scan3A_11, %scan3A_12 : i32
    %scan3A_14 = arith.constant 1 : i32
    %scan3A_15 = scf.for %scan3A_36 = %scan3A_11 to %scan3A_13 step %scan3A_14 iter_args(%scan3A_37 = %scan3A_10) -> (i32)  : i32 {
      %mul3A_38 = arith.constant 640 : i32
      %mul3A_39 = arith.muli %arg1, %mul3A_38 : i32
      %mul3A_40 = arith.constant 32 : i32
      %mul3A_41 = arith.muli %scan3A_36, %mul3A_40 : i32
      %add3A_42 = arith.addi %mul3A_39, %mul3A_41 : i32
      %dma_start3A = arith.constant 0 : i32
      %dma_start3A_43 = tpu.memref_slice %arg6[%add3A_42, %dma_start3A] : memref<10240x128xf32, #tpu.memory_space<vmem_shared>> -> memref<32x128xf32, #tpu.memory_space<vmem_shared>>
      %dma_start3A_44 = arith.constant 0 : i32
      %dma_start3A_45 = tpu.memref_slice %arg6[%add3A_42, %dma_start3A_44] : memref<10240x128xf32, #tpu.memory_space<vmem_shared>> -> memref<32x128xf32, #tpu.memory_space<vmem_shared>>
      tpu.enqueue_dma source(%arg7 : memref<32x128xf32, #tpu.memory_space<vmem>>) target(%dma_start3A_45 : memref<32x128xf32, #tpu.memory_space<vmem_shared>>) target_semaphore(%arg14 : memref<!tpu.dma_semaphore, #tpu.memory_space<semaphore_mem>>)
      %scan3A_46 = arith.constant 0 : i32
      scf.yield %scan3A_46 : i32
    }
    %scan3A_16 = arith.constant 20 : i32
    %scan3A_17 = arith.constant 0 : i32
    %scan3A_18 = arith.constant 0 : i32
    %scan3A_19 = arith.constant 20 : i32
    %scan3A_20 = arith.addi %scan3A_18, %scan3A_19 : i32
    %scan3A_21 = arith.constant 1 : i32
    %scan3A_22 = scf.for %scan3A_36 = %scan3A_18 to %scan3A_20 step %scan3A_21 iter_args(%scan3A_37 = %scan3A_17) -> (i32)  : i32 {
      %mul3A_38 = arith.constant 640 : i32
      %mul3A_39 = arith.muli %arg1, %mul3A_38 : i32
      %mul3A_40 = arith.constant 32 : i32
      %mul3A_41 = arith.muli %scan3A_36, %mul3A_40 : i32
      %add3A_42 = arith.addi %mul3A_39, %mul3A_41 : i32
      %dma_wait3A = arith.constant 0 : i32
      %dma_wait3A_43 = tpu.memref_slice %arg6[%add3A_42, %dma_wait3A] : memref<10240x128xf32, #tpu.memory_space<vmem_shared>> -> memref<32x128xf32, #tpu.memory_space<vmem_shared>>
      %dma_wait3A_44 = arith.constant 0 : i32
      %dma_wait3A_45 = tpu.memref_slice %arg6[%add3A_42, %dma_wait3A_44] : memref<10240x128xf32, #tpu.memory_space<vmem_shared>> -> memref<32x128xf32, #tpu.memory_space<vmem_shared>>
      tpu.wait_dma2 semaphore(%arg14 : memref<!tpu.dma_semaphore, #tpu.memory_space<semaphore_mem>>) src(%arg7 : memref<32x128xf32, #tpu.memory_space<vmem>>) dst(%dma_wait3A_45 : memref<32x128xf32, #tpu.memory_space<vmem_shared>>)
      %scan3A_46 = arith.constant 0 : i32
      scf.yield %scan3A_46 : i32
    }
    %scan3A_23 = arith.constant 20 : i32
    %barrier3A = arith.constant 0 : index
    tpu.barrier barrier_id(%barrier3A)
    %scan3A_24 = arith.constant 0 : i32
    %scan3A_25 = arith.constant 0 : i32
    %scan3A_26 = arith.constant 4 : i32
    %scan3A_27 = arith.addi %scan3A_25, %scan3A_26 : i32
    %scan3A_28 = arith.constant 1 : i32
    %scan3A_29 = scf.for %scan3A_36 = %scan3A_25 to %scan3A_27 step %scan3A_28 iter_args(%scan3A_37 = %scan3A_24) -> (i32)  : i32 {
      %mul3A_38 = arith.constant 40 : i32
      %mul3A_39 = arith.muli %scan3A_36, %mul3A_38 : i32
      %add3A_40 = arith.addi %mul3A_3, %mul3A_39 : i32
      "tpu.region"() ({
        %run_scoped3A = tpu.sem_alloc : memref<!tpu.dma_semaphore, #tpu.memory_space<semaphore_mem>>
        %dma_start3A_62 = arith.constant 0 : i32
        %dma_start3A_63 = tpu.memref_slice %arg3[%add3A_40, %dma_start3A_62] : memref<5120x128xi32, #tpu.memory_space<hbm>> -> memref<40x128xi32, #tpu.memory_space<hbm>>
        %dma_start3A_64 = arith.constant 0 : i32
        %dma_start3A_65 = tpu.memref_slice %arg3[%add3A_40, %dma_start3A_64] : memref<5120x128xi32, #tpu.memory_space<hbm>> -> memref<40x128xi32, #tpu.memory_space<hbm>>
        tpu.enqueue_dma source(%dma_start3A_65 : memref<40x128xi32, #tpu.memory_space<hbm>>) target(%arg8 : memref<40x128xi32, #tpu.memory_space<vmem>>) target_semaphore(%run_scoped3A : memref<!tpu.dma_semaphore, #tpu.memory_space<semaphore_mem>>)
        %dma_wait3A = arith.constant 0 : i32
        %dma_wait3A_66 = tpu.memref_slice %arg3[%add3A_40, %dma_wait3A] : memref<5120x128xi32, #tpu.memory_space<hbm>> -> memref<40x128xi32, #tpu.memory_space<hbm>>
        %dma_wait3A_67 = arith.constant 0 : i32
        %dma_wait3A_68 = tpu.memref_slice %arg3[%add3A_40, %dma_wait3A_67] : memref<5120x128xi32, #tpu.memory_space<hbm>> -> memref<40x128xi32, #tpu.memory_space<hbm>>
        tpu.wait_dma2 semaphore(%run_scoped3A : memref<!tpu.dma_semaphore, #tpu.memory_space<semaphore_mem>>) src(%dma_wait3A_68 : memref<40x128xi32, #tpu.memory_space<hbm>>) dst(%arg8 : memref<40x128xi32, #tpu.memory_space<vmem>>)
        tpu.yield
      }) : () -> ()
      %mul3A_41 = arith.constant 40 : i32
      %mul3A_42 = arith.muli %scan3A_36, %mul3A_41 : i32
      %add3A_43 = arith.addi %mul3A_3, %mul3A_42 : i32
      "tpu.region"() ({
        %run_scoped3A = tpu.sem_alloc : memref<!tpu.dma_semaphore, #tpu.memory_space<semaphore_mem>>
        %dma_start3A_62 = arith.constant 0 : i32
        %dma_start3A_63 = tpu.memref_slice %arg4[%add3A_43, %dma_start3A_62] : memref<5120x128xi32, #tpu.memory_space<hbm>> -> memref<40x128xi32, #tpu.memory_space<hbm>>
        %dma_start3A_64 = arith.constant 0 : i32
        %dma_start3A_65 = tpu.memref_slice %arg4[%add3A_43, %dma_start3A_64] : memref<5120x128xi32, #tpu.memory_space<hbm>> -> memref<40x128xi32, #tpu.memory_space<hbm>>
        tpu.enqueue_dma source(%dma_start3A_65 : memref<40x128xi32, #tpu.memory_space<hbm>>) target(%arg9 : memref<40x128xi32, #tpu.memory_space<vmem>>) target_semaphore(%run_scoped3A : memref<!tpu.dma_semaphore, #tpu.memory_space<semaphore_mem>>)
        %dma_wait3A = arith.constant 0 : i32
        %dma_wait3A_66 = tpu.memref_slice %arg4[%add3A_43, %dma_wait3A] : memref<5120x128xi32, #tpu.memory_space<hbm>> -> memref<40x128xi32, #tpu.memory_space<hbm>>
        %dma_wait3A_67 = arith.constant 0 : i32
        %dma_wait3A_68 = tpu.memref_slice %arg4[%add3A_43, %dma_wait3A_67] : memref<5120x128xi32, #tpu.memory_space<hbm>> -> memref<40x128xi32, #tpu.memory_space<hbm>>
        tpu.wait_dma2 semaphore(%run_scoped3A : memref<!tpu.dma_semaphore, #tpu.memory_space<semaphore_mem>>) src(%dma_wait3A_68 : memref<40x128xi32, #tpu.memory_space<hbm>>) dst(%arg9 : memref<40x128xi32, #tpu.memory_space<vmem>>)
        tpu.yield
      }) : () -> ()
      %dma_start3A = arith.constant 0 : i32
      %dma_start3A_44 = arith.constant 0 : i32
      %dma_start3A_45 = tpu.memref_slice %arg8[%dma_start3A, %dma_start3A_44] : memref<40x128xi32, #tpu.memory_space<vmem>> -> memref<1x128xi32, #tpu.memory_space<vmem>>
      %dma_start3A_46 = tpu.memref_squeeze %dma_start3A_45 : memref<1x128xi32, #tpu.memory_space<vmem>> -> memref<128xi32, #tpu.memory_space<vmem>>
      %dma_start3A_47 = arith.constant 0 : i32
      %dma_start3A_48 = arith.constant 0 : i32
      %dma_start3A_49 = tpu.memref_slice %arg2[%arg0, %dma_start3A_47, %dma_start3A_48] : memref<2x10240x128xf32, #tpu.memory_space<hbm>> -> memref<1x10240x128xf32, #tpu.memory_space<hbm>>
      %dma_start3A_50 = tpu.memref_squeeze %dma_start3A_49 : memref<1x10240x128xf32, #tpu.memory_space<hbm>> -> memref<10240x128xf32, #tpu.memory_space<hbm>>
      %dma_start3A_51 = arith.constant 0 : i32
      %dma_start3A_52 = arith.constant 0 : i32
      %dma_start3A_53 = tpu.memref_slice %dma_start3A_50[%dma_start3A_51, %dma_start3A_52] : memref<10240x128xf32, #tpu.memory_space<hbm>> -> memref<10240x128xf32, #tpu.memory_space<hbm>>
      tpu.enqueue_indirect_dma source(%dma_start3A_53 : memref<10240x128xf32, #tpu.memory_space<hbm>>) target(%arg10 : memref<128x128xf32, #tpu.memory_space<vmem>>) offsets(%dma_start3A_46 : memref<128xi32, #tpu.memory_space<vmem>>) semaphore(%arg12 : memref<!tpu.dma_semaphore, #tpu.memory_space<semaphore_mem>>)
      %scan3A_54 = arith.constant 0 : i32
      %scan3A_55 = arith.constant 0 : i32
      %scan3A_56 = arith.constant 20 : i32
      %scan3A_57 = arith.addi %scan3A_55, %scan3A_56 : i32
      %scan3A_58 = arith.constant 1 : i32
      %scan3A_59 = scf.for %scan3A_62 = %scan3A_55 to %scan3A_57 step %scan3A_58 iter_args(%scan3A_63 = %scan3A_54) -> (i32)  : i32 {
        %mul3A_64 = arith.constant 2 : i32
        %mul3A_65 = arith.muli %mul3A_64, %scan3A_62 : i32
        %add3A_66 = arith.constant 1 : i32
        %add3A_67 = arith.addi %mul3A_65, %add3A_66 : i32
        %dma_start3A_68 = arith.constant 0 : i32
        %dma_start3A_69 = tpu.memref_slice %arg8[%add3A_67, %dma_start3A_68] : memref<40x128xi32, #tpu.memory_space<vmem>> -> memref<1x128xi32, #tpu.memory_space<vmem>>
        %dma_start3A_70 = tpu.memref_squeeze %dma_start3A_69 : memref<1x128xi32, #tpu.memory_space<vmem>> -> memref<128xi32, #tpu.memory_space<vmem>>
        %dma_start3A_71 = arith.constant 0 : i32
        %dma_start3A_72 = arith.constant 0 : i32
        %dma_start3A_73 = tpu.memref_slice %arg2[%arg0, %dma_start3A_71, %dma_start3A_72] : memref<2x10240x128xf32, #tpu.memory_space<hbm>> -> memref<1x10240x128xf32, #tpu.memory_space<hbm>>
        %dma_start3A_74 = tpu.memref_squeeze %dma_start3A_73 : memref<1x10240x128xf32, #tpu.memory_space<hbm>> -> memref<10240x128xf32, #tpu.memory_space<hbm>>
        %dma_start3A_75 = arith.constant 0 : i32
        %dma_start3A_76 = arith.constant 0 : i32
        %dma_start3A_77 = tpu.memref_slice %dma_start3A_74[%dma_start3A_75, %dma_start3A_76] : memref<10240x128xf32, #tpu.memory_space<hbm>> -> memref<10240x128xf32, #tpu.memory_space<hbm>>
        tpu.enqueue_indirect_dma source(%dma_start3A_77 : memref<10240x128xf32, #tpu.memory_space<hbm>>) target(%arg11 : memref<128x128xf32, #tpu.memory_space<vmem>>) offsets(%dma_start3A_70 : memref<128xi32, #tpu.memory_space<vmem>>) semaphore(%arg13 : memref<!tpu.dma_semaphore, #tpu.memory_space<semaphore_mem>>)
        %dma_wait3A = arith.constant 0 : i32
        %dma_wait3A_78 = tpu.memref_slice %arg8[%mul3A_65, %dma_wait3A] : memref<40x128xi32, #tpu.memory_space<vmem>> -> memref<1x128xi32, #tpu.memory_space<vmem>>
        %dma_wait3A_79 = tpu.memref_squeeze %dma_wait3A_78 : memref<1x128xi32, #tpu.memory_space<vmem>> -> memref<128xi32, #tpu.memory_space<vmem>>
        %dma_wait3A_80 = arith.constant 0 : i32
        %dma_wait3A_81 = arith.constant 0 : i32
        %dma_wait3A_82 = tpu.memref_slice %arg2[%arg0, %dma_wait3A_80, %dma_wait3A_81] : memref<2x10240x128xf32, #tpu.memory_space<hbm>> -> memref<1x10240x128xf32, #tpu.memory_space<hbm>>
        %dma_wait3A_83 = tpu.memref_squeeze %dma_wait3A_82 : memref<1x10240x128xf32, #tpu.memory_space<hbm>> -> memref<10240x128xf32, #tpu.memory_space<hbm>>
        %dma_wait3A_84 = arith.constant 0 : i32
        %dma_wait3A_85 = arith.constant 0 : i32
        %dma_wait3A_86 = tpu.memref_slice %dma_wait3A_83[%dma_wait3A_84, %dma_wait3A_85] : memref<10240x128xf32, #tpu.memory_space<hbm>> -> memref<10240x128xf32, #tpu.memory_space<hbm>>
        tpu.wait_indirect_dma semaphore(%arg12 : memref<!tpu.dma_semaphore, #tpu.memory_space<semaphore_mem>>) src(%dma_wait3A_86 : memref<10240x128xf32, #tpu.memory_space<hbm>>) dst(%arg10 : memref<128x128xf32, #tpu.memory_space<vmem>>)
        "tpu.region"() ({
          %run_scoped3A = tpu.sem_alloc : memref<!tpu.dma_semaphore, #tpu.memory_space<semaphore_mem>>
          %dma_start3A_104 = arith.constant 0 : i32
          %dma_start3A_105 = tpu.memref_slice %arg9[%mul3A_65, %dma_start3A_104] : memref<40x128xi32, #tpu.memory_space<vmem>> -> memref<1x128xi32, #tpu.memory_space<vmem>>
          %dma_start3A_106 = tpu.memref_squeeze %dma_start3A_105 : memref<1x128xi32, #tpu.memory_space<vmem>> -> memref<128xi32, #tpu.memory_space<vmem>>
          %dma_start3A_107 = arith.constant 0 : i32
          %dma_start3A_108 = arith.constant 0 : i32
          %dma_start3A_109 = tpu.memref_slice %arg6[%dma_start3A_107, %dma_start3A_108] : memref<10240x128xf32, #tpu.memory_space<vmem_shared>> -> memref<10240x128xf32, #tpu.memory_space<vmem_shared>>
          tpu.enqueue_indirect_dma source(%arg10 : memref<128x128xf32, #tpu.memory_space<vmem>>) target(%dma_start3A_109 : memref<10240x128xf32, #tpu.memory_space<vmem_shared>>) offsets(%dma_start3A_106 : memref<128xi32, #tpu.memory_space<vmem>>) semaphore(%run_scoped3A : memref<!tpu.dma_semaphore, #tpu.memory_space<semaphore_mem>>) {add = true}
          %dma_wait3A_110 = arith.constant 0 : i32
          %dma_wait3A_111 = tpu.memref_slice %arg9[%mul3A_65, %dma_wait3A_110] : memref<40x128xi32, #tpu.memory_space<vmem>> -> memref<1x128xi32, #tpu.memory_space<vmem>>
          %dma_wait3A_112 = tpu.memref_squeeze %dma_wait3A_111 : memref<1x128xi32, #tpu.memory_space<vmem>> -> memref<128xi32, #tpu.memory_space<vmem>>
          %dma_wait3A_113 = arith.constant 0 : i32
          %dma_wait3A_114 = arith.constant 0 : i32
          %dma_wait3A_115 = tpu.memref_slice %arg6[%dma_wait3A_113, %dma_wait3A_114] : memref<10240x128xf32, #tpu.memory_space<vmem_shared>> -> memref<10240x128xf32, #tpu.memory_space<vmem_shared>>
          tpu.wait_indirect_dma semaphore(%run_scoped3A : memref<!tpu.dma_semaphore, #tpu.memory_space<semaphore_mem>>) src(%arg10 : memref<128x128xf32, #tpu.memory_space<vmem>>) dst(%dma_wait3A_115 : memref<10240x128xf32, #tpu.memory_space<vmem_shared>>)
          tpu.yield
        }) : () -> ()
        %add3A_87 = arith.constant 1 : i32
        %add3A_88 = arith.addi %scan3A_62, %add3A_87 : i32
        %lt3A = arith.constant 20 : i32
        %lt3A_89 = arith.cmpi slt, %add3A_88, %lt3A : i32
        %convert_element_type3A = arith.extui %lt3A_89 : i1 to i32
        %cond3A = arith.constant 0 : i32
        %cond3A_90 = arith.cmpi ne, %convert_element_type3A, %cond3A : i32
        scf.if %cond3A_90 {
          %add3A_104 = arith.constant 2 : i32
          %add3A_105 = arith.addi %mul3A_65, %add3A_104 : i32
          %dma_start3A_106 = arith.constant 0 : i32
          %dma_start3A_107 = tpu.memref_slice %arg8[%add3A_105, %dma_start3A_106] : memref<40x128xi32, #tpu.memory_space<vmem>> -> memref<1x128xi32, #tpu.memory_space<vmem>>
          %dma_start3A_108 = tpu.memref_squeeze %dma_start3A_107 : memref<1x128xi32, #tpu.memory_space<vmem>> -> memref<128xi32, #tpu.memory_space<vmem>>
          %dma_start3A_109 = arith.constant 0 : i32
          %dma_start3A_110 = arith.constant 0 : i32
          %dma_start3A_111 = tpu.memref_slice %arg2[%arg0, %dma_start3A_109, %dma_start3A_110] : memref<2x10240x128xf32, #tpu.memory_space<hbm>> -> memref<1x10240x128xf32, #tpu.memory_space<hbm>>
          %dma_start3A_112 = tpu.memref_squeeze %dma_start3A_111 : memref<1x10240x128xf32, #tpu.memory_space<hbm>> -> memref<10240x128xf32, #tpu.memory_space<hbm>>
          %dma_start3A_113 = arith.constant 0 : i32
          %dma_start3A_114 = arith.constant 0 : i32
          %dma_start3A_115 = tpu.memref_slice %dma_start3A_112[%dma_start3A_113, %dma_start3A_114] : memref<10240x128xf32, #tpu.memory_space<hbm>> -> memref<10240x128xf32, #tpu.memory_space<hbm>>
          tpu.enqueue_indirect_dma source(%dma_start3A_115 : memref<10240x128xf32, #tpu.memory_space<hbm>>) target(%arg10 : memref<128x128xf32, #tpu.memory_space<vmem>>) offsets(%dma_start3A_108 : memref<128xi32, #tpu.memory_space<vmem>>) semaphore(%arg12 : memref<!tpu.dma_semaphore, #tpu.memory_space<semaphore_mem>>)
        } else {
        }
        %dma_wait3A_91 = arith.constant 0 : i32
        %dma_wait3A_92 = tpu.memref_slice %arg8[%add3A_67, %dma_wait3A_91] : memref<40x128xi32, #tpu.memory_space<vmem>> -> memref<1x128xi32, #tpu.memory_space<vmem>>
        %dma_wait3A_93 = tpu.memref_squeeze %dma_wait3A_92 : memref<1x128xi32, #tpu.memory_space<vmem>> -> memref<128xi32, #tpu.memory_space<vmem>>
        %dma_wait3A_94 = arith.constant 0 : i32
        %dma_wait3A_95 = arith.constant 0 : i32
        %dma_wait3A_96 = tpu.memref_slice %arg2[%arg0, %dma_wait3A_94, %dma_wait3A_95] : memref<2x10240x128xf32, #tpu.memory_space<hbm>> -> memref<1x10240x128xf32, #tpu.memory_space<hbm>>
        %dma_wait3A_97 = tpu.memref_squeeze %dma_wait3A_96 : memref<1x10240x128xf32, #tpu.memory_space<hbm>> -> memref<10240x128xf32, #tpu.memory_space<hbm>>
        %dma_wait3A_98 = arith.constant 0 : i32
        %dma_wait3A_99 = arith.constant 0 : i32
        %dma_wait3A_100 = tpu.memref_slice %dma_wait3A_97[%dma_wait3A_98, %dma_wait3A_99] : memref<10240x128xf32, #tpu.memory_space<hbm>> -> memref<10240x128xf32, #tpu.memory_space<hbm>>
        tpu.wait_indirect_dma semaphore(%arg13 : memref<!tpu.dma_semaphore, #tpu.memory_space<semaphore_mem>>) src(%dma_wait3A_100 : memref<10240x128xf32, #tpu.memory_space<hbm>>) dst(%arg11 : memref<128x128xf32, #tpu.memory_space<vmem>>)
        %add3A_101 = arith.constant 1 : i32
        %add3A_102 = arith.addi %mul3A_65, %add3A_101 : i32
        "tpu.region"() ({
          %run_scoped3A = tpu.sem_alloc : memref<!tpu.dma_semaphore, #tpu.memory_space<semaphore_mem>>
          %dma_start3A_104 = arith.constant 0 : i32
          %dma_start3A_105 = tpu.memref_slice %arg9[%add3A_102, %dma_start3A_104] : memref<40x128xi32, #tpu.memory_space<vmem>> -> memref<1x128xi32, #tpu.memory_space<vmem>>
          %dma_start3A_106 = tpu.memref_squeeze %dma_start3A_105 : memref<1x128xi32, #tpu.memory_space<vmem>> -> memref<128xi32, #tpu.memory_space<vmem>>
          %dma_start3A_107 = arith.constant 0 : i32
          %dma_start3A_108 = arith.constant 0 : i32
          %dma_start3A_109 = tpu.memref_slice %arg6[%dma_start3A_107, %dma_start3A_108] : memref<10240x128xf32, #tpu.memory_space<vmem_shared>> -> memref<10240x128xf32, #tpu.memory_space<vmem_shared>>
          tpu.enqueue_indirect_dma source(%arg11 : memref<128x128xf32, #tpu.memory_space<vmem>>) target(%dma_start3A_109 : memref<10240x128xf32, #tpu.memory_space<vmem_shared>>) offsets(%dma_start3A_106 : memref<128xi32, #tpu.memory_space<vmem>>) semaphore(%run_scoped3A : memref<!tpu.dma_semaphore, #tpu.memory_space<semaphore_mem>>) {add = true}
          %dma_wait3A_110 = arith.constant 0 : i32
          %dma_wait3A_111 = tpu.memref_slice %arg9[%add3A_102, %dma_wait3A_110] : memref<40x128xi32, #tpu.memory_space<vmem>> -> memref<1x128xi32, #tpu.memory_space<vmem>>
          %dma_wait3A_112 = tpu.memref_squeeze %dma_wait3A_111 : memref<1x128xi32, #tpu.memory_space<vmem>> -> memref<128xi32, #tpu.memory_space<vmem>>
          %dma_wait3A_113 = arith.constant 0 : i32
          %dma_wait3A_114 = arith.constant 0 : i32
          %dma_wait3A_115 = tpu.memref_slice %arg6[%dma_wait3A_113, %dma_wait3A_114] : memref<10240x128xf32, #tpu.memory_space<vmem_shared>> -> memref<10240x128xf32, #tpu.memory_space<vmem_shared>>
          tpu.wait_indirect_dma semaphore(%run_scoped3A : memref<!tpu.dma_semaphore, #tpu.memory_space<semaphore_mem>>) src(%arg11 : memref<128x128xf32, #tpu.memory_space<vmem>>) dst(%dma_wait3A_115 : memref<10240x128xf32, #tpu.memory_space<vmem_shared>>)
          tpu.yield
        }) : () -> ()
        %scan3A_103 = arith.constant 0 : i32
        scf.yield %scan3A_103 : i32
      }
      %scan3A_60 = arith.constant 20 : i32
      %scan3A_61 = arith.constant 0 : i32
      scf.yield %scan3A_61 : i32
    }
    %scan3A_30 = arith.constant 4 : i32
    %barrier3A_31 = arith.constant 0 : index
    tpu.barrier barrier_id(%barrier3A_31)
    %mul3A_32 = arith.constant 640 : i32
    %mul3A_33 = arith.muli %arg1, %mul3A_32 : i32
    %mul3A_34 = arith.constant 640 : i32
    %mul3A_35 = arith.muli %arg1, %mul3A_34 : i32
    "tpu.region"() ({
      %run_scoped3A = tpu.sem_alloc : memref<!tpu.dma_semaphore, #tpu.memory_space<semaphore_mem>>
      %dma_start3A = arith.constant 0 : i32
      %dma_start3A_36 = tpu.memref_slice %arg5[%arg0, %mul3A_35, %dma_start3A] : memref<2x10240x128xf32, #tpu.memory_space<hbm>> -> memref<1x640x128xf32, #tpu.memory_space<hbm>>
      %dma_start3A_37 = tpu.memref_squeeze %dma_start3A_36 : memref<1x640x128xf32, #tpu.memory_space<hbm>> -> memref<640x128xf32, #tpu.memory_space<hbm>>
      %dma_start3A_38 = arith.constant 0 : i32
      %dma_start3A_39 = tpu.memref_slice %arg6[%mul3A_33, %dma_start3A_38] : memref<10240x128xf32, #tpu.memory_space<vmem_shared>> -> memref<640x128xf32, #tpu.memory_space<vmem_shared>>
      tpu.enqueue_dma source(%dma_start3A_39 : memref<640x128xf32, #tpu.memory_space<vmem_shared>>) target(%dma_start3A_37 : memref<640x128xf32, #tpu.memory_space<hbm>>) target_semaphore(%run_scoped3A : memref<!tpu.dma_semaphore, #tpu.memory_space<semaphore_mem>>)
      %dma_wait3A = arith.constant 0 : i32
      %dma_wait3A_40 = tpu.memref_slice %arg5[%arg0, %mul3A_35, %dma_wait3A] : memref<2x10240x128xf32, #tpu.memory_space<hbm>> -> memref<1x640x128xf32, #tpu.memory_space<hbm>>
      %dma_wait3A_41 = tpu.memref_squeeze %dma_wait3A_40 : memref<1x640x128xf32, #tpu.memory_space<hbm>> -> memref<640x128xf32, #tpu.memory_space<hbm>>
      %dma_wait3A_42 = arith.constant 0 : i32
      %dma_wait3A_43 = tpu.memref_slice %arg6[%mul3A_33, %dma_wait3A_42] : memref<10240x128xf32, #tpu.memory_space<vmem_shared>> -> memref<640x128xf32, #tpu.memory_space<vmem_shared>>
      tpu.wait_dma2 semaphore(%run_scoped3A : memref<!tpu.dma_semaphore, #tpu.memory_space<semaphore_mem>>) src(%dma_wait3A_43 : memref<640x128xf32, #tpu.memory_space<vmem_shared>>) dst(%dma_wait3A_41 : memref<640x128xf32, #tpu.memory_space<hbm>>)
      tpu.yield
    }) : () -> ()
    return
  }
}

module attributes {stable_mosaic.version = 14 : i64} {
  func.func @_tc_pre_body(%arg0: i32, %arg1: i32, %arg2: memref<1x512x128xf32, #tpu.memory_space<vmem>>, %arg3: memref<1x512x16xf32, #tpu.memory_space<vmem>>, %arg4: memref<128x128xf32, #tpu.memory_space<vmem>>, %arg5: memref<128xf32, #tpu.memory_space<vmem>>, %arg6: memref<1x512x128xf32, #tpu.memory_space<vmem>>) attributes {dimension_semantics = [#tpu.dimension_semantics<arbitrary>, #tpu.dimension_semantics<arbitrary>], iteration_bounds = array<i64: 2, 20>, scalar_prefetch = 0 : i64, scratch_operands = 0 : i64, tpu.core_type = #tpu.core_type<tc>, window_params = [{transform_indices = @transform_0, window_bounds = array<i64: 1, 512, 128>}, {transform_indices = @transform_1, window_bounds = array<i64: 1, 512, 16>}, {pipeline_mode = #tpu.pipeline_mode<synchronous>, transform_indices = @transform_2, window_bounds = array<i64: 128, 128>}, {pipeline_mode = #tpu.pipeline_mode<synchronous>, transform_indices = @transform_3, window_bounds = array<i64: 128>}, {transform_indices = @transform_4, window_bounds = array<i64: 1, 512, 128>}]} {
    %get3A = arith.constant 0 : index
    %get3A_0 = arith.constant 0 : index
    %get3A_1 = arith.constant 0 : index
    %get3A_2 = vector.load %arg3[%get3A, %get3A_0, %get3A_1] : memref<1x512x16xf32, #tpu.memory_space<vmem>>, vector<1x512x16xf32>
    %get3A_3 = vector.shape_cast %get3A_2 : vector<1x512x16xf32> to vector<512x16xf32>
    %reduce_sum3A = arith.constant dense<0.000000e+00> : vector<512xf32>
    %reduce_sum3A_4 = vector.multi_reduction <add>, %get3A_3, %reduce_sum3A [1] : vector<512x16xf32> to vector<512xf32>
    %add3A = arith.constant 1.000000e+00 : f32
    %add3A_5 = vector.broadcast %add3A : f32 to vector<512xf32>
    %add3A_6 = arith.addf %reduce_sum3A_4, %add3A_5 : vector<512xf32>
    %max3A = arith.constant 1.000000e+00 : f32
    %max3A_7 = vector.broadcast %max3A : f32 to vector<512xf32>
    %max3A_8 = arith.maximumf %add3A_6, %max3A_7 : vector<512xf32>
    %rsqrt3A = math.rsqrt %max3A_8 : vector<512xf32>
    %get3A_9 = arith.constant 0 : index
    %get3A_10 = arith.constant 0 : index
    %get3A_11 = arith.constant 0 : index
    %get3A_12 = vector.load %arg2[%get3A_9, %get3A_10, %get3A_11] : memref<1x512x128xf32, #tpu.memory_space<vmem>>, vector<1x512x128xf32>
    %get3A_13 = vector.shape_cast %get3A_12 : vector<1x512x128xf32> to vector<512x128xf32>
    %get3A_14 = arith.constant 0 : index
    %get3A_15 = arith.constant 0 : index
    %get3A_16 = vector.load %arg4[%get3A_14, %get3A_15] : memref<128x128xf32, #tpu.memory_space<vmem>>, vector<128x128xf32>
    %dot_general3A = arith.constant dense<0.000000e+00> : vector<512x128xf32>
    %dot_general3A_17 = tpu.matmul %get3A_13, %get3A_16, %dot_general3A {dimension_numbers = #tpu.dot_dimension_numbers<[1], [0], [0], [1], [0, 0, 1, 1], [], []>, transpose_lhs_hint = false} : vector<512x128xf32>, vector<128x128xf32>, vector<512x128xf32> -> vector<512x128xf32>
    %get3A_18 = arith.constant 0 : index
    %get3A_19 = vector.load %arg5[%get3A_18] : memref<128xf32, #tpu.memory_space<vmem>>, vector<128xf32>
    %broadcast_in_dim3A = vector.shape_cast %get3A_19 : vector<128xf32> to vector<1x128xf32>
    %add3A_20 = vector.broadcast %broadcast_in_dim3A : vector<1x128xf32> to vector<512x128xf32>
    %add3A_21 = arith.addf %dot_general3A_17, %add3A_20 : vector<512x128xf32>
    %broadcast_in_dim3A_22 = vector.shape_cast %rsqrt3A : vector<512xf32> to vector<512x1xf32>
    %mul3A = vector.broadcast %broadcast_in_dim3A_22 : vector<512x1xf32> to vector<512x128xf32>
    %mul3A_23 = arith.mulf %add3A_21, %mul3A : vector<512x128xf32>
    %swap3A = arith.constant 0 : index
    %swap3A_24 = arith.constant 0 : index
    %swap3A_25 = arith.constant 0 : index
    %swap3A_26 = vector.load %arg6[%swap3A, %swap3A_24, %swap3A_25] : memref<1x512x128xf32, #tpu.memory_space<vmem>>, vector<1x512x128xf32>
    %swap3A_27 = vector.shape_cast %swap3A_26 : vector<1x512x128xf32> to vector<512x128xf32>
    %swap3A_28 = vector.shape_cast %mul3A_23 : vector<512x128xf32> to vector<1x512x128xf32>
    tpu.vector_store %arg6[%swap3A, %swap3A_24, %swap3A_25], %swap3A_28 {strides = array<i32>} : memref<1x512x128xf32, #tpu.memory_space<vmem>>, vector<1x512x128xf32>,
    return
  }
  func.func @transform_0(%arg0: i32, %arg1: i32) -> (i32, i32, i32) {
    %c0_i32 = arith.constant 0 : i32
    %c0_i32_0 = arith.constant 0 : i32
    return %arg0, %arg1, %c0_i32 : i32, i32, i32
  }
  func.func @transform_1(%arg0: i32, %arg1: i32) -> (i32, i32, i32) {
    %c0_i32 = arith.constant 0 : i32
    %c0_i32_0 = arith.constant 0 : i32
    return %arg0, %arg1, %c0_i32 : i32, i32, i32
  }
  func.func @transform_2(%arg0: i32, %arg1: i32) -> (i32, i32) {
    %c0_i32 = arith.constant 0 : i32
    %c0_i32_0 = arith.constant 0 : i32
    %c0_i32_1 = arith.constant 0 : i32
    return %c0_i32, %c0_i32_0 : i32, i32
  }
  func.func @transform_3(%arg0: i32, %arg1: i32) -> i32 {
    %c0_i32 = arith.constant 0 : i32
    %c0_i32_0 = arith.constant 0 : i32
    return %c0_i32 : i32
  }
  func.func @transform_4(%arg0: i32, %arg1: i32) -> (i32, i32, i32) {
    %c0_i32 = arith.constant 0 : i32
    %c0_i32_0 = arith.constant 0 : i32
    return %arg0, %arg1, %c0_i32 : i32, i32, i32
  }
}

module attributes {stable_mosaic.version = 14 : i64} {
  func.func @_tc_post_body(%arg0: i32, %arg1: i32, %arg2: memref<1x512x128xf32, #tpu.memory_space<vmem>>, %arg3: memref<1x512x128xf32, #tpu.memory_space<vmem>>, %arg4: memref<1x512x16xf32, #tpu.memory_space<vmem>>, %arg5: memref<128x128xf32, #tpu.memory_space<vmem>>, %arg6: memref<128xf32, #tpu.memory_space<vmem>>, %arg7: memref<1x512x128xf32, #tpu.memory_space<vmem>>, %arg8: memref<1x512x128xf32, #tpu.memory_space<vmem>>) attributes {dimension_semantics = [#tpu.dimension_semantics<arbitrary>, #tpu.dimension_semantics<arbitrary>], iteration_bounds = array<i64: 2, 20>, scalar_prefetch = 0 : i64, scratch_operands = 0 : i64, tpu.core_type = #tpu.core_type<tc>, window_params = [{transform_indices = @transform_0, window_bounds = array<i64: 1, 512, 128>}, {transform_indices = @transform_1, window_bounds = array<i64: 1, 512, 128>}, {transform_indices = @transform_2, window_bounds = array<i64: 1, 512, 16>}, {pipeline_mode = #tpu.pipeline_mode<synchronous>, transform_indices = @transform_3, window_bounds = array<i64: 128, 128>}, {pipeline_mode = #tpu.pipeline_mode<synchronous>, transform_indices = @transform_4, window_bounds = array<i64: 128>}, {transform_indices = @transform_5, window_bounds = array<i64: 1, 512, 128>}, {transform_indices = @transform_6, window_bounds = array<i64: 1, 512, 128>}]} {
    %get3A = arith.constant 0 : index
    %get3A_0 = arith.constant 0 : index
    %get3A_1 = arith.constant 0 : index
    %get3A_2 = vector.load %arg4[%get3A, %get3A_0, %get3A_1] : memref<1x512x16xf32, #tpu.memory_space<vmem>>, vector<1x512x16xf32>
    %get3A_3 = vector.shape_cast %get3A_2 : vector<1x512x16xf32> to vector<512x16xf32>
    %reduce_sum3A = arith.constant dense<0.000000e+00> : vector<512xf32>
    %reduce_sum3A_4 = vector.multi_reduction <add>, %get3A_3, %reduce_sum3A [1] : vector<512x16xf32> to vector<512xf32>
    %add3A = arith.constant 1.000000e+00 : f32
    %add3A_5 = vector.broadcast %add3A : f32 to vector<512xf32>
    %add3A_6 = arith.addf %reduce_sum3A_4, %add3A_5 : vector<512xf32>
    %max3A = arith.constant 1.000000e+00 : f32
    %max3A_7 = vector.broadcast %max3A : f32 to vector<512xf32>
    %max3A_8 = arith.maximumf %add3A_6, %max3A_7 : vector<512xf32>
    %rsqrt3A = math.rsqrt %max3A_8 : vector<512xf32>
    %get3A_9 = arith.constant 0 : index
    %get3A_10 = arith.constant 0 : index
    %get3A_11 = arith.constant 0 : index
    %get3A_12 = vector.load %arg2[%get3A_9, %get3A_10, %get3A_11] : memref<1x512x128xf32, #tpu.memory_space<vmem>>, vector<1x512x128xf32>
    %get3A_13 = vector.shape_cast %get3A_12 : vector<1x512x128xf32> to vector<512x128xf32>
    %get3A_14 = arith.constant 0 : index
    %get3A_15 = arith.constant 0 : index
    %get3A_16 = arith.constant 0 : index
    %get3A_17 = vector.load %arg3[%get3A_14, %get3A_15, %get3A_16] : memref<1x512x128xf32, #tpu.memory_space<vmem>>, vector<1x512x128xf32>
    %get3A_18 = vector.shape_cast %get3A_17 : vector<1x512x128xf32> to vector<512x128xf32>
    %add3A_19 = arith.addf %get3A_13, %get3A_18 : vector<512x128xf32>
    %broadcast_in_dim3A = vector.shape_cast %rsqrt3A : vector<512xf32> to vector<512x1xf32>
    %mul3A = vector.broadcast %broadcast_in_dim3A : vector<512x1xf32> to vector<512x128xf32>
    %mul3A_20 = arith.mulf %add3A_19, %mul3A : vector<512x128xf32>
    %get3A_21 = arith.constant 0 : index
    %get3A_22 = arith.constant 0 : index
    %get3A_23 = vector.load %arg5[%get3A_21, %get3A_22] : memref<128x128xf32, #tpu.memory_space<vmem>>, vector<128x128xf32>
    %dot_general3A = arith.constant dense<0.000000e+00> : vector<512x128xf32>
    %dot_general3A_24 = tpu.matmul %mul3A_20, %get3A_23, %dot_general3A {dimension_numbers = #tpu.dot_dimension_numbers<[1], [0], [0], [1], [0, 0, 1, 1], [], []>, transpose_lhs_hint = false} : vector<512x128xf32>, vector<128x128xf32>, vector<512x128xf32> -> vector<512x128xf32>
    %get3A_25 = arith.constant 0 : index
    %get3A_26 = vector.load %arg6[%get3A_25] : memref<128xf32, #tpu.memory_space<vmem>>, vector<128xf32>
    %broadcast_in_dim3A_27 = vector.shape_cast %get3A_26 : vector<128xf32> to vector<1x128xf32>
    %add3A_28 = vector.broadcast %broadcast_in_dim3A_27 : vector<1x128xf32> to vector<512x128xf32>
    %add3A_29 = arith.addf %dot_general3A_24, %add3A_28 : vector<512x128xf32>
    %max3A_30 = arith.constant 0.000000e+00 : f32
    %max3A_31 = vector.broadcast %max3A_30 : f32 to vector<512x128xf32>
    %max3A_32 = arith.maximumf %add3A_29, %max3A_31 : vector<512x128xf32>
    %swap3A = arith.constant 0 : index
    %swap3A_33 = arith.constant 0 : index
    %swap3A_34 = arith.constant 0 : index
    %swap3A_35 = vector.load %arg7[%swap3A, %swap3A_33, %swap3A_34] : memref<1x512x128xf32, #tpu.memory_space<vmem>>, vector<1x512x128xf32>
    %swap3A_36 = vector.shape_cast %swap3A_35 : vector<1x512x128xf32> to vector<512x128xf32>
    %swap3A_37 = vector.shape_cast %max3A_32 : vector<512x128xf32> to vector<1x512x128xf32>
    tpu.vector_store %arg7[%swap3A, %swap3A_33, %swap3A_34], %swap3A_37 {strides = array<i32>} : memref<1x512x128xf32, #tpu.memory_space<vmem>>, vector<1x512x128xf32>,
    %broadcast_in_dim3A_38 = vector.shape_cast %rsqrt3A : vector<512xf32> to vector<512x1xf32>
    %mul3A_39 = vector.broadcast %broadcast_in_dim3A_38 : vector<512x1xf32> to vector<512x128xf32>
    %mul3A_40 = arith.mulf %max3A_32, %mul3A_39 : vector<512x128xf32>
    %swap3A_41 = arith.constant 0 : index
    %swap3A_42 = arith.constant 0 : index
    %swap3A_43 = arith.constant 0 : index
    %swap3A_44 = vector.load %arg8[%swap3A_41, %swap3A_42, %swap3A_43] : memref<1x512x128xf32, #tpu.memory_space<vmem>>, vector<1x512x128xf32>
    %swap3A_45 = vector.shape_cast %swap3A_44 : vector<1x512x128xf32> to vector<512x128xf32>
    %swap3A_46 = vector.shape_cast %mul3A_40 : vector<512x128xf32> to vector<1x512x128xf32>
    tpu.vector_store %arg8[%swap3A_41, %swap3A_42, %swap3A_43], %swap3A_46 {strides = array<i32>} : memref<1x512x128xf32, #tpu.memory_space<vmem>>, vector<1x512x128xf32>,
    return
  }
  func.func @transform_0(%arg0: i32, %arg1: i32) -> (i32, i32, i32) {
    %c0_i32 = arith.constant 0 : i32
    %c0_i32_0 = arith.constant 0 : i32
    return %arg0, %arg1, %c0_i32 : i32, i32, i32
  }
  func.func @transform_1(%arg0: i32, %arg1: i32) -> (i32, i32, i32) {
    %c0_i32 = arith.constant 0 : i32
    %c0_i32_0 = arith.constant 0 : i32
    return %arg0, %arg1, %c0_i32 : i32, i32, i32
  }
  func.func @transform_2(%arg0: i32, %arg1: i32) -> (i32, i32, i32) {
    %c0_i32 = arith.constant 0 : i32
    %c0_i32_0 = arith.constant 0 : i32
    return %arg0, %arg1, %c0_i32 : i32, i32, i32
  }
  func.func @transform_3(%arg0: i32, %arg1: i32) -> (i32, i32) {
    %c0_i32 = arith.constant 0 : i32
    %c0_i32_0 = arith.constant 0 : i32
    %c0_i32_1 = arith.constant 0 : i32
    return %c0_i32, %c0_i32_0 : i32, i32
  }
  func.func @transform_4(%arg0: i32, %arg1: i32) -> i32 {
    %c0_i32 = arith.constant 0 : i32
    %c0_i32_0 = arith.constant 0 : i32
    return %c0_i32 : i32
  }
  func.func @transform_5(%arg0: i32, %arg1: i32) -> (i32, i32, i32) {
    %c0_i32 = arith.constant 0 : i32
    %c0_i32_0 = arith.constant 0 : i32
    return %arg0, %arg1, %c0_i32 : i32, i32, i32
  }
  func.func @transform_6(%arg0: i32, %arg1: i32) -> (i32, i32, i32) {
    %c0_i32 = arith.constant 0 : i32
    %c0_i32_0 = arith.constant 0 : i32
    return %arg0, %arg1, %c0_i32 : i32, i32, i32
  }
}

module attributes {stable_mosaic.version = 14 : i64} {
  func.func @_tc_post_body(%arg0: i32, %arg1: i32, %arg2: memref<1x512x128xf32, #tpu.memory_space<vmem>>, %arg3: memref<1x512x128xf32, #tpu.memory_space<vmem>>, %arg4: memref<1x512x16xf32, #tpu.memory_space<vmem>>, %arg5: memref<128x128xf32, #tpu.memory_space<vmem>>, %arg6: memref<128xf32, #tpu.memory_space<vmem>>, %arg7: memref<1x512x128xf32, #tpu.memory_space<vmem>>, %arg8: memref<1x512x128xf32, #tpu.memory_space<vmem>>) attributes {dimension_semantics = [#tpu.dimension_semantics<arbitrary>, #tpu.dimension_semantics<arbitrary>], iteration_bounds = array<i64: 2, 20>, scalar_prefetch = 0 : i64, scratch_operands = 0 : i64, tpu.core_type = #tpu.core_type<tc>, window_params = [{transform_indices = @transform_0, window_bounds = array<i64: 1, 512, 128>}, {transform_indices = @transform_1, window_bounds = array<i64: 1, 512, 128>}, {transform_indices = @transform_2, window_bounds = array<i64: 1, 512, 16>}, {pipeline_mode = #tpu.pipeline_mode<synchronous>, transform_indices = @transform_3, window_bounds = array<i64: 128, 128>}, {pipeline_mode = #tpu.pipeline_mode<synchronous>, transform_indices = @transform_4, window_bounds = array<i64: 128>}, {transform_indices = @transform_5, window_bounds = array<i64: 1, 512, 128>}, {transform_indices = @transform_6, window_bounds = array<i64: 1, 512, 128>}]} {
    %get3A = arith.constant 0 : index
    %get3A_0 = arith.constant 0 : index
    %get3A_1 = arith.constant 0 : index
    %get3A_2 = vector.load %arg4[%get3A, %get3A_0, %get3A_1] : memref<1x512x16xf32, #tpu.memory_space<vmem>>, vector<1x512x16xf32>
    %get3A_3 = vector.shape_cast %get3A_2 : vector<1x512x16xf32> to vector<512x16xf32>
    %reduce_sum3A = arith.constant dense<0.000000e+00> : vector<512xf32>
    %reduce_sum3A_4 = vector.multi_reduction <add>, %get3A_3, %reduce_sum3A [1] : vector<512x16xf32> to vector<512xf32>
    %add3A = arith.constant 1.000000e+00 : f32
    %add3A_5 = vector.broadcast %add3A : f32 to vector<512xf32>
    %add3A_6 = arith.addf %reduce_sum3A_4, %add3A_5 : vector<512xf32>
    %max3A = arith.constant 1.000000e+00 : f32
    %max3A_7 = vector.broadcast %max3A : f32 to vector<512xf32>
    %max3A_8 = arith.maximumf %add3A_6, %max3A_7 : vector<512xf32>
    %rsqrt3A = math.rsqrt %max3A_8 : vector<512xf32>
    %get3A_9 = arith.constant 0 : index
    %get3A_10 = arith.constant 0 : index
    %get3A_11 = arith.constant 0 : index
    %get3A_12 = vector.load %arg2[%get3A_9, %get3A_10, %get3A_11] : memref<1x512x128xf32, #tpu.memory_space<vmem>>, vector<1x512x128xf32>
    %get3A_13 = vector.shape_cast %get3A_12 : vector<1x512x128xf32> to vector<512x128xf32>
    %get3A_14 = arith.constant 0 : index
    %get3A_15 = arith.constant 0 : index
    %get3A_16 = arith.constant 0 : index
    %get3A_17 = vector.load %arg3[%get3A_14, %get3A_15, %get3A_16] : memref<1x512x128xf32, #tpu.memory_space<vmem>>, vector<1x512x128xf32>
    %get3A_18 = vector.shape_cast %get3A_17 : vector<1x512x128xf32> to vector<512x128xf32>
    %add3A_19 = arith.addf %get3A_13, %get3A_18 : vector<512x128xf32>
    %broadcast_in_dim3A = vector.shape_cast %rsqrt3A : vector<512xf32> to vector<512x1xf32>
    %mul3A = vector.broadcast %broadcast_in_dim3A : vector<512x1xf32> to vector<512x128xf32>
    %mul3A_20 = arith.mulf %add3A_19, %mul3A : vector<512x128xf32>
    %get3A_21 = arith.constant 0 : index
    %get3A_22 = arith.constant 0 : index
    %get3A_23 = vector.load %arg5[%get3A_21, %get3A_22] : memref<128x128xf32, #tpu.memory_space<vmem>>, vector<128x128xf32>
    %dot_general3A = arith.constant dense<0.000000e+00> : vector<512x128xf32>
    %dot_general3A_24 = tpu.matmul %mul3A_20, %get3A_23, %dot_general3A {dimension_numbers = #tpu.dot_dimension_numbers<[1], [0], [0], [1], [0, 0, 1, 1], [], []>, transpose_lhs_hint = false} : vector<512x128xf32>, vector<128x128xf32>, vector<512x128xf32> -> vector<512x128xf32>
    %get3A_25 = arith.constant 0 : index
    %get3A_26 = vector.load %arg6[%get3A_25] : memref<128xf32, #tpu.memory_space<vmem>>, vector<128xf32>
    %broadcast_in_dim3A_27 = vector.shape_cast %get3A_26 : vector<128xf32> to vector<1x128xf32>
    %add3A_28 = vector.broadcast %broadcast_in_dim3A_27 : vector<1x128xf32> to vector<512x128xf32>
    %add3A_29 = arith.addf %dot_general3A_24, %add3A_28 : vector<512x128xf32>
    %max3A_30 = arith.constant 0.000000e+00 : f32
    %max3A_31 = vector.broadcast %max3A_30 : f32 to vector<512x128xf32>
    %max3A_32 = arith.maximumf %add3A_29, %max3A_31 : vector<512x128xf32>
    %swap3A = arith.constant 0 : index
    %swap3A_33 = arith.constant 0 : index
    %swap3A_34 = arith.constant 0 : index
    %swap3A_35 = vector.load %arg7[%swap3A, %swap3A_33, %swap3A_34] : memref<1x512x128xf32, #tpu.memory_space<vmem>>, vector<1x512x128xf32>
    %swap3A_36 = vector.shape_cast %swap3A_35 : vector<1x512x128xf32> to vector<512x128xf32>
    %swap3A_37 = vector.shape_cast %max3A_32 : vector<512x128xf32> to vector<1x512x128xf32>
    tpu.vector_store %arg7[%swap3A, %swap3A_33, %swap3A_34], %swap3A_37 {strides = array<i32>} : memref<1x512x128xf32, #tpu.memory_space<vmem>>, vector<1x512x128xf32>,
    %broadcast_in_dim3A_38 = vector.shape_cast %rsqrt3A : vector<512xf32> to vector<512x1xf32>
    %mul3A_39 = vector.broadcast %broadcast_in_dim3A_38 : vector<512x1xf32> to vector<512x128xf32>
    %mul3A_40 = arith.mulf %max3A_32, %mul3A_39 : vector<512x128xf32>
    %swap3A_41 = arith.constant 0 : index
    %swap3A_42 = arith.constant 0 : index
    %swap3A_43 = arith.constant 0 : index
    %swap3A_44 = vector.load %arg8[%swap3A_41, %swap3A_42, %swap3A_43] : memref<1x512x128xf32, #tpu.memory_space<vmem>>, vector<1x512x128xf32>
    %swap3A_45 = vector.shape_cast %swap3A_44 : vector<1x512x128xf32> to vector<512x128xf32>
    %swap3A_46 = vector.shape_cast %mul3A_40 : vector<512x128xf32> to vector<1x512x128xf32>
    tpu.vector_store %arg8[%swap3A_41, %swap3A_42, %swap3A_43], %swap3A_46 {strides = array<i32>} : memref<1x512x128xf32, #tpu.memory_space<vmem>>, vector<1x512x128xf32>,
    return
  }
  func.func @transform_0(%arg0: i32, %arg1: i32) -> (i32, i32, i32) {
    %c0_i32 = arith.constant 0 : i32
    %c0_i32_0 = arith.constant 0 : i32
    return %arg0, %arg1, %c0_i32 : i32, i32, i32
  }
  func.func @transform_1(%arg0: i32, %arg1: i32) -> (i32, i32, i32) {
    %c0_i32 = arith.constant 0 : i32
    %c0_i32_0 = arith.constant 0 : i32
    return %arg0, %arg1, %c0_i32 : i32, i32, i32
  }
  func.func @transform_2(%arg0: i32, %arg1: i32) -> (i32, i32, i32) {
    %c0_i32 = arith.constant 0 : i32
    %c0_i32_0 = arith.constant 0 : i32
    return %arg0, %arg1, %c0_i32 : i32, i32, i32
  }
  func.func @transform_3(%arg0: i32, %arg1: i32) -> (i32, i32) {
    %c0_i32 = arith.constant 0 : i32
    %c0_i32_0 = arith.constant 0 : i32
    %c0_i32_1 = arith.constant 0 : i32
    return %c0_i32, %c0_i32_0 : i32, i32
  }
  func.func @transform_4(%arg0: i32, %arg1: i32) -> i32 {
    %c0_i32 = arith.constant 0 : i32
    %c0_i32_0 = arith.constant 0 : i32
    return %c0_i32 : i32
  }
  func.func @transform_5(%arg0: i32, %arg1: i32) -> (i32, i32, i32) {
    %c0_i32 = arith.constant 0 : i32
    %c0_i32_0 = arith.constant 0 : i32
    return %arg0, %arg1, %c0_i32 : i32, i32, i32
  }
  func.func @transform_6(%arg0: i32, %arg1: i32) -> (i32, i32, i32) {
    %c0_i32 = arith.constant 0 : i32
    %c0_i32_0 = arith.constant 0 : i32
    return %arg0, %arg1, %c0_i32 : i32, i32, i32
  }
}

module attributes {stable_mosaic.version = 14 : i64} {
  func.func @_tc_pool_body(%arg0: i32, %arg1: i32, %arg2: memref<1x512x128xf32, #tpu.memory_space<vmem>>, %arg3: memref<1x1x512xi32, #tpu.memory_space<vmem>>, %arg4: memref<16x128xf32, #tpu.memory_space<vmem>>, %arg5: memref<1x16x64x128xf32, #tpu.memory_space<vmem>>, %arg6: memref<1x64x16xf32, #tpu.memory_space<vmem>>) attributes {dimension_semantics = [#tpu.dimension_semantics<arbitrary>, #tpu.dimension_semantics<arbitrary>], iteration_bounds = array<i64: 2, 20>, scalar_prefetch = 0 : i64, scratch_operands = 0 : i64, tpu.core_type = #tpu.core_type<tc>, window_params = [{transform_indices = @transform_0, window_bounds = array<i64: 1, 512, 128>}, {transform_indices = @transform_1, window_bounds = array<i64: 1, 1, 512>}, {pipeline_mode = #tpu.pipeline_mode<synchronous>, transform_indices = @transform_2, window_bounds = array<i64: 16, 128>}, {transform_indices = @transform_3, window_bounds = array<i64: 1, 16, 64, 128>}, {transform_indices = @transform_4, window_bounds = array<i64: 1, 64, 16>}]} {
    %get3A = arith.constant 0 : index
    %get3A_0 = arith.constant 0 : index
    %get3A_1 = arith.constant 0 : index
    %get3A_2 = vector.load %arg2[%get3A, %get3A_0, %get3A_1] : memref<1x512x128xf32, #tpu.memory_space<vmem>>, vector<1x512x128xf32>
    %get3A_3 = vector.shape_cast %get3A_2 : vector<1x512x128xf32> to vector<512x128xf32>
    %get3A_4 = arith.constant 0 : index
    %get3A_5 = arith.constant 0 : index
    %get3A_6 = vector.load %arg4[%get3A_4, %get3A_5] : memref<16x128xf32, #tpu.memory_space<vmem>>, vector<16x128xf32>
    %dot_general3A = arith.constant dense<0.000000e+00> : vector<512x16xf32>
    %dot_general3A_7 = tpu.matmul %get3A_3, %get3A_6, %dot_general3A {dimension_numbers = #tpu.dot_dimension_numbers<[1], [1], [0], [0], [0, 0, 1, 0], [], []>, transpose_lhs_hint = false} : vector<512x128xf32>, vector<16x128xf32>, vector<512x16xf32> -> vector<512x16xf32>
    %exp3A = math.exp %dot_general3A_7 : vector<512x16xf32>
    %get3A_8 = arith.constant 0 : index
    %get3A_9 = arith.constant 0 : index
    %get3A_10 = arith.constant 0 : index
    %get3A_11 = vector.load %arg3[%get3A_8, %get3A_9, %get3A_10] : memref<1x1x512xi32, #tpu.memory_space<vmem>>, vector<1x1x512xi32>
    %get3A_12 = vector.shape_cast %get3A_11 : vector<1x1x512xi32> to vector<512xi32>
    %iota3A = tpu.iota {dimensions = array<i32: 1>} : vector<512x64xi32>
    %broadcast_in_dim3A = vector.shape_cast %get3A_12 : vector<512xi32> to vector<512x1xi32>
    %eq3A = vector.broadcast %broadcast_in_dim3A : vector<512x1xi32> to vector<512x64xi32>
    %eq3A_13 = arith.cmpi eq, %iota3A, %eq3A : vector<512x64xi32>
    %convert_element_type3A = arith.extui %eq3A_13 : vector<512x64xi1> to vector<512x64xi32>
    %convert_element_type3A_14 = arith.sitofp %convert_element_type3A : vector<512x64xi32> to vector<512x64xf32>
    %dot_general3A_15 = arith.constant dense<0.000000e+00> : vector<64x16xf32>
    %dot_general3A_16 = tpu.matmul %convert_element_type3A_14, %exp3A, %dot_general3A_15 {dimension_numbers = #tpu.dot_dimension_numbers<[0], [0], [1], [1], [0, 1, 1, 1], [], []>, precision = #tpu.contract_precision<fp32>, transpose_lhs_hint = false} : vector<512x64xf32>, vector<512x16xf32>, vector<64x16xf32> -> vector<64x16xf32>
    %eq3A_17 = arith.constant 0 : i32
    %eq3A_18 = arith.cmpi eq, %arg1, %eq3A_17 : i32
    %convert_element_type3A_19 = arith.extui %eq3A_18 : i1 to i32
    %cond3A = arith.constant 0 : i32
    %cond3A_20 = arith.cmpi ne, %convert_element_type3A_19, %cond3A : i32
    scf.if %cond3A_20 {
      %swap3A = arith.constant 0 : index
      %swap3A_25 = arith.constant 0 : index
      %swap3A_26 = arith.constant 0 : index
      %swap3A_27 = vector.load %arg6[%swap3A, %swap3A_25, %swap3A_26] : memref<1x64x16xf32, #tpu.memory_space<vmem>>, vector<1x64x16xf32>
      %swap3A_28 = vector.shape_cast %swap3A_27 : vector<1x64x16xf32> to vector<64x16xf32>
      %swap3A_29 = vector.shape_cast %dot_general3A_16 : vector<64x16xf32> to vector<1x64x16xf32>
      tpu.vector_store %arg6[%swap3A, %swap3A_25, %swap3A_26], %swap3A_29 {strides = array<i32>} : memref<1x64x16xf32, #tpu.memory_space<vmem>>, vector<1x64x16xf32>,
      %slice3A = vector.extract_strided_slice %exp3A {offsets = [0, 0], sizes = [512, 1], strides = [1, 1]} : vector<512x16xf32> to vector<512x1xf32>
      %squeeze3A = vector.shape_cast %slice3A : vector<512x1xf32> to vector<512xf32>
      %broadcast_in_dim3A_30 = vector.shape_cast %squeeze3A : vector<512xf32> to vector<512x1xf32>
      %mul3A = vector.broadcast %broadcast_in_dim3A_30 : vector<512x1xf32> to vector<512x128xf32>
      %mul3A_31 = arith.mulf %get3A_3, %mul3A : vector<512x128xf32>
      %dot_general3A_32 = arith.constant dense<0.000000e+00> : vector<64x128xf32>
      %dot_general3A_33 = tpu.matmul %convert_element_type3A_14, %mul3A_31, %dot_general3A_32 {dimension_numbers = #tpu.dot_dimension_numbers<[0], [0], [1], [1], [0, 1, 1, 1], [], []>, precision = #tpu.contract_precision<fp32>, transpose_lhs_hint = false} : vector<512x64xf32>, vector<512x128xf32>, vector<64x128xf32> -> vector<64x128xf32>
      %swap3A_34 = arith.constant 0 : index
      %swap3A_35 = arith.constant 0 : index
      %swap3A_36 = arith.constant 0 : index
      %swap3A_37 = arith.constant 0 : index
      %swap3A_38 = vector.load %arg5[%swap3A_34, %swap3A_35, %swap3A_36, %swap3A_37] : memref<1x16x64x128xf32, #tpu.memory_space<vmem>>, vector<1x1x64x128xf32>
      %swap3A_39 = vector.shape_cast %swap3A_38 : vector<1x1x64x128xf32> to vector<64x128xf32>
      %swap3A_40 = vector.shape_cast %dot_general3A_33 : vector<64x128xf32> to vector<1x1x64x128xf32>
      tpu.vector_store %arg5[%swap3A_34, %swap3A_35, %swap3A_36, %swap3A_37], %swap3A_40 {strides = array<i32>} : memref<1x16x64x128xf32, #tpu.memory_space<vmem>>, vector<1x1x64x128xf32>,
      %slice3A_41 = vector.extract_strided_slice %exp3A {offsets = [0, 1], sizes = [512, 1], strides = [1, 1]} : vector<512x16xf32> to vector<512x1xf32>
      %squeeze3A_42 = vector.shape_cast %slice3A_41 : vector<512x1xf32> to vector<512xf32>
      %broadcast_in_dim3A_43 = vector.shape_cast %squeeze3A_42 : vector<512xf32> to vector<512x1xf32>
      %mul3A_44 = vector.broadcast %broadcast_in_dim3A_43 : vector<512x1xf32> to vector<512x128xf32>
      %mul3A_45 = arith.mulf %get3A_3, %mul3A_44 : vector<512x128xf32>
      %dot_general3A_46 = arith.constant dense<0.000000e+00> : vector<64x128xf32>
      %dot_general3A_47 = tpu.matmul %convert_element_type3A_14, %mul3A_45, %dot_general3A_46 {dimension_numbers = #tpu.dot_dimension_numbers<[0], [0], [1], [1], [0, 1, 1, 1], [], []>, precision = #tpu.contract_precision<fp32>, transpose_lhs_hint = false} : vector<512x64xf32>, vector<512x128xf32>, vector<64x128xf32> -> vector<64x128xf32>
      %swap3A_48 = arith.constant 0 : index
      %swap3A_49 = arith.constant 1 : index
      %swap3A_50 = arith.constant 0 : index
      %swap3A_51 = arith.constant 0 : index
      %swap3A_52 = vector.load %arg5[%swap3A_48, %swap3A_49, %swap3A_50, %swap3A_51] : memref<1x16x64x128xf32, #tpu.memory_space<vmem>>, vector<1x1x64x128xf32>
      %swap3A_53 = vector.shape_cast %swap3A_52 : vector<1x1x64x128xf32> to vector<64x128xf32>
      %swap3A_54 = vector.shape_cast %dot_general3A_47 : vector<64x128xf32> to vector<1x1x64x128xf32>
      tpu.vector_store %arg5[%swap3A_48, %swap3A_49, %swap3A_50, %swap3A_51], %swap3A_54 {strides = array<i32>} : memref<1x16x64x128xf32, #tpu.memory_space<vmem>>, vector<1x1x64x128xf32>,
      %slice3A_55 = vector.extract_strided_slice %exp3A {offsets = [0, 2], sizes = [512, 1], strides = [1, 1]} : vector<512x16xf32> to vector<512x1xf32>
      %squeeze3A_56 = vector.shape_cast %slice3A_55 : vector<512x1xf32> to vector<512xf32>
      %broadcast_in_dim3A_57 = vector.shape_cast %squeeze3A_56 : vector<512xf32> to vector<512x1xf32>
      %mul3A_58 = vector.broadcast %broadcast_in_dim3A_57 : vector<512x1xf32> to vector<512x128xf32>
      %mul3A_59 = arith.mulf %get3A_3, %mul3A_58 : vector<512x128xf32>
      %dot_general3A_60 = arith.constant dense<0.000000e+00> : vector<64x128xf32>
      %dot_general3A_61 = tpu.matmul %convert_element_type3A_14, %mul3A_59, %dot_general3A_60 {dimension_numbers = #tpu.dot_dimension_numbers<[0], [0], [1], [1], [0, 1, 1, 1], [], []>, precision = #tpu.contract_precision<fp32>, transpose_lhs_hint = false} : vector<512x64xf32>, vector<512x128xf32>, vector<64x128xf32> -> vector<64x128xf32>
      %swap3A_62 = arith.constant 0 : index
      %swap3A_63 = arith.constant 2 : index
      %swap3A_64 = arith.constant 0 : index
      %swap3A_65 = arith.constant 0 : index
      %swap3A_66 = vector.load %arg5[%swap3A_62, %swap3A_63, %swap3A_64, %swap3A_65] : memref<1x16x64x128xf32, #tpu.memory_space<vmem>>, vector<1x1x64x128xf32>
      %swap3A_67 = vector.shape_cast %swap3A_66 : vector<1x1x64x128xf32> to vector<64x128xf32>
      %swap3A_68 = vector.shape_cast %dot_general3A_61 : vector<64x128xf32> to vector<1x1x64x128xf32>
      tpu.vector_store %arg5[%swap3A_62, %swap3A_63, %swap3A_64, %swap3A_65], %swap3A_68 {strides = array<i32>} : memref<1x16x64x128xf32, #tpu.memory_space<vmem>>, vector<1x1x64x128xf32>,
      %slice3A_69 = vector.extract_strided_slice %exp3A {offsets = [0, 3], sizes = [512, 1], strides = [1, 1]} : vector<512x16xf32> to vector<512x1xf32>
      %squeeze3A_70 = vector.shape_cast %slice3A_69 : vector<512x1xf32> to vector<512xf32>
      %broadcast_in_dim3A_71 = vector.shape_cast %squeeze3A_70 : vector<512xf32> to vector<512x1xf32>
      %mul3A_72 = vector.broadcast %broadcast_in_dim3A_71 : vector<512x1xf32> to vector<512x128xf32>
      %mul3A_73 = arith.mulf %get3A_3, %mul3A_72 : vector<512x128xf32>
      %dot_general3A_74 = arith.constant dense<0.000000e+00> : vector<64x128xf32>
      %dot_general3A_75 = tpu.matmul %convert_element_type3A_14, %mul3A_73, %dot_general3A_74 {dimension_numbers = #tpu.dot_dimension_numbers<[0], [0], [1], [1], [0, 1, 1, 1], [], []>, precision = #tpu.contract_precision<fp32>, transpose_lhs_hint = false} : vector<512x64xf32>, vector<512x128xf32>, vector<64x128xf32> -> vector<64x128xf32>
      %swap3A_76 = arith.constant 0 : index
      %swap3A_77 = arith.constant 3 : index
      %swap3A_78 = arith.constant 0 : index
      %swap3A_79 = arith.constant 0 : index
      %swap3A_80 = vector.load %arg5[%swap3A_76, %swap3A_77, %swap3A_78, %swap3A_79] : memref<1x16x64x128xf32, #tpu.memory_space<vmem>>, vector<1x1x64x128xf32>
      %swap3A_81 = vector.shape_cast %swap3A_80 : vector<1x1x64x128xf32> to vector<64x128xf32>
      %swap3A_82 = vector.shape_cast %dot_general3A_75 : vector<64x128xf32> to vector<1x1x64x128xf32>
      tpu.vector_store %arg5[%swap3A_76, %swap3A_77, %swap3A_78, %swap3A_79], %swap3A_82 {strides = array<i32>} : memref<1x16x64x128xf32, #tpu.memory_space<vmem>>, vector<1x1x64x128xf32>,
      %slice3A_83 = vector.extract_strided_slice %exp3A {offsets = [0, 4], sizes = [512, 1], strides = [1, 1]} : vector<512x16xf32> to vector<512x1xf32>
      %squeeze3A_84 = vector.shape_cast %slice3A_83 : vector<512x1xf32> to vector<512xf32>
      %broadcast_in_dim3A_85 = vector.shape_cast %squeeze3A_84 : vector<512xf32> to vector<512x1xf32>
      %mul3A_86 = vector.broadcast %broadcast_in_dim3A_85 : vector<512x1xf32> to vector<512x128xf32>
      %mul3A_87 = arith.mulf %get3A_3, %mul3A_86 : vector<512x128xf32>
      %dot_general3A_88 = arith.constant dense<0.000000e+00> : vector<64x128xf32>
      %dot_general3A_89 = tpu.matmul %convert_element_type3A_14, %mul3A_87, %dot_general3A_88 {dimension_numbers = #tpu.dot_dimension_numbers<[0], [0], [1], [1], [0, 1, 1, 1], [], []>, precision = #tpu.contract_precision<fp32>, transpose_lhs_hint = false} : vector<512x64xf32>, vector<512x128xf32>, vector<64x128xf32> -> vector<64x128xf32>
      %swap3A_90 = arith.constant 0 : index
      %swap3A_91 = arith.constant 4 : index
      %swap3A_92 = arith.constant 0 : index
      %swap3A_93 = arith.constant 0 : index
      %swap3A_94 = vector.load %arg5[%swap3A_90, %swap3A_91, %swap3A_92, %swap3A_93] : memref<1x16x64x128xf32, #tpu.memory_space<vmem>>, vector<1x1x64x128xf32>
      %swap3A_95 = vector.shape_cast %swap3A_94 : vector<1x1x64x128xf32> to vector<64x128xf32>
      %swap3A_96 = vector.shape_cast %dot_general3A_89 : vector<64x128xf32> to vector<1x1x64x128xf32>
      tpu.vector_store %arg5[%swap3A_90, %swap3A_91, %swap3A_92, %swap3A_93], %swap3A_96 {strides = array<i32>} : memref<1x16x64x128xf32, #tpu.memory_space<vmem>>, vector<1x1x64x128xf32>,
      %slice3A_97 = vector.extract_strided_slice %exp3A {offsets = [0, 5], sizes = [512, 1], strides = [1, 1]} : vector<512x16xf32> to vector<512x1xf32>
      %squeeze3A_98 = vector.shape_cast %slice3A_97 : vector<512x1xf32> to vector<512xf32>
      %broadcast_in_dim3A_99 = vector.shape_cast %squeeze3A_98 : vector<512xf32> to vector<512x1xf32>
      %mul3A_100 = vector.broadcast %broadcast_in_dim3A_99 : vector<512x1xf32> to vector<512x128xf32>
      %mul3A_101 = arith.mulf %get3A_3, %mul3A_100 : vector<512x128xf32>
      %dot_general3A_102 = arith.constant dense<0.000000e+00> : vector<64x128xf32>
      %dot_general3A_103 = tpu.matmul %convert_element_type3A_14, %mul3A_101, %dot_general3A_102 {dimension_numbers = #tpu.dot_dimension_numbers<[0], [0], [1], [1], [0, 1, 1, 1], [], []>, precision = #tpu.contract_precision<fp32>, transpose_lhs_hint = false} : vector<512x64xf32>, vector<512x128xf32>, vector<64x128xf32> -> vector<64x128xf32>
      %swap3A_104 = arith.constant 0 : index
      %swap3A_105 = arith.constant 5 : index
      %swap3A_106 = arith.constant 0 : index
      %swap3A_107 = arith.constant 0 : index
      %swap3A_108 = vector.load %arg5[%swap3A_104, %swap3A_105, %swap3A_106, %swap3A_107] : memref<1x16x64x128xf32, #tpu.memory_space<vmem>>, vector<1x1x64x128xf32>
      %swap3A_109 = vector.shape_cast %swap3A_108 : vector<1x1x64x128xf32> to vector<64x128xf32>
      %swap3A_110 = vector.shape_cast %dot_general3A_103 : vector<64x128xf32> to vector<1x1x64x128xf32>
      tpu.vector_store %arg5[%swap3A_104, %swap3A_105, %swap3A_106, %swap3A_107], %swap3A_110 {strides = array<i32>} : memref<1x16x64x128xf32, #tpu.memory_space<vmem>>, vector<1x1x64x128xf32>,
      %slice3A_111 = vector.extract_strided_slice %exp3A {offsets = [0, 6], sizes = [512, 1], strides = [1, 1]} : vector<512x16xf32> to vector<512x1xf32>
      %squeeze3A_112 = vector.shape_cast %slice3A_111 : vector<512x1xf32> to vector<512xf32>
      %broadcast_in_dim3A_113 = vector.shape_cast %squeeze3A_112 : vector<512xf32> to vector<512x1xf32>
      %mul3A_114 = vector.broadcast %broadcast_in_dim3A_113 : vector<512x1xf32> to vector<512x128xf32>
      %mul3A_115 = arith.mulf %get3A_3, %mul3A_114 : vector<512x128xf32>
      %dot_general3A_116 = arith.constant dense<0.000000e+00> : vector<64x128xf32>
      %dot_general3A_117 = tpu.matmul %convert_element_type3A_14, %mul3A_115, %dot_general3A_116 {dimension_numbers = #tpu.dot_dimension_numbers<[0], [0], [1], [1], [0, 1, 1, 1], [], []>, precision = #tpu.contract_precision<fp32>, transpose_lhs_hint = false} : vector<512x64xf32>, vector<512x128xf32>, vector<64x128xf32> -> vector<64x128xf32>
      %swap3A_118 = arith.constant 0 : index
      %swap3A_119 = arith.constant 6 : index
      %swap3A_120 = arith.constant 0 : index
      %swap3A_121 = arith.constant 0 : index
      %swap3A_122 = vector.load %arg5[%swap3A_118, %swap3A_119, %swap3A_120, %swap3A_121] : memref<1x16x64x128xf32, #tpu.memory_space<vmem>>, vector<1x1x64x128xf32>
      %swap3A_123 = vector.shape_cast %swap3A_122 : vector<1x1x64x128xf32> to vector<64x128xf32>
      %swap3A_124 = vector.shape_cast %dot_general3A_117 : vector<64x128xf32> to vector<1x1x64x128xf32>
      tpu.vector_store %arg5[%swap3A_118, %swap3A_119, %swap3A_120, %swap3A_121], %swap3A_124 {strides = array<i32>} : memref<1x16x64x128xf32, #tpu.memory_space<vmem>>, vector<1x1x64x128xf32>,
      %slice3A_125 = vector.extract_strided_slice %exp3A {offsets = [0, 7], sizes = [512, 1], strides = [1, 1]} : vector<512x16xf32> to vector<512x1xf32>
      %squeeze3A_126 = vector.shape_cast %slice3A_125 : vector<512x1xf32> to vector<512xf32>
      %broadcast_in_dim3A_127 = vector.shape_cast %squeeze3A_126 : vector<512xf32> to vector<512x1xf32>
      %mul3A_128 = vector.broadcast %broadcast_in_dim3A_127 : vector<512x1xf32> to vector<512x128xf32>
      %mul3A_129 = arith.mulf %get3A_3, %mul3A_128 : vector<512x128xf32>
      %dot_general3A_130 = arith.constant dense<0.000000e+00> : vector<64x128xf32>
      %dot_general3A_131 = tpu.matmul %convert_element_type3A_14, %mul3A_129, %dot_general3A_130 {dimension_numbers = #tpu.dot_dimension_numbers<[0], [0], [1], [1], [0, 1, 1, 1], [], []>, precision = #tpu.contract_precision<fp32>, transpose_lhs_hint = false} : vector<512x64xf32>, vector<512x128xf32>, vector<64x128xf32> -> vector<64x128xf32>
      %swap3A_132 = arith.constant 0 : index
      %swap3A_133 = arith.constant 7 : index
      %swap3A_134 = arith.constant 0 : index
      %swap3A_135 = arith.constant 0 : index
      %swap3A_136 = vector.load %arg5[%swap3A_132, %swap3A_133, %swap3A_134, %swap3A_135] : memref<1x16x64x128xf32, #tpu.memory_space<vmem>>, vector<1x1x64x128xf32>
      %swap3A_137 = vector.shape_cast %swap3A_136 : vector<1x1x64x128xf32> to vector<64x128xf32>
      %swap3A_138 = vector.shape_cast %dot_general3A_131 : vector<64x128xf32> to vector<1x1x64x128xf32>
      tpu.vector_store %arg5[%swap3A_132, %swap3A_133, %swap3A_134, %swap3A_135], %swap3A_138 {strides = array<i32>} : memref<1x16x64x128xf32, #tpu.memory_space<vmem>>, vector<1x1x64x128xf32>,
      %slice3A_139 = vector.extract_strided_slice %exp3A {offsets = [0, 8], sizes = [512, 1], strides = [1, 1]} : vector<512x16xf32> to vector<512x1xf32>
      %squeeze3A_140 = vector.shape_cast %slice3A_139 : vector<512x1xf32> to vector<512xf32>
      %broadcast_in_dim3A_141 = vector.shape_cast %squeeze3A_140 : vector<512xf32> to vector<512x1xf32>
      %mul3A_142 = vector.broadcast %broadcast_in_dim3A_141 : vector<512x1xf32> to vector<512x128xf32>
      %mul3A_143 = arith.mulf %get3A_3, %mul3A_142 : vector<512x128xf32>
      %dot_general3A_144 = arith.constant dense<0.000000e+00> : vector<64x128xf32>
      %dot_general3A_145 = tpu.matmul %convert_element_type3A_14, %mul3A_143, %dot_general3A_144 {dimension_numbers = #tpu.dot_dimension_numbers<[0], [0], [1], [1], [0, 1, 1, 1], [], []>, precision = #tpu.contract_precision<fp32>, transpose_lhs_hint = false} : vector<512x64xf32>, vector<512x128xf32>, vector<64x128xf32> -> vector<64x128xf32>
      %swap3A_146 = arith.constant 0 : index
      %swap3A_147 = arith.constant 8 : index
      %swap3A_148 = arith.constant 0 : index
      %swap3A_149 = arith.constant 0 : index
      %swap3A_150 = vector.load %arg5[%swap3A_146, %swap3A_147, %swap3A_148, %swap3A_149] : memref<1x16x64x128xf32, #tpu.memory_space<vmem>>, vector<1x1x64x128xf32>
      %swap3A_151 = vector.shape_cast %swap3A_150 : vector<1x1x64x128xf32> to vector<64x128xf32>
      %swap3A_152 = vector.shape_cast %dot_general3A_145 : vector<64x128xf32> to vector<1x1x64x128xf32>
      tpu.vector_store %arg5[%swap3A_146, %swap3A_147, %swap3A_148, %swap3A_149], %swap3A_152 {strides = array<i32>} : memref<1x16x64x128xf32, #tpu.memory_space<vmem>>, vector<1x1x64x128xf32>,
      %slice3A_153 = vector.extract_strided_slice %exp3A {offsets = [0, 9], sizes = [512, 1], strides = [1, 1]} : vector<512x16xf32> to vector<512x1xf32>
      %squeeze3A_154 = vector.shape_cast %slice3A_153 : vector<512x1xf32> to vector<512xf32>
      %broadcast_in_dim3A_155 = vector.shape_cast %squeeze3A_154 : vector<512xf32> to vector<512x1xf32>
      %mul3A_156 = vector.broadcast %broadcast_in_dim3A_155 : vector<512x1xf32> to vector<512x128xf32>
      %mul3A_157 = arith.mulf %get3A_3, %mul3A_156 : vector<512x128xf32>
      %dot_general3A_158 = arith.constant dense<0.000000e+00> : vector<64x128xf32>
      %dot_general3A_159 = tpu.matmul %convert_element_type3A_14, %mul3A_157, %dot_general3A_158 {dimension_numbers = #tpu.dot_dimension_numbers<[0], [0], [1], [1], [0, 1, 1, 1], [], []>, precision = #tpu.contract_precision<fp32>, transpose_lhs_hint = false} : vector<512x64xf32>, vector<512x128xf32>, vector<64x128xf32> -> vector<64x128xf32>
      %swap3A_160 = arith.constant 0 : index
      %swap3A_161 = arith.constant 9 : index
      %swap3A_162 = arith.constant 0 : index
      %swap3A_163 = arith.constant 0 : index
      %swap3A_164 = vector.load %arg5[%swap3A_160, %swap3A_161, %swap3A_162, %swap3A_163] : memref<1x16x64x128xf32, #tpu.memory_space<vmem>>, vector<1x1x64x128xf32>
      %swap3A_165 = vector.shape_cast %swap3A_164 : vector<1x1x64x128xf32> to vector<64x128xf32>
      %swap3A_166 = vector.shape_cast %dot_general3A_159 : vector<64x128xf32> to vector<1x1x64x128xf32>
      tpu.vector_store %arg5[%swap3A_160, %swap3A_161, %swap3A_162, %swap3A_163], %swap3A_166 {strides = array<i32>} : memref<1x16x64x128xf32, #tpu.memory_space<vmem>>, vector<1x1x64x128xf32>,
      %slice3A_167 = vector.extract_strided_slice %exp3A {offsets = [0, 10], sizes = [512, 1], strides = [1, 1]} : vector<512x16xf32> to vector<512x1xf32>
      %squeeze3A_168 = vector.shape_cast %slice3A_167 : vector<512x1xf32> to vector<512xf32>
      %broadcast_in_dim3A_169 = vector.shape_cast %squeeze3A_168 : vector<512xf32> to vector<512x1xf32>
      %mul3A_170 = vector.broadcast %broadcast_in_dim3A_169 : vector<512x1xf32> to vector<512x128xf32>
      %mul3A_171 = arith.mulf %get3A_3, %mul3A_170 : vector<512x128xf32>
      %dot_general3A_172 = arith.constant dense<0.000000e+00> : vector<64x128xf32>
      %dot_general3A_173 = tpu.matmul %convert_element_type3A_14, %mul3A_171, %dot_general3A_172 {dimension_numbers = #tpu.dot_dimension_numbers<[0], [0], [1], [1], [0, 1, 1, 1], [], []>, precision = #tpu.contract_precision<fp32>, transpose_lhs_hint = false} : vector<512x64xf32>, vector<512x128xf32>, vector<64x128xf32> -> vector<64x128xf32>
      %swap3A_174 = arith.constant 0 : index
      %swap3A_175 = arith.constant 10 : index
      %swap3A_176 = arith.constant 0 : index
      %swap3A_177 = arith.constant 0 : index
      %swap3A_178 = vector.load %arg5[%swap3A_174, %swap3A_175, %swap3A_176, %swap3A_177] : memref<1x16x64x128xf32, #tpu.memory_space<vmem>>, vector<1x1x64x128xf32>
      %swap3A_179 = vector.shape_cast %swap3A_178 : vector<1x1x64x128xf32> to vector<64x128xf32>
      %swap3A_180 = vector.shape_cast %dot_general3A_173 : vector<64x128xf32> to vector<1x1x64x128xf32>
      tpu.vector_store %arg5[%swap3A_174, %swap3A_175, %swap3A_176, %swap3A_177], %swap3A_180 {strides = array<i32>} : memref<1x16x64x128xf32, #tpu.memory_space<vmem>>, vector<1x1x64x128xf32>,
      %slice3A_181 = vector.extract_strided_slice %exp3A {offsets = [0, 11], sizes = [512, 1], strides = [1, 1]} : vector<512x16xf32> to vector<512x1xf32>
      %squeeze3A_182 = vector.shape_cast %slice3A_181 : vector<512x1xf32> to vector<512xf32>
      %broadcast_in_dim3A_183 = vector.shape_cast %squeeze3A_182 : vector<512xf32> to vector<512x1xf32>
      %mul3A_184 = vector.broadcast %broadcast_in_dim3A_183 : vector<512x1xf32> to vector<512x128xf32>
      %mul3A_185 = arith.mulf %get3A_3, %mul3A_184 : vector<512x128xf32>
      %dot_general3A_186 = arith.constant dense<0.000000e+00> : vector<64x128xf32>
      %dot_general3A_187 = tpu.matmul %convert_element_type3A_14, %mul3A_185, %dot_general3A_186 {dimension_numbers = #tpu.dot_dimension_numbers<[0], [0], [1], [1], [0, 1, 1, 1], [], []>, precision = #tpu.contract_precision<fp32>, transpose_lhs_hint = false} : vector<512x64xf32>, vector<512x128xf32>, vector<64x128xf32> -> vector<64x128xf32>
      %swap3A_188 = arith.constant 0 : index
      %swap3A_189 = arith.constant 11 : index
      %swap3A_190 = arith.constant 0 : index
      %swap3A_191 = arith.constant 0 : index
      %swap3A_192 = vector.load %arg5[%swap3A_188, %swap3A_189, %swap3A_190, %swap3A_191] : memref<1x16x64x128xf32, #tpu.memory_space<vmem>>, vector<1x1x64x128xf32>
      %swap3A_193 = vector.shape_cast %swap3A_192 : vector<1x1x64x128xf32> to vector<64x128xf32>
      %swap3A_194 = vector.shape_cast %dot_general3A_187 : vector<64x128xf32> to vector<1x1x64x128xf32>
      tpu.vector_store %arg5[%swap3A_188, %swap3A_189, %swap3A_190, %swap3A_191], %swap3A_194 {strides = array<i32>} : memref<1x16x64x128xf32, #tpu.memory_space<vmem>>, vector<1x1x64x128xf32>,
      %slice3A_195 = vector.extract_strided_slice %exp3A {offsets = [0, 12], sizes = [512, 1], strides = [1, 1]} : vector<512x16xf32> to vector<512x1xf32>
      %squeeze3A_196 = vector.shape_cast %slice3A_195 : vector<512x1xf32> to vector<512xf32>
      %broadcast_in_dim3A_197 = vector.shape_cast %squeeze3A_196 : vector<512xf32> to vector<512x1xf32>
      %mul3A_198 = vector.broadcast %broadcast_in_dim3A_197 : vector<512x1xf32> to vector<512x128xf32>
      %mul3A_199 = arith.mulf %get3A_3, %mul3A_198 : vector<512x128xf32>
      %dot_general3A_200 = arith.constant dense<0.000000e+00> : vector<64x128xf32>
      %dot_general3A_201 = tpu.matmul %convert_element_type3A_14, %mul3A_199, %dot_general3A_200 {dimension_numbers = #tpu.dot_dimension_numbers<[0], [0], [1], [1], [0, 1, 1, 1], [], []>, precision = #tpu.contract_precision<fp32>, transpose_lhs_hint = false} : vector<512x64xf32>, vector<512x128xf32>, vector<64x128xf32> -> vector<64x128xf32>
      %swap3A_202 = arith.constant 0 : index
      %swap3A_203 = arith.constant 12 : index
      %swap3A_204 = arith.constant 0 : index
      %swap3A_205 = arith.constant 0 : index
      %swap3A_206 = vector.load %arg5[%swap3A_202, %swap3A_203, %swap3A_204, %swap3A_205] : memref<1x16x64x128xf32, #tpu.memory_space<vmem>>, vector<1x1x64x128xf32>
      %swap3A_207 = vector.shape_cast %swap3A_206 : vector<1x1x64x128xf32> to vector<64x128xf32>
      %swap3A_208 = vector.shape_cast %dot_general3A_201 : vector<64x128xf32> to vector<1x1x64x128xf32>
      tpu.vector_store %arg5[%swap3A_202, %swap3A_203, %swap3A_204, %swap3A_205], %swap3A_208 {strides = array<i32>} : memref<1x16x64x128xf32, #tpu.memory_space<vmem>>, vector<1x1x64x128xf32>,
      %slice3A_209 = vector.extract_strided_slice %exp3A {offsets = [0, 13], sizes = [512, 1], strides = [1, 1]} : vector<512x16xf32> to vector<512x1xf32>
      %squeeze3A_210 = vector.shape_cast %slice3A_209 : vector<512x1xf32> to vector<512xf32>
      %broadcast_in_dim3A_211 = vector.shape_cast %squeeze3A_210 : vector<512xf32> to vector<512x1xf32>
      %mul3A_212 = vector.broadcast %broadcast_in_dim3A_211 : vector<512x1xf32> to vector<512x128xf32>
      %mul3A_213 = arith.mulf %get3A_3, %mul3A_212 : vector<512x128xf32>
      %dot_general3A_214 = arith.constant dense<0.000000e+00> : vector<64x128xf32>
      %dot_general3A_215 = tpu.matmul %convert_element_type3A_14, %mul3A_213, %dot_general3A_214 {dimension_numbers = #tpu.dot_dimension_numbers<[0], [0], [1], [1], [0, 1, 1, 1], [], []>, precision = #tpu.contract_precision<fp32>, transpose_lhs_hint = false} : vector<512x64xf32>, vector<512x128xf32>, vector<64x128xf32> -> vector<64x128xf32>
      %swap3A_216 = arith.constant 0 : index
      %swap3A_217 = arith.constant 13 : index
      %swap3A_218 = arith.constant 0 : index
      %swap3A_219 = arith.constant 0 : index
      %swap3A_220 = vector.load %arg5[%swap3A_216, %swap3A_217, %swap3A_218, %swap3A_219] : memref<1x16x64x128xf32, #tpu.memory_space<vmem>>, vector<1x1x64x128xf32>
      %swap3A_221 = vector.shape_cast %swap3A_220 : vector<1x1x64x128xf32> to vector<64x128xf32>
      %swap3A_222 = vector.shape_cast %dot_general3A_215 : vector<64x128xf32> to vector<1x1x64x128xf32>
      tpu.vector_store %arg5[%swap3A_216, %swap3A_217, %swap3A_218, %swap3A_219], %swap3A_222 {strides = array<i32>} : memref<1x16x64x128xf32, #tpu.memory_space<vmem>>, vector<1x1x64x128xf32>,
      %slice3A_223 = vector.extract_strided_slice %exp3A {offsets = [0, 14], sizes = [512, 1], strides = [1, 1]} : vector<512x16xf32> to vector<512x1xf32>
      %squeeze3A_224 = vector.shape_cast %slice3A_223 : vector<512x1xf32> to vector<512xf32>
      %broadcast_in_dim3A_225 = vector.shape_cast %squeeze3A_224 : vector<512xf32> to vector<512x1xf32>
      %mul3A_226 = vector.broadcast %broadcast_in_dim3A_225 : vector<512x1xf32> to vector<512x128xf32>
      %mul3A_227 = arith.mulf %get3A_3, %mul3A_226 : vector<512x128xf32>
      %dot_general3A_228 = arith.constant dense<0.000000e+00> : vector<64x128xf32>
      %dot_general3A_229 = tpu.matmul %convert_element_type3A_14, %mul3A_227, %dot_general3A_228 {dimension_numbers = #tpu.dot_dimension_numbers<[0], [0], [1], [1], [0, 1, 1, 1], [], []>, precision = #tpu.contract_precision<fp32>, transpose_lhs_hint = false} : vector<512x64xf32>, vector<512x128xf32>, vector<64x128xf32> -> vector<64x128xf32>
      %swap3A_230 = arith.constant 0 : index
      %swap3A_231 = arith.constant 14 : index
      %swap3A_232 = arith.constant 0 : index
      %swap3A_233 = arith.constant 0 : index
      %swap3A_234 = vector.load %arg5[%swap3A_230, %swap3A_231, %swap3A_232, %swap3A_233] : memref<1x16x64x128xf32, #tpu.memory_space<vmem>>, vector<1x1x64x128xf32>
      %swap3A_235 = vector.shape_cast %swap3A_234 : vector<1x1x64x128xf32> to vector<64x128xf32>
      %swap3A_236 = vector.shape_cast %dot_general3A_229 : vector<64x128xf32> to vector<1x1x64x128xf32>
      tpu.vector_store %arg5[%swap3A_230, %swap3A_231, %swap3A_232, %swap3A_233], %swap3A_236 {strides = array<i32>} : memref<1x16x64x128xf32, #tpu.memory_space<vmem>>, vector<1x1x64x128xf32>,
      %slice3A_237 = vector.extract_strided_slice %exp3A {offsets = [0, 15], sizes = [512, 1], strides = [1, 1]} : vector<512x16xf32> to vector<512x1xf32>
      %squeeze3A_238 = vector.shape_cast %slice3A_237 : vector<512x1xf32> to vector<512xf32>
      %broadcast_in_dim3A_239 = vector.shape_cast %squeeze3A_238 : vector<512xf32> to vector<512x1xf32>
      %mul3A_240 = vector.broadcast %broadcast_in_dim3A_239 : vector<512x1xf32> to vector<512x128xf32>
      %mul3A_241 = arith.mulf %get3A_3, %mul3A_240 : vector<512x128xf32>
      %dot_general3A_242 = arith.constant dense<0.000000e+00> : vector<64x128xf32>
      %dot_general3A_243 = tpu.matmul %convert_element_type3A_14, %mul3A_241, %dot_general3A_242 {dimension_numbers = #tpu.dot_dimension_numbers<[0], [0], [1], [1], [0, 1, 1, 1], [], []>, precision = #tpu.contract_precision<fp32>, transpose_lhs_hint = false} : vector<512x64xf32>, vector<512x128xf32>, vector<64x128xf32> -> vector<64x128xf32>
      %swap3A_244 = arith.constant 0 : index
      %swap3A_245 = arith.constant 15 : index
      %swap3A_246 = arith.constant 0 : index
      %swap3A_247 = arith.constant 0 : index
      %swap3A_248 = vector.load %arg5[%swap3A_244, %swap3A_245, %swap3A_246, %swap3A_247] : memref<1x16x64x128xf32, #tpu.memory_space<vmem>>, vector<1x1x64x128xf32>
      %swap3A_249 = vector.shape_cast %swap3A_248 : vector<1x1x64x128xf32> to vector<64x128xf32>
      %swap3A_250 = vector.shape_cast %dot_general3A_243 : vector<64x128xf32> to vector<1x1x64x128xf32>
      tpu.vector_store %arg5[%swap3A_244, %swap3A_245, %swap3A_246, %swap3A_247], %swap3A_250 {strides = array<i32>} : memref<1x16x64x128xf32, #tpu.memory_space<vmem>>, vector<1x1x64x128xf32>,
    } else {
    }
    %gt3A = arith.constant 0 : i32
    %gt3A_21 = arith.cmpi sgt, %arg1, %gt3A : i32
    %convert_element_type3A_22 = arith.extui %gt3A_21 : i1 to i32
    %cond3A_23 = arith.constant 0 : i32
    %cond3A_24 = arith.cmpi ne, %convert_element_type3A_22, %cond3A_23 : i32
    scf.if %cond3A_24 {
      %get3A_25 = arith.constant 0 : index
      %get3A_26 = arith.constant 0 : index
      %get3A_27 = arith.constant 0 : index
      %get3A_28 = vector.load %arg6[%get3A_25, %get3A_26, %get3A_27] : memref<1x64x16xf32, #tpu.memory_space<vmem>>, vector<1x64x16xf32>
      %get3A_29 = vector.shape_cast %get3A_28 : vector<1x64x16xf32> to vector<64x16xf32>
      %add3A = arith.addf %get3A_29, %dot_general3A_16 : vector<64x16xf32>
      %swap3A = arith.constant 0 : index
      %swap3A_30 = arith.constant 0 : index
      %swap3A_31 = arith.constant 0 : index
      %swap3A_32 = vector.load %arg6[%swap3A, %swap3A_30, %swap3A_31] : memref<1x64x16xf32, #tpu.memory_space<vmem>>, vector<1x64x16xf32>
      %swap3A_33 = vector.shape_cast %swap3A_32 : vector<1x64x16xf32> to vector<64x16xf32>
      %swap3A_34 = vector.shape_cast %add3A : vector<64x16xf32> to vector<1x64x16xf32>
      tpu.vector_store %arg6[%swap3A, %swap3A_30, %swap3A_31], %swap3A_34 {strides = array<i32>} : memref<1x64x16xf32, #tpu.memory_space<vmem>>, vector<1x64x16xf32>,
      %slice3A = vector.extract_strided_slice %exp3A {offsets = [0, 0], sizes = [512, 1], strides = [1, 1]} : vector<512x16xf32> to vector<512x1xf32>
      %squeeze3A = vector.shape_cast %slice3A : vector<512x1xf32> to vector<512xf32>
      %broadcast_in_dim3A_35 = vector.shape_cast %squeeze3A : vector<512xf32> to vector<512x1xf32>
      %mul3A = vector.broadcast %broadcast_in_dim3A_35 : vector<512x1xf32> to vector<512x128xf32>
      %mul3A_36 = arith.mulf %get3A_3, %mul3A : vector<512x128xf32>
      %get3A_37 = arith.constant 0 : index
      %get3A_38 = arith.constant 0 : index
      %get3A_39 = arith.constant 0 : index
      %get3A_40 = arith.constant 0 : index
      %get3A_41 = vector.load %arg5[%get3A_37, %get3A_38, %get3A_39, %get3A_40] : memref<1x16x64x128xf32, #tpu.memory_space<vmem>>, vector<1x1x64x128xf32>
      %get3A_42 = vector.shape_cast %get3A_41 : vector<1x1x64x128xf32> to vector<64x128xf32>
      %dot_general3A_43 = arith.constant dense<0.000000e+00> : vector<64x128xf32>
      %dot_general3A_44 = tpu.matmul %convert_element_type3A_14, %mul3A_36, %dot_general3A_43 {dimension_numbers = #tpu.dot_dimension_numbers<[0], [0], [1], [1], [0, 1, 1, 1], [], []>, precision = #tpu.contract_precision<fp32>, transpose_lhs_hint = false} : vector<512x64xf32>, vector<512x128xf32>, vector<64x128xf32> -> vector<64x128xf32>
      %add3A_45 = arith.addf %get3A_42, %dot_general3A_44 : vector<64x128xf32>
      %swap3A_46 = arith.constant 0 : index
      %swap3A_47 = arith.constant 0 : index
      %swap3A_48 = arith.constant 0 : index
      %swap3A_49 = arith.constant 0 : index
      %swap3A_50 = vector.load %arg5[%swap3A_46, %swap3A_47, %swap3A_48, %swap3A_49] : memref<1x16x64x128xf32, #tpu.memory_space<vmem>>, vector<1x1x64x128xf32>
      %swap3A_51 = vector.shape_cast %swap3A_50 : vector<1x1x64x128xf32> to vector<64x128xf32>
      %swap3A_52 = vector.shape_cast %add3A_45 : vector<64x128xf32> to vector<1x1x64x128xf32>
      tpu.vector_store %arg5[%swap3A_46, %swap3A_47, %swap3A_48, %swap3A_49], %swap3A_52 {strides = array<i32>} : memref<1x16x64x128xf32, #tpu.memory_space<vmem>>, vector<1x1x64x128xf32>,
      %slice3A_53 = vector.extract_strided_slice %exp3A {offsets = [0, 1], sizes = [512, 1], strides = [1, 1]} : vector<512x16xf32> to vector<512x1xf32>
      %squeeze3A_54 = vector.shape_cast %slice3A_53 : vector<512x1xf32> to vector<512xf32>
      %broadcast_in_dim3A_55 = vector.shape_cast %squeeze3A_54 : vector<512xf32> to vector<512x1xf32>
      %mul3A_56 = vector.broadcast %broadcast_in_dim3A_55 : vector<512x1xf32> to vector<512x128xf32>
      %mul3A_57 = arith.mulf %get3A_3, %mul3A_56 : vector<512x128xf32>
      %get3A_58 = arith.constant 0 : index
      %get3A_59 = arith.constant 1 : index
      %get3A_60 = arith.constant 0 : index
      %get3A_61 = arith.constant 0 : index
      %get3A_62 = vector.load %arg5[%get3A_58, %get3A_59, %get3A_60, %get3A_61] : memref<1x16x64x128xf32, #tpu.memory_space<vmem>>, vector<1x1x64x128xf32>
      %get3A_63 = vector.shape_cast %get3A_62 : vector<1x1x64x128xf32> to vector<64x128xf32>
      %dot_general3A_64 = arith.constant dense<0.000000e+00> : vector<64x128xf32>
      %dot_general3A_65 = tpu.matmul %convert_element_type3A_14, %mul3A_57, %dot_general3A_64 {dimension_numbers = #tpu.dot_dimension_numbers<[0], [0], [1], [1], [0, 1, 1, 1], [], []>, precision = #tpu.contract_precision<fp32>, transpose_lhs_hint = false} : vector<512x64xf32>, vector<512x128xf32>, vector<64x128xf32> -> vector<64x128xf32>
      %add3A_66 = arith.addf %get3A_63, %dot_general3A_65 : vector<64x128xf32>
      %swap3A_67 = arith.constant 0 : index
      %swap3A_68 = arith.constant 1 : index
      %swap3A_69 = arith.constant 0 : index
      %swap3A_70 = arith.constant 0 : index
      %swap3A_71 = vector.load %arg5[%swap3A_67, %swap3A_68, %swap3A_69, %swap3A_70] : memref<1x16x64x128xf32, #tpu.memory_space<vmem>>, vector<1x1x64x128xf32>
      %swap3A_72 = vector.shape_cast %swap3A_71 : vector<1x1x64x128xf32> to vector<64x128xf32>
      %swap3A_73 = vector.shape_cast %add3A_66 : vector<64x128xf32> to vector<1x1x64x128xf32>
      tpu.vector_store %arg5[%swap3A_67, %swap3A_68, %swap3A_69, %swap3A_70], %swap3A_73 {strides = array<i32>} : memref<1x16x64x128xf32, #tpu.memory_space<vmem>>, vector<1x1x64x128xf32>,
      %slice3A_74 = vector.extract_strided_slice %exp3A {offsets = [0, 2], sizes = [512, 1], strides = [1, 1]} : vector<512x16xf32> to vector<512x1xf32>
      %squeeze3A_75 = vector.shape_cast %slice3A_74 : vector<512x1xf32> to vector<512xf32>
      %broadcast_in_dim3A_76 = vector.shape_cast %squeeze3A_75 : vector<512xf32> to vector<512x1xf32>
      %mul3A_77 = vector.broadcast %broadcast_in_dim3A_76 : vector<512x1xf32> to vector<512x128xf32>
      %mul3A_78 = arith.mulf %get3A_3, %mul3A_77 : vector<512x128xf32>
      %get3A_79 = arith.constant 0 : index
      %get3A_80 = arith.constant 2 : index
      %get3A_81 = arith.constant 0 : index
      %get3A_82 = arith.constant 0 : index
      %get3A_83 = vector.load %arg5[%get3A_79, %get3A_80, %get3A_81, %get3A_82] : memref<1x16x64x128xf32, #tpu.memory_space<vmem>>, vector<1x1x64x128xf32>
      %get3A_84 = vector.shape_cast %get3A_83 : vector<1x1x64x128xf32> to vector<64x128xf32>
      %dot_general3A_85 = arith.constant dense<0.000000e+00> : vector<64x128xf32>
      %dot_general3A_86 = tpu.matmul %convert_element_type3A_14, %mul3A_78, %dot_general3A_85 {dimension_numbers = #tpu.dot_dimension_numbers<[0], [0], [1], [1], [0, 1, 1, 1], [], []>, precision = #tpu.contract_precision<fp32>, transpose_lhs_hint = false} : vector<512x64xf32>, vector<512x128xf32>, vector<64x128xf32> -> vector<64x128xf32>
      %add3A_87 = arith.addf %get3A_84, %dot_general3A_86 : vector<64x128xf32>
      %swap3A_88 = arith.constant 0 : index
      %swap3A_89 = arith.constant 2 : index
      %swap3A_90 = arith.constant 0 : index
      %swap3A_91 = arith.constant 0 : index
      %swap3A_92 = vector.load %arg5[%swap3A_88, %swap3A_89, %swap3A_90, %swap3A_91] : memref<1x16x64x128xf32, #tpu.memory_space<vmem>>, vector<1x1x64x128xf32>
      %swap3A_93 = vector.shape_cast %swap3A_92 : vector<1x1x64x128xf32> to vector<64x128xf32>
      %swap3A_94 = vector.shape_cast %add3A_87 : vector<64x128xf32> to vector<1x1x64x128xf32>
      tpu.vector_store %arg5[%swap3A_88, %swap3A_89, %swap3A_90, %swap3A_91], %swap3A_94 {strides = array<i32>} : memref<1x16x64x128xf32, #tpu.memory_space<vmem>>, vector<1x1x64x128xf32>,
      %slice3A_95 = vector.extract_strided_slice %exp3A {offsets = [0, 3], sizes = [512, 1], strides = [1, 1]} : vector<512x16xf32> to vector<512x1xf32>
      %squeeze3A_96 = vector.shape_cast %slice3A_95 : vector<512x1xf32> to vector<512xf32>
      %broadcast_in_dim3A_97 = vector.shape_cast %squeeze3A_96 : vector<512xf32> to vector<512x1xf32>
      %mul3A_98 = vector.broadcast %broadcast_in_dim3A_97 : vector<512x1xf32> to vector<512x128xf32>
      %mul3A_99 = arith.mulf %get3A_3, %mul3A_98 : vector<512x128xf32>
      %get3A_100 = arith.constant 0 : index
      %get3A_101 = arith.constant 3 : index
      %get3A_102 = arith.constant 0 : index
      %get3A_103 = arith.constant 0 : index
      %get3A_104 = vector.load %arg5[%get3A_100, %get3A_101, %get3A_102, %get3A_103] : memref<1x16x64x128xf32, #tpu.memory_space<vmem>>, vector<1x1x64x128xf32>
      %get3A_105 = vector.shape_cast %get3A_104 : vector<1x1x64x128xf32> to vector<64x128xf32>
      %dot_general3A_106 = arith.constant dense<0.000000e+00> : vector<64x128xf32>
      %dot_general3A_107 = tpu.matmul %convert_element_type3A_14, %mul3A_99, %dot_general3A_106 {dimension_numbers = #tpu.dot_dimension_numbers<[0], [0], [1], [1], [0, 1, 1, 1], [], []>, precision = #tpu.contract_precision<fp32>, transpose_lhs_hint = false} : vector<512x64xf32>, vector<512x128xf32>, vector<64x128xf32> -> vector<64x128xf32>
      %add3A_108 = arith.addf %get3A_105, %dot_general3A_107 : vector<64x128xf32>
      %swap3A_109 = arith.constant 0 : index
      %swap3A_110 = arith.constant 3 : index
      %swap3A_111 = arith.constant 0 : index
      %swap3A_112 = arith.constant 0 : index
      %swap3A_113 = vector.load %arg5[%swap3A_109, %swap3A_110, %swap3A_111, %swap3A_112] : memref<1x16x64x128xf32, #tpu.memory_space<vmem>>, vector<1x1x64x128xf32>
      %swap3A_114 = vector.shape_cast %swap3A_113 : vector<1x1x64x128xf32> to vector<64x128xf32>
      %swap3A_115 = vector.shape_cast %add3A_108 : vector<64x128xf32> to vector<1x1x64x128xf32>
      tpu.vector_store %arg5[%swap3A_109, %swap3A_110, %swap3A_111, %swap3A_112], %swap3A_115 {strides = array<i32>} : memref<1x16x64x128xf32, #tpu.memory_space<vmem>>, vector<1x1x64x128xf32>,
      %slice3A_116 = vector.extract_strided_slice %exp3A {offsets = [0, 4], sizes = [512, 1], strides = [1, 1]} : vector<512x16xf32> to vector<512x1xf32>
      %squeeze3A_117 = vector.shape_cast %slice3A_116 : vector<512x1xf32> to vector<512xf32>
      %broadcast_in_dim3A_118 = vector.shape_cast %squeeze3A_117 : vector<512xf32> to vector<512x1xf32>
      %mul3A_119 = vector.broadcast %broadcast_in_dim3A_118 : vector<512x1xf32> to vector<512x128xf32>
      %mul3A_120 = arith.mulf %get3A_3, %mul3A_119 : vector<512x128xf32>
      %get3A_121 = arith.constant 0 : index
      %get3A_122 = arith.constant 4 : index
      %get3A_123 = arith.constant 0 : index
      %get3A_124 = arith.constant 0 : index
      %get3A_125 = vector.load %arg5[%get3A_121, %get3A_122, %get3A_123, %get3A_124] : memref<1x16x64x128xf32, #tpu.memory_space<vmem>>, vector<1x1x64x128xf32>
      %get3A_126 = vector.shape_cast %get3A_125 : vector<1x1x64x128xf32> to vector<64x128xf32>
      %dot_general3A_127 = arith.constant dense<0.000000e+00> : vector<64x128xf32>
      %dot_general3A_128 = tpu.matmul %convert_element_type3A_14, %mul3A_120, %dot_general3A_127 {dimension_numbers = #tpu.dot_dimension_numbers<[0], [0], [1], [1], [0, 1, 1, 1], [], []>, precision = #tpu.contract_precision<fp32>, transpose_lhs_hint = false} : vector<512x64xf32>, vector<512x128xf32>, vector<64x128xf32> -> vector<64x128xf32>
      %add3A_129 = arith.addf %get3A_126, %dot_general3A_128 : vector<64x128xf32>
      %swap3A_130 = arith.constant 0 : index
      %swap3A_131 = arith.constant 4 : index
      %swap3A_132 = arith.constant 0 : index
      %swap3A_133 = arith.constant 0 : index
      %swap3A_134 = vector.load %arg5[%swap3A_130, %swap3A_131, %swap3A_132, %swap3A_133] : memref<1x16x64x128xf32, #tpu.memory_space<vmem>>, vector<1x1x64x128xf32>
      %swap3A_135 = vector.shape_cast %swap3A_134 : vector<1x1x64x128xf32> to vector<64x128xf32>
      %swap3A_136 = vector.shape_cast %add3A_129 : vector<64x128xf32> to vector<1x1x64x128xf32>
      tpu.vector_store %arg5[%swap3A_130, %swap3A_131, %swap3A_132, %swap3A_133], %swap3A_136 {strides = array<i32>} : memref<1x16x64x128xf32, #tpu.memory_space<vmem>>, vector<1x1x64x128xf32>,
      %slice3A_137 = vector.extract_strided_slice %exp3A {offsets = [0, 5], sizes = [512, 1], strides = [1, 1]} : vector<512x16xf32> to vector<512x1xf32>
      %squeeze3A_138 = vector.shape_cast %slice3A_137 : vector<512x1xf32> to vector<512xf32>
      %broadcast_in_dim3A_139 = vector.shape_cast %squeeze3A_138 : vector<512xf32> to vector<512x1xf32>
      %mul3A_140 = vector.broadcast %broadcast_in_dim3A_139 : vector<512x1xf32> to vector<512x128xf32>
      %mul3A_141 = arith.mulf %get3A_3, %mul3A_140 : vector<512x128xf32>
      %get3A_142 = arith.constant 0 : index
      %get3A_143 = arith.constant 5 : index
      %get3A_144 = arith.constant 0 : index
      %get3A_145 = arith.constant 0 : index
      %get3A_146 = vector.load %arg5[%get3A_142, %get3A_143, %get3A_144, %get3A_145] : memref<1x16x64x128xf32, #tpu.memory_space<vmem>>, vector<1x1x64x128xf32>
      %get3A_147 = vector.shape_cast %get3A_146 : vector<1x1x64x128xf32> to vector<64x128xf32>
      %dot_general3A_148 = arith.constant dense<0.000000e+00> : vector<64x128xf32>
      %dot_general3A_149 = tpu.matmul %convert_element_type3A_14, %mul3A_141, %dot_general3A_148 {dimension_numbers = #tpu.dot_dimension_numbers<[0], [0], [1], [1], [0, 1, 1, 1], [], []>, precision = #tpu.contract_precision<fp32>, transpose_lhs_hint = false} : vector<512x64xf32>, vector<512x128xf32>, vector<64x128xf32> -> vector<64x128xf32>
      %add3A_150 = arith.addf %get3A_147, %dot_general3A_149 : vector<64x128xf32>
      %swap3A_151 = arith.constant 0 : index
      %swap3A_152 = arith.constant 5 : index
      %swap3A_153 = arith.constant 0 : index
      %swap3A_154 = arith.constant 0 : index
      %swap3A_155 = vector.load %arg5[%swap3A_151, %swap3A_152, %swap3A_153, %swap3A_154] : memref<1x16x64x128xf32, #tpu.memory_space<vmem>>, vector<1x1x64x128xf32>
      %swap3A_156 = vector.shape_cast %swap3A_155 : vector<1x1x64x128xf32> to vector<64x128xf32>
      %swap3A_157 = vector.shape_cast %add3A_150 : vector<64x128xf32> to vector<1x1x64x128xf32>
      tpu.vector_store %arg5[%swap3A_151, %swap3A_152, %swap3A_153, %swap3A_154], %swap3A_157 {strides = array<i32>} : memref<1x16x64x128xf32, #tpu.memory_space<vmem>>, vector<1x1x64x128xf32>,
      %slice3A_158 = vector.extract_strided_slice %exp3A {offsets = [0, 6], sizes = [512, 1], strides = [1, 1]} : vector<512x16xf32> to vector<512x1xf32>
      %squeeze3A_159 = vector.shape_cast %slice3A_158 : vector<512x1xf32> to vector<512xf32>
      %broadcast_in_dim3A_160 = vector.shape_cast %squeeze3A_159 : vector<512xf32> to vector<512x1xf32>
      %mul3A_161 = vector.broadcast %broadcast_in_dim3A_160 : vector<512x1xf32> to vector<512x128xf32>
      %mul3A_162 = arith.mulf %get3A_3, %mul3A_161 : vector<512x128xf32>
      %get3A_163 = arith.constant 0 : index
      %get3A_164 = arith.constant 6 : index
      %get3A_165 = arith.constant 0 : index
      %get3A_166 = arith.constant 0 : index
      %get3A_167 = vector.load %arg5[%get3A_163, %get3A_164, %get3A_165, %get3A_166] : memref<1x16x64x128xf32, #tpu.memory_space<vmem>>, vector<1x1x64x128xf32>
      %get3A_168 = vector.shape_cast %get3A_167 : vector<1x1x64x128xf32> to vector<64x128xf32>
      %dot_general3A_169 = arith.constant dense<0.000000e+00> : vector<64x128xf32>
      %dot_general3A_170 = tpu.matmul %convert_element_type3A_14, %mul3A_162, %dot_general3A_169 {dimension_numbers = #tpu.dot_dimension_numbers<[0], [0], [1], [1], [0, 1, 1, 1], [], []>, precision = #tpu.contract_precision<fp32>, transpose_lhs_hint = false} : vector<512x64xf32>, vector<512x128xf32>, vector<64x128xf32> -> vector<64x128xf32>
      %add3A_171 = arith.addf %get3A_168, %dot_general3A_170 : vector<64x128xf32>
      %swap3A_172 = arith.constant 0 : index
      %swap3A_173 = arith.constant 6 : index
      %swap3A_174 = arith.constant 0 : index
      %swap3A_175 = arith.constant 0 : index
      %swap3A_176 = vector.load %arg5[%swap3A_172, %swap3A_173, %swap3A_174, %swap3A_175] : memref<1x16x64x128xf32, #tpu.memory_space<vmem>>, vector<1x1x64x128xf32>
      %swap3A_177 = vector.shape_cast %swap3A_176 : vector<1x1x64x128xf32> to vector<64x128xf32>
      %swap3A_178 = vector.shape_cast %add3A_171 : vector<64x128xf32> to vector<1x1x64x128xf32>
      tpu.vector_store %arg5[%swap3A_172, %swap3A_173, %swap3A_174, %swap3A_175], %swap3A_178 {strides = array<i32>} : memref<1x16x64x128xf32, #tpu.memory_space<vmem>>, vector<1x1x64x128xf32>,
      %slice3A_179 = vector.extract_strided_slice %exp3A {offsets = [0, 7], sizes = [512, 1], strides = [1, 1]} : vector<512x16xf32> to vector<512x1xf32>
      %squeeze3A_180 = vector.shape_cast %slice3A_179 : vector<512x1xf32> to vector<512xf32>
      %broadcast_in_dim3A_181 = vector.shape_cast %squeeze3A_180 : vector<512xf32> to vector<512x1xf32>
      %mul3A_182 = vector.broadcast %broadcast_in_dim3A_181 : vector<512x1xf32> to vector<512x128xf32>
      %mul3A_183 = arith.mulf %get3A_3, %mul3A_182 : vector<512x128xf32>
      %get3A_184 = arith.constant 0 : index
      %get3A_185 = arith.constant 7 : index
      %get3A_186 = arith.constant 0 : index
      %get3A_187 = arith.constant 0 : index
      %get3A_188 = vector.load %arg5[%get3A_184, %get3A_185, %get3A_186, %get3A_187] : memref<1x16x64x128xf32, #tpu.memory_space<vmem>>, vector<1x1x64x128xf32>
      %get3A_189 = vector.shape_cast %get3A_188 : vector<1x1x64x128xf32> to vector<64x128xf32>
      %dot_general3A_190 = arith.constant dense<0.000000e+00> : vector<64x128xf32>
      %dot_general3A_191 = tpu.matmul %convert_element_type3A_14, %mul3A_183, %dot_general3A_190 {dimension_numbers = #tpu.dot_dimension_numbers<[0], [0], [1], [1], [0, 1, 1, 1], [], []>, precision = #tpu.contract_precision<fp32>, transpose_lhs_hint = false} : vector<512x64xf32>, vector<512x128xf32>, vector<64x128xf32> -> vector<64x128xf32>
      %add3A_192 = arith.addf %get3A_189, %dot_general3A_191 : vector<64x128xf32>
      %swap3A_193 = arith.constant 0 : index
      %swap3A_194 = arith.constant 7 : index
      %swap3A_195 = arith.constant 0 : index
      %swap3A_196 = arith.constant 0 : index
      %swap3A_197 = vector.load %arg5[%swap3A_193, %swap3A_194, %swap3A_195, %swap3A_196] : memref<1x16x64x128xf32, #tpu.memory_space<vmem>>, vector<1x1x64x128xf32>
      %swap3A_198 = vector.shape_cast %swap3A_197 : vector<1x1x64x128xf32> to vector<64x128xf32>
      %swap3A_199 = vector.shape_cast %add3A_192 : vector<64x128xf32> to vector<1x1x64x128xf32>
      tpu.vector_store %arg5[%swap3A_193, %swap3A_194, %swap3A_195, %swap3A_196], %swap3A_199 {strides = array<i32>} : memref<1x16x64x128xf32, #tpu.memory_space<vmem>>, vector<1x1x64x128xf32>,
      %slice3A_200 = vector.extract_strided_slice %exp3A {offsets = [0, 8], sizes = [512, 1], strides = [1, 1]} : vector<512x16xf32> to vector<512x1xf32>
      %squeeze3A_201 = vector.shape_cast %slice3A_200 : vector<512x1xf32> to vector<512xf32>
      %broadcast_in_dim3A_202 = vector.shape_cast %squeeze3A_201 : vector<512xf32> to vector<512x1xf32>
      %mul3A_203 = vector.broadcast %broadcast_in_dim3A_202 : vector<512x1xf32> to vector<512x128xf32>
      %mul3A_204 = arith.mulf %get3A_3, %mul3A_203 : vector<512x128xf32>
      %get3A_205 = arith.constant 0 : index
      %get3A_206 = arith.constant 8 : index
      %get3A_207 = arith.constant 0 : index
      %get3A_208 = arith.constant 0 : index
      %get3A_209 = vector.load %arg5[%get3A_205, %get3A_206, %get3A_207, %get3A_208] : memref<1x16x64x128xf32, #tpu.memory_space<vmem>>, vector<1x1x64x128xf32>
      %get3A_210 = vector.shape_cast %get3A_209 : vector<1x1x64x128xf32> to vector<64x128xf32>
      %dot_general3A_211 = arith.constant dense<0.000000e+00> : vector<64x128xf32>
      %dot_general3A_212 = tpu.matmul %convert_element_type3A_14, %mul3A_204, %dot_general3A_211 {dimension_numbers = #tpu.dot_dimension_numbers<[0], [0], [1], [1], [0, 1, 1, 1], [], []>, precision = #tpu.contract_precision<fp32>, transpose_lhs_hint = false} : vector<512x64xf32>, vector<512x128xf32>, vector<64x128xf32> -> vector<64x128xf32>
      %add3A_213 = arith.addf %get3A_210, %dot_general3A_212 : vector<64x128xf32>
      %swap3A_214 = arith.constant 0 : index
      %swap3A_215 = arith.constant 8 : index
      %swap3A_216 = arith.constant 0 : index
      %swap3A_217 = arith.constant 0 : index
      %swap3A_218 = vector.load %arg5[%swap3A_214, %swap3A_215, %swap3A_216, %swap3A_217] : memref<1x16x64x128xf32, #tpu.memory_space<vmem>>, vector<1x1x64x128xf32>
      %swap3A_219 = vector.shape_cast %swap3A_218 : vector<1x1x64x128xf32> to vector<64x128xf32>
      %swap3A_220 = vector.shape_cast %add3A_213 : vector<64x128xf32> to vector<1x1x64x128xf32>
      tpu.vector_store %arg5[%swap3A_214, %swap3A_215, %swap3A_216, %swap3A_217], %swap3A_220 {strides = array<i32>} : memref<1x16x64x128xf32, #tpu.memory_space<vmem>>, vector<1x1x64x128xf32>,
      %slice3A_221 = vector.extract_strided_slice %exp3A {offsets = [0, 9], sizes = [512, 1], strides = [1, 1]} : vector<512x16xf32> to vector<512x1xf32>
      %squeeze3A_222 = vector.shape_cast %slice3A_221 : vector<512x1xf32> to vector<512xf32>
      %broadcast_in_dim3A_223 = vector.shape_cast %squeeze3A_222 : vector<512xf32> to vector<512x1xf32>
      %mul3A_224 = vector.broadcast %broadcast_in_dim3A_223 : vector<512x1xf32> to vector<512x128xf32>
      %mul3A_225 = arith.mulf %get3A_3, %mul3A_224 : vector<512x128xf32>
      %get3A_226 = arith.constant 0 : index
      %get3A_227 = arith.constant 9 : index
      %get3A_228 = arith.constant 0 : index
      %get3A_229 = arith.constant 0 : index
      %get3A_230 = vector.load %arg5[%get3A_226, %get3A_227, %get3A_228, %get3A_229] : memref<1x16x64x128xf32, #tpu.memory_space<vmem>>, vector<1x1x64x128xf32>
      %get3A_231 = vector.shape_cast %get3A_230 : vector<1x1x64x128xf32> to vector<64x128xf32>
      %dot_general3A_232 = arith.constant dense<0.000000e+00> : vector<64x128xf32>
      %dot_general3A_233 = tpu.matmul %convert_element_type3A_14, %mul3A_225, %dot_general3A_232 {dimension_numbers = #tpu.dot_dimension_numbers<[0], [0], [1], [1], [0, 1, 1, 1], [], []>, precision = #tpu.contract_precision<fp32>, transpose_lhs_hint = false} : vector<512x64xf32>, vector<512x128xf32>, vector<64x128xf32> -> vector<64x128xf32>
      %add3A_234 = arith.addf %get3A_231, %dot_general3A_233 : vector<64x128xf32>
      %swap3A_235 = arith.constant 0 : index
      %swap3A_236 = arith.constant 9 : index
      %swap3A_237 = arith.constant 0 : index
      %swap3A_238 = arith.constant 0 : index
      %swap3A_239 = vector.load %arg5[%swap3A_235, %swap3A_236, %swap3A_237, %swap3A_238] : memref<1x16x64x128xf32, #tpu.memory_space<vmem>>, vector<1x1x64x128xf32>
      %swap3A_240 = vector.shape_cast %swap3A_239 : vector<1x1x64x128xf32> to vector<64x128xf32>
      %swap3A_241 = vector.shape_cast %add3A_234 : vector<64x128xf32> to vector<1x1x64x128xf32>
      tpu.vector_store %arg5[%swap3A_235, %swap3A_236, %swap3A_237, %swap3A_238], %swap3A_241 {strides = array<i32>} : memref<1x16x64x128xf32, #tpu.memory_space<vmem>>, vector<1x1x64x128xf32>,
      %slice3A_242 = vector.extract_strided_slice %exp3A {offsets = [0, 10], sizes = [512, 1], strides = [1, 1]} : vector<512x16xf32> to vector<512x1xf32>
      %squeeze3A_243 = vector.shape_cast %slice3A_242 : vector<512x1xf32> to vector<512xf32>
      %broadcast_in_dim3A_244 = vector.shape_cast %squeeze3A_243 : vector<512xf32> to vector<512x1xf32>
      %mul3A_245 = vector.broadcast %broadcast_in_dim3A_244 : vector<512x1xf32> to vector<512x128xf32>
      %mul3A_246 = arith.mulf %get3A_3, %mul3A_245 : vector<512x128xf32>
      %get3A_247 = arith.constant 0 : index
      %get3A_248 = arith.constant 10 : index
      %get3A_249 = arith.constant 0 : index
      %get3A_250 = arith.constant 0 : index
      %get3A_251 = vector.load %arg5[%get3A_247, %get3A_248, %get3A_249, %get3A_250] : memref<1x16x64x128xf32, #tpu.memory_space<vmem>>, vector<1x1x64x128xf32>
      %get3A_252 = vector.shape_cast %get3A_251 : vector<1x1x64x128xf32> to vector<64x128xf32>
      %dot_general3A_253 = arith.constant dense<0.000000e+00> : vector<64x128xf32>
      %dot_general3A_254 = tpu.matmul %convert_element_type3A_14, %mul3A_246, %dot_general3A_253 {dimension_numbers = #tpu.dot_dimension_numbers<[0], [0], [1], [1], [0, 1, 1, 1], [], []>, precision = #tpu.contract_precision<fp32>, transpose_lhs_hint = false} : vector<512x64xf32>, vector<512x128xf32>, vector<64x128xf32> -> vector<64x128xf32>
      %add3A_255 = arith.addf %get3A_252, %dot_general3A_254 : vector<64x128xf32>
      %swap3A_256 = arith.constant 0 : index
      %swap3A_257 = arith.constant 10 : index
      %swap3A_258 = arith.constant 0 : index
      %swap3A_259 = arith.constant 0 : index
      %swap3A_260 = vector.load %arg5[%swap3A_256, %swap3A_257, %swap3A_258, %swap3A_259] : memref<1x16x64x128xf32, #tpu.memory_space<vmem>>, vector<1x1x64x128xf32>
      %swap3A_261 = vector.shape_cast %swap3A_260 : vector<1x1x64x128xf32> to vector<64x128xf32>
      %swap3A_262 = vector.shape_cast %add3A_255 : vector<64x128xf32> to vector<1x1x64x128xf32>
      tpu.vector_store %arg5[%swap3A_256, %swap3A_257, %swap3A_258, %swap3A_259], %swap3A_262 {strides = array<i32>} : memref<1x16x64x128xf32, #tpu.memory_space<vmem>>, vector<1x1x64x128xf32>,
      %slice3A_263 = vector.extract_strided_slice %exp3A {offsets = [0, 11], sizes = [512, 1], strides = [1, 1]} : vector<512x16xf32> to vector<512x1xf32>
      %squeeze3A_264 = vector.shape_cast %slice3A_263 : vector<512x1xf32> to vector<512xf32>
      %broadcast_in_dim3A_265 = vector.shape_cast %squeeze3A_264 : vector<512xf32> to vector<512x1xf32>
      %mul3A_266 = vector.broadcast %broadcast_in_dim3A_265 : vector<512x1xf32> to vector<512x128xf32>
      %mul3A_267 = arith.mulf %get3A_3, %mul3A_266 : vector<512x128xf32>
      %get3A_268 = arith.constant 0 : index
      %get3A_269 = arith.constant 11 : index
      %get3A_270 = arith.constant 0 : index
      %get3A_271 = arith.constant 0 : index
      %get3A_272 = vector.load %arg5[%get3A_268, %get3A_269, %get3A_270, %get3A_271] : memref<1x16x64x128xf32, #tpu.memory_space<vmem>>, vector<1x1x64x128xf32>
      %get3A_273 = vector.shape_cast %get3A_272 : vector<1x1x64x128xf32> to vector<64x128xf32>
      %dot_general3A_274 = arith.constant dense<0.000000e+00> : vector<64x128xf32>
      %dot_general3A_275 = tpu.matmul %convert_element_type3A_14, %mul3A_267, %dot_general3A_274 {dimension_numbers = #tpu.dot_dimension_numbers<[0], [0], [1], [1], [0, 1, 1, 1], [], []>, precision = #tpu.contract_precision<fp32>, transpose_lhs_hint = false} : vector<512x64xf32>, vector<512x128xf32>, vector<64x128xf32> -> vector<64x128xf32>
      %add3A_276 = arith.addf %get3A_273, %dot_general3A_275 : vector<64x128xf32>
      %swap3A_277 = arith.constant 0 : index
      %swap3A_278 = arith.constant 11 : index
      %swap3A_279 = arith.constant 0 : index
      %swap3A_280 = arith.constant 0 : index
      %swap3A_281 = vector.load %arg5[%swap3A_277, %swap3A_278, %swap3A_279, %swap3A_280] : memref<1x16x64x128xf32, #tpu.memory_space<vmem>>, vector<1x1x64x128xf32>
      %swap3A_282 = vector.shape_cast %swap3A_281 : vector<1x1x64x128xf32> to vector<64x128xf32>
      %swap3A_283 = vector.shape_cast %add3A_276 : vector<64x128xf32> to vector<1x1x64x128xf32>
      tpu.vector_store %arg5[%swap3A_277, %swap3A_278, %swap3A_279, %swap3A_280], %swap3A_283 {strides = array<i32>} : memref<1x16x64x128xf32, #tpu.memory_space<vmem>>, vector<1x1x64x128xf32>,
      %slice3A_284 = vector.extract_strided_slice %exp3A {offsets = [0, 12], sizes = [512, 1], strides = [1, 1]} : vector<512x16xf32> to vector<512x1xf32>
      %squeeze3A_285 = vector.shape_cast %slice3A_284 : vector<512x1xf32> to vector<512xf32>
      %broadcast_in_dim3A_286 = vector.shape_cast %squeeze3A_285 : vector<512xf32> to vector<512x1xf32>
      %mul3A_287 = vector.broadcast %broadcast_in_dim3A_286 : vector<512x1xf32> to vector<512x128xf32>
      %mul3A_288 = arith.mulf %get3A_3, %mul3A_287 : vector<512x128xf32>
      %get3A_289 = arith.constant 0 : index
      %get3A_290 = arith.constant 12 : index
      %get3A_291 = arith.constant 0 : index
      %get3A_292 = arith.constant 0 : index
      %get3A_293 = vector.load %arg5[%get3A_289, %get3A_290, %get3A_291, %get3A_292] : memref<1x16x64x128xf32, #tpu.memory_space<vmem>>, vector<1x1x64x128xf32>
      %get3A_294 = vector.shape_cast %get3A_293 : vector<1x1x64x128xf32> to vector<64x128xf32>
      %dot_general3A_295 = arith.constant dense<0.000000e+00> : vector<64x128xf32>
      %dot_general3A_296 = tpu.matmul %convert_element_type3A_14, %mul3A_288, %dot_general3A_295 {dimension_numbers = #tpu.dot_dimension_numbers<[0], [0], [1], [1], [0, 1, 1, 1], [], []>, precision = #tpu.contract_precision<fp32>, transpose_lhs_hint = false} : vector<512x64xf32>, vector<512x128xf32>, vector<64x128xf32> -> vector<64x128xf32>
      %add3A_297 = arith.addf %get3A_294, %dot_general3A_296 : vector<64x128xf32>
      %swap3A_298 = arith.constant 0 : index
      %swap3A_299 = arith.constant 12 : index
      %swap3A_300 = arith.constant 0 : index
      %swap3A_301 = arith.constant 0 : index
      %swap3A_302 = vector.load %arg5[%swap3A_298, %swap3A_299, %swap3A_300, %swap3A_301] : memref<1x16x64x128xf32, #tpu.memory_space<vmem>>, vector<1x1x64x128xf32>
      %swap3A_303 = vector.shape_cast %swap3A_302 : vector<1x1x64x128xf32> to vector<64x128xf32>
      %swap3A_304 = vector.shape_cast %add3A_297 : vector<64x128xf32> to vector<1x1x64x128xf32>
      tpu.vector_store %arg5[%swap3A_298, %swap3A_299, %swap3A_300, %swap3A_301], %swap3A_304 {strides = array<i32>} : memref<1x16x64x128xf32, #tpu.memory_space<vmem>>, vector<1x1x64x128xf32>,
      %slice3A_305 = vector.extract_strided_slice %exp3A {offsets = [0, 13], sizes = [512, 1], strides = [1, 1]} : vector<512x16xf32> to vector<512x1xf32>
      %squeeze3A_306 = vector.shape_cast %slice3A_305 : vector<512x1xf32> to vector<512xf32>
      %broadcast_in_dim3A_307 = vector.shape_cast %squeeze3A_306 : vector<512xf32> to vector<512x1xf32>
      %mul3A_308 = vector.broadcast %broadcast_in_dim3A_307 : vector<512x1xf32> to vector<512x128xf32>
      %mul3A_309 = arith.mulf %get3A_3, %mul3A_308 : vector<512x128xf32>
      %get3A_310 = arith.constant 0 : index
      %get3A_311 = arith.constant 13 : index
      %get3A_312 = arith.constant 0 : index
      %get3A_313 = arith.constant 0 : index
      %get3A_314 = vector.load %arg5[%get3A_310, %get3A_311, %get3A_312, %get3A_313] : memref<1x16x64x128xf32, #tpu.memory_space<vmem>>, vector<1x1x64x128xf32>
      %get3A_315 = vector.shape_cast %get3A_314 : vector<1x1x64x128xf32> to vector<64x128xf32>
      %dot_general3A_316 = arith.constant dense<0.000000e+00> : vector<64x128xf32>
      %dot_general3A_317 = tpu.matmul %convert_element_type3A_14, %mul3A_309, %dot_general3A_316 {dimension_numbers = #tpu.dot_dimension_numbers<[0], [0], [1], [1], [0, 1, 1, 1], [], []>, precision = #tpu.contract_precision<fp32>, transpose_lhs_hint = false} : vector<512x64xf32>, vector<512x128xf32>, vector<64x128xf32> -> vector<64x128xf32>
      %add3A_318 = arith.addf %get3A_315, %dot_general3A_317 : vector<64x128xf32>
      %swap3A_319 = arith.constant 0 : index
      %swap3A_320 = arith.constant 13 : index
      %swap3A_321 = arith.constant 0 : index
      %swap3A_322 = arith.constant 0 : index
      %swap3A_323 = vector.load %arg5[%swap3A_319, %swap3A_320, %swap3A_321, %swap3A_322] : memref<1x16x64x128xf32, #tpu.memory_space<vmem>>, vector<1x1x64x128xf32>
      %swap3A_324 = vector.shape_cast %swap3A_323 : vector<1x1x64x128xf32> to vector<64x128xf32>
      %swap3A_325 = vector.shape_cast %add3A_318 : vector<64x128xf32> to vector<1x1x64x128xf32>
      tpu.vector_store %arg5[%swap3A_319, %swap3A_320, %swap3A_321, %swap3A_322], %swap3A_325 {strides = array<i32>} : memref<1x16x64x128xf32, #tpu.memory_space<vmem>>, vector<1x1x64x128xf32>,
      %slice3A_326 = vector.extract_strided_slice %exp3A {offsets = [0, 14], sizes = [512, 1], strides = [1, 1]} : vector<512x16xf32> to vector<512x1xf32>
      %squeeze3A_327 = vector.shape_cast %slice3A_326 : vector<512x1xf32> to vector<512xf32>
      %broadcast_in_dim3A_328 = vector.shape_cast %squeeze3A_327 : vector<512xf32> to vector<512x1xf32>
      %mul3A_329 = vector.broadcast %broadcast_in_dim3A_328 : vector<512x1xf32> to vector<512x128xf32>
      %mul3A_330 = arith.mulf %get3A_3, %mul3A_329 : vector<512x128xf32>
      %get3A_331 = arith.constant 0 : index
      %get3A_332 = arith.constant 14 : index
      %get3A_333 = arith.constant 0 : index
      %get3A_334 = arith.constant 0 : index
      %get3A_335 = vector.load %arg5[%get3A_331, %get3A_332, %get3A_333, %get3A_334] : memref<1x16x64x128xf32, #tpu.memory_space<vmem>>, vector<1x1x64x128xf32>
      %get3A_336 = vector.shape_cast %get3A_335 : vector<1x1x64x128xf32> to vector<64x128xf32>
      %dot_general3A_337 = arith.constant dense<0.000000e+00> : vector<64x128xf32>
      %dot_general3A_338 = tpu.matmul %convert_element_type3A_14, %mul3A_330, %dot_general3A_337 {dimension_numbers = #tpu.dot_dimension_numbers<[0], [0], [1], [1], [0, 1, 1, 1], [], []>, precision = #tpu.contract_precision<fp32>, transpose_lhs_hint = false} : vector<512x64xf32>, vector<512x128xf32>, vector<64x128xf32> -> vector<64x128xf32>
      %add3A_339 = arith.addf %get3A_336, %dot_general3A_338 : vector<64x128xf32>
      %swap3A_340 = arith.constant 0 : index
      %swap3A_341 = arith.constant 14 : index
      %swap3A_342 = arith.constant 0 : index
      %swap3A_343 = arith.constant 0 : index
      %swap3A_344 = vector.load %arg5[%swap3A_340, %swap3A_341, %swap3A_342, %swap3A_343] : memref<1x16x64x128xf32, #tpu.memory_space<vmem>>, vector<1x1x64x128xf32>
      %swap3A_345 = vector.shape_cast %swap3A_344 : vector<1x1x64x128xf32> to vector<64x128xf32>
      %swap3A_346 = vector.shape_cast %add3A_339 : vector<64x128xf32> to vector<1x1x64x128xf32>
      tpu.vector_store %arg5[%swap3A_340, %swap3A_341, %swap3A_342, %swap3A_343], %swap3A_346 {strides = array<i32>} : memref<1x16x64x128xf32, #tpu.memory_space<vmem>>, vector<1x1x64x128xf32>,
      %slice3A_347 = vector.extract_strided_slice %exp3A {offsets = [0, 15], sizes = [512, 1], strides = [1, 1]} : vector<512x16xf32> to vector<512x1xf32>
      %squeeze3A_348 = vector.shape_cast %slice3A_347 : vector<512x1xf32> to vector<512xf32>
      %broadcast_in_dim3A_349 = vector.shape_cast %squeeze3A_348 : vector<512xf32> to vector<512x1xf32>
      %mul3A_350 = vector.broadcast %broadcast_in_dim3A_349 : vector<512x1xf32> to vector<512x128xf32>
      %mul3A_351 = arith.mulf %get3A_3, %mul3A_350 : vector<512x128xf32>
      %get3A_352 = arith.constant 0 : index
      %get3A_353 = arith.constant 15 : index
      %get3A_354 = arith.constant 0 : index
      %get3A_355 = arith.constant 0 : index
      %get3A_356 = vector.load %arg5[%get3A_352, %get3A_353, %get3A_354, %get3A_355] : memref<1x16x64x128xf32, #tpu.memory_space<vmem>>, vector<1x1x64x128xf32>
      %get3A_357 = vector.shape_cast %get3A_356 : vector<1x1x64x128xf32> to vector<64x128xf32>
      %dot_general3A_358 = arith.constant dense<0.000000e+00> : vector<64x128xf32>
      %dot_general3A_359 = tpu.matmul %convert_element_type3A_14, %mul3A_351, %dot_general3A_358 {dimension_numbers = #tpu.dot_dimension_numbers<[0], [0], [1], [1], [0, 1, 1, 1], [], []>, precision = #tpu.contract_precision<fp32>, transpose_lhs_hint = false} : vector<512x64xf32>, vector<512x128xf32>, vector<64x128xf32> -> vector<64x128xf32>
      %add3A_360 = arith.addf %get3A_357, %dot_general3A_359 : vector<64x128xf32>
      %swap3A_361 = arith.constant 0 : index
      %swap3A_362 = arith.constant 15 : index
      %swap3A_363 = arith.constant 0 : index
      %swap3A_364 = arith.constant 0 : index
      %swap3A_365 = vector.load %arg5[%swap3A_361, %swap3A_362, %swap3A_363, %swap3A_364] : memref<1x16x64x128xf32, #tpu.memory_space<vmem>>, vector<1x1x64x128xf32>
      %swap3A_366 = vector.shape_cast %swap3A_365 : vector<1x1x64x128xf32> to vector<64x128xf32>
      %swap3A_367 = vector.shape_cast %add3A_360 : vector<64x128xf32> to vector<1x1x64x128xf32>
      tpu.vector_store %arg5[%swap3A_361, %swap3A_362, %swap3A_363, %swap3A_364], %swap3A_367 {strides = array<i32>} : memref<1x16x64x128xf32, #tpu.memory_space<vmem>>, vector<1x1x64x128xf32>,
    } else {
    }
    return
  }
  func.func @transform_0(%arg0: i32, %arg1: i32) -> (i32, i32, i32) {
    %c0_i32 = arith.constant 0 : i32
    %c0_i32_0 = arith.constant 0 : i32
    return %arg0, %arg1, %c0_i32 : i32, i32, i32
  }
  func.func @transform_1(%arg0: i32, %arg1: i32) -> (i32, i32, i32) {
    %mul3A = arith.constant 20 : i32
    %mul3A_0 = arith.muli %arg0, %mul3A : i32
    %add3A = arith.addi %mul3A_0, %arg1 : i32
    %c0_i32 = arith.constant 0 : i32
    %c0_i32_1 = arith.constant 0 : i32
    %c0_i32_2 = arith.constant 0 : i32
    return %add3A, %c0_i32, %c0_i32_1 : i32, i32, i32
  }
  func.func @transform_2(%arg0: i32, %arg1: i32) -> (i32, i32) {
    %c0_i32 = arith.constant 0 : i32
    %c0_i32_0 = arith.constant 0 : i32
    %c0_i32_1 = arith.constant 0 : i32
    return %c0_i32, %c0_i32_0 : i32, i32
  }
  func.func @transform_3(%arg0: i32, %arg1: i32) -> (i32, i32, i32, i32) {
    %c0_i32 = arith.constant 0 : i32
    %c0_i32_0 = arith.constant 0 : i32
    %c0_i32_1 = arith.constant 0 : i32
    %c0_i32_2 = arith.constant 0 : i32
    return %arg0, %c0_i32, %c0_i32_0, %c0_i32_1 : i32, i32, i32, i32
  }
  func.func @transform_4(%arg0: i32, %arg1: i32) -> (i32, i32, i32) {
    %c0_i32 = arith.constant 0 : i32
    %c0_i32_0 = arith.constant 0 : i32
    %c0_i32_1 = arith.constant 0 : i32
    return %arg0, %c0_i32, %c0_i32_0 : i32, i32, i32
  }
}

module attributes {stable_mosaic.version = 14 : i64} {
  func.func @_tc_final_body(%arg0: memref<512x128xf32, #tpu.memory_space<vmem>>, %arg1: memref<512x128xf32, #tpu.memory_space<vmem>>, %arg2: memref<512x128xf32, #tpu.memory_space<vmem>>, %arg3: memref<512x128xf32, #tpu.memory_space<vmem>>, %arg4: memref<512x1xf32, #tpu.memory_space<vmem>>, %arg5: memref<512x1xf32, #tpu.memory_space<vmem>>, %arg6: memref<512x1xf32, #tpu.memory_space<vmem>>, %arg7: memref<512x1xf32, #tpu.memory_space<vmem>>, %arg8: memref<320x128xf32, #tpu.memory_space<vmem>>, %arg9: memref<128xf32, #tpu.memory_space<vmem>>, %arg10: memref<128x128xf32, #tpu.memory_space<vmem>>, %arg11: memref<128xf32, #tpu.memory_space<vmem>>, %arg12: memref<128x128xf32, #tpu.memory_space<vmem>>, %arg13: memref<128xf32, #tpu.memory_space<vmem>>, %arg14: memref<128x1xf32, #tpu.memory_space<vmem>>, %arg15: memref<1xf32, #tpu.memory_space<vmem>>, %arg16: memref<64x1xf32, #tpu.memory_space<vmem>>) attributes {dimension_semantics = [], scalar_prefetch = 0 : i64, scratch_operands = 0 : i64, tpu.core_type = #tpu.core_type<tc>} {
    %get3A = arith.constant 0 : index
    %get3A_0 = arith.constant 0 : index
    %get3A_1 = vector.load %arg0[%get3A, %get3A_0] : memref<512x128xf32, #tpu.memory_space<vmem>>, vector<512x128xf32>
    %get3A_2 = arith.constant 0 : index
    %get3A_3 = arith.constant 0 : index
    %get3A_4 = vector.load %arg4[%get3A_2, %get3A_3] : memref<512x1xf32, #tpu.memory_space<vmem>>, vector<512x1xf32>
    %max3A = arith.constant 9.99999971E-10 : f32
    %max3A_5 = vector.broadcast %max3A : f32 to vector<512x1xf32>
    %max3A_6 = arith.maximumf %get3A_4, %max3A_5 : vector<512x1xf32>
    %div3A = vector.broadcast %max3A_6 : vector<512x1xf32> to vector<512x128xf32>
    %div3A_7 = arith.divf %get3A_1, %div3A : vector<512x128xf32>
    %get3A_8 = arith.constant 0 : index
    %get3A_9 = arith.constant 0 : index
    %get3A_10 = vector.load %arg1[%get3A_8, %get3A_9] : memref<512x128xf32, #tpu.memory_space<vmem>>, vector<512x128xf32>
    %get3A_11 = arith.constant 0 : index
    %get3A_12 = arith.constant 0 : index
    %get3A_13 = vector.load %arg5[%get3A_11, %get3A_12] : memref<512x1xf32, #tpu.memory_space<vmem>>, vector<512x1xf32>
    %max3A_14 = arith.constant 9.99999971E-10 : f32
    %max3A_15 = vector.broadcast %max3A_14 : f32 to vector<512x1xf32>
    %max3A_16 = arith.maximumf %get3A_13, %max3A_15 : vector<512x1xf32>
    %div3A_17 = vector.broadcast %max3A_16 : vector<512x1xf32> to vector<512x128xf32>
    %div3A_18 = arith.divf %get3A_10, %div3A_17 : vector<512x128xf32>
    %get3A_19 = arith.constant 0 : index
    %get3A_20 = arith.constant 0 : index
    %get3A_21 = vector.load %arg2[%get3A_19, %get3A_20] : memref<512x128xf32, #tpu.memory_space<vmem>>, vector<512x128xf32>
    %get3A_22 = arith.constant 0 : index
    %get3A_23 = arith.constant 0 : index
    %get3A_24 = vector.load %arg6[%get3A_22, %get3A_23] : memref<512x1xf32, #tpu.memory_space<vmem>>, vector<512x1xf32>
    %max3A_25 = arith.constant 9.99999971E-10 : f32
    %max3A_26 = vector.broadcast %max3A_25 : f32 to vector<512x1xf32>
    %max3A_27 = arith.maximumf %get3A_24, %max3A_26 : vector<512x1xf32>
    %div3A_28 = vector.broadcast %max3A_27 : vector<512x1xf32> to vector<512x128xf32>
    %div3A_29 = arith.divf %get3A_21, %div3A_28 : vector<512x128xf32>
    %get3A_30 = arith.constant 0 : index
    %get3A_31 = arith.constant 0 : index
    %get3A_32 = vector.load %arg3[%get3A_30, %get3A_31] : memref<512x128xf32, #tpu.memory_space<vmem>>, vector<512x128xf32>
    %get3A_33 = arith.constant 0 : index
    %get3A_34 = arith.constant 0 : index
    %get3A_35 = vector.load %arg7[%get3A_33, %get3A_34] : memref<512x1xf32, #tpu.memory_space<vmem>>, vector<512x1xf32>
    %max3A_36 = arith.constant 9.99999971E-10 : f32
    %max3A_37 = vector.broadcast %max3A_36 : f32 to vector<512x1xf32>
    %max3A_38 = arith.maximumf %get3A_35, %max3A_37 : vector<512x1xf32>
    %div3A_39 = vector.broadcast %max3A_38 : vector<512x1xf32> to vector<512x128xf32>
    %div3A_40 = arith.divf %get3A_32, %div3A_39 : vector<512x128xf32>
    %mul3A = arith.mulf %div3A_29, %div3A_29 : vector<512x128xf32>
    %reduce_sum3A = arith.constant dense<0.000000e+00> : vector<512xf32>
    %reduce_sum3A_41 = vector.multi_reduction <add>, %mul3A, %reduce_sum3A [1] : vector<512x128xf32> to vector<512xf32>
    %broadcast_in_dim3A = vector.shape_cast %reduce_sum3A_41 : vector<512xf32> to vector<512x1xf32>
    %sqrt3A = math.sqrt %broadcast_in_dim3A : vector<512x1xf32>
    %max3A_42 = arith.constant 9.99999996E-13 : f32
    %max3A_43 = vector.broadcast %max3A_42 : f32 to vector<512x1xf32>
    %max3A_44 = arith.maximumf %sqrt3A, %max3A_43 : vector<512x1xf32>
    %div3A_45 = vector.broadcast %max3A_44 : vector<512x1xf32> to vector<512x128xf32>
    %div3A_46 = arith.divf %div3A_29, %div3A_45 : vector<512x128xf32>
    %mul3A_47 = arith.mulf %div3A_40, %div3A_40 : vector<512x128xf32>
    %reduce_sum3A_48 = arith.constant dense<0.000000e+00> : vector<512xf32>
    %reduce_sum3A_49 = vector.multi_reduction <add>, %mul3A_47, %reduce_sum3A_48 [1] : vector<512x128xf32> to vector<512xf32>
    %broadcast_in_dim3A_50 = vector.shape_cast %reduce_sum3A_49 : vector<512xf32> to vector<512x1xf32>
    %sqrt3A_51 = math.sqrt %broadcast_in_dim3A_50 : vector<512x1xf32>
    %max3A_52 = arith.constant 9.99999996E-13 : f32
    %max3A_53 = vector.broadcast %max3A_52 : f32 to vector<512x1xf32>
    %max3A_54 = arith.maximumf %sqrt3A_51, %max3A_53 : vector<512x1xf32>
    %div3A_55 = vector.broadcast %max3A_54 : vector<512x1xf32> to vector<512x128xf32>
    %div3A_56 = arith.divf %div3A_40, %div3A_55 : vector<512x128xf32>
    %iota3A = tpu.iota {dimensions = array<i32: 0>} : vector<512x512xi32>
    %iota3A_57 = tpu.iota {dimensions = array<i32: 1>} : vector<512x512xi32>
    %jit3A = arith.constant 8 : i32
    %div3A_58 = vector.broadcast %jit3A : i32 to vector<512x512xi32>
    %div3A_59 = arith.divsi %iota3A, %div3A_58 : vector<512x512xi32>
    %sign3A = arith.constant 0 : i32
    %sign3A_60 = vector.broadcast %sign3A : i32 to vector<512x512xi32>
    %sign3A_61 = arith.cmpi sgt, %iota3A, %sign3A_60 : vector<512x512xi32>
    %sign3A_62 = arith.extui %sign3A_61 : vector<512x512xi1> to vector<512x512xi32>
    %sign3A_63 = arith.constant 0 : i32
    %sign3A_64 = vector.broadcast %sign3A_63 : i32 to vector<512x512xi32>
    %sign3A_65 = arith.cmpi slt, %iota3A, %sign3A_64 : vector<512x512xi32>
    %sign3A_66 = arith.extui %sign3A_65 : vector<512x512xi1> to vector<512x512xi32>
    %sign3A_67 = arith.subi %sign3A_62, %sign3A_66 : vector<512x512xi32>
    %sign3A_68 = arith.constant 0 : i32
    %sign3A_69 = arith.cmpi sgt, %jit3A, %sign3A_68 : i32
    %sign3A_70 = arith.extui %sign3A_69 : i1 to i32
    %sign3A_71 = arith.constant 0 : i32
    %sign3A_72 = arith.cmpi slt, %jit3A, %sign3A_71 : i32
    %sign3A_73 = arith.extui %sign3A_72 : i1 to i32
    %sign3A_74 = arith.subi %sign3A_70, %sign3A_73 : i32
    %ne3A = vector.broadcast %sign3A_74 : i32 to vector<512x512xi32>
    %ne3A_75 = arith.cmpi ne, %sign3A_67, %ne3A : vector<512x512xi32>
    %rem3A = vector.broadcast %jit3A : i32 to vector<512x512xi32>
    %rem3A_76 = arith.remsi %iota3A, %rem3A : vector<512x512xi32>
    %ne3A_77 = arith.constant 0 : i32
    %ne3A_78 = vector.broadcast %ne3A_77 : i32 to vector<512x512xi32>
    %ne3A_79 = arith.cmpi ne, %rem3A_76, %ne3A_78 : vector<512x512xi32>
    %and3A = arith.andi %ne3A_75, %ne3A_79 : vector<512x512xi1>
    %sub3A = arith.constant 1 : i32
    %sub3A_80 = vector.broadcast %sub3A : i32 to vector<512x512xi32>
    %sub3A_81 = arith.subi %div3A_59, %sub3A_80 : vector<512x512xi32>
    %select_n3A = arith.select %and3A, %sub3A_81, %div3A_59 : vector<512x512xi1>, vector<512x512xi32>
    %jit3A_82 = arith.constant 8 : i32
    %div3A_83 = vector.broadcast %jit3A_82 : i32 to vector<512x512xi32>
    %div3A_84 = arith.divsi %iota3A_57, %div3A_83 : vector<512x512xi32>
    %sign3A_85 = arith.constant 0 : i32
    %sign3A_86 = vector.broadcast %sign3A_85 : i32 to vector<512x512xi32>
    %sign3A_87 = arith.cmpi sgt, %iota3A_57, %sign3A_86 : vector<512x512xi32>
    %sign3A_88 = arith.extui %sign3A_87 : vector<512x512xi1> to vector<512x512xi32>
    %sign3A_89 = arith.constant 0 : i32
    %sign3A_90 = vector.broadcast %sign3A_89 : i32 to vector<512x512xi32>
    %sign3A_91 = arith.cmpi slt, %iota3A_57, %sign3A_90 : vector<512x512xi32>
    %sign3A_92 = arith.extui %sign3A_91 : vector<512x512xi1> to vector<512x512xi32>
    %sign3A_93 = arith.subi %sign3A_88, %sign3A_92 : vector<512x512xi32>
    %sign3A_94 = arith.constant 0 : i32
    %sign3A_95 = arith.cmpi sgt, %jit3A_82, %sign3A_94 : i32
    %sign3A_96 = arith.extui %sign3A_95 : i1 to i32
    %sign3A_97 = arith.constant 0 : i32
    %sign3A_98 = arith.cmpi slt, %jit3A_82, %sign3A_97 : i32
    %sign3A_99 = arith.extui %sign3A_98 : i1 to i32
    %sign3A_100 = arith.subi %sign3A_96, %sign3A_99 : i32
    %ne3A_101 = vector.broadcast %sign3A_100 : i32 to vector<512x512xi32>
    %ne3A_102 = arith.cmpi ne, %sign3A_93, %ne3A_101 : vector<512x512xi32>
    %rem3A_103 = vector.broadcast %jit3A_82 : i32 to vector<512x512xi32>
    %rem3A_104 = arith.remsi %iota3A_57, %rem3A_103 : vector<512x512xi32>
    %ne3A_105 = arith.constant 0 : i32
    %ne3A_106 = vector.broadcast %ne3A_105 : i32 to vector<512x512xi32>
    %ne3A_107 = arith.cmpi ne, %rem3A_104, %ne3A_106 : vector<512x512xi32>
    %and3A_108 = arith.andi %ne3A_102, %ne3A_107 : vector<512x512xi1>
    %sub3A_109 = arith.constant 1 : i32
    %sub3A_110 = vector.broadcast %sub3A_109 : i32 to vector<512x512xi32>
    %sub3A_111 = arith.subi %div3A_84, %sub3A_110 : vector<512x512xi32>
    %select_n3A_112 = arith.select %and3A_108, %sub3A_111, %div3A_84 : vector<512x512xi1>, vector<512x512xi32>
    %eq3A = arith.cmpi eq, %select_n3A, %select_n3A_112 : vector<512x512xi32>
    %sqrt3A_113 = arith.constant 1.280000e+02 : f32
    %sqrt3A_114 = math.sqrt %sqrt3A_113 : f32
    %div3A_115 = arith.constant 1.000000e+00 : f32
    %div3A_116 = arith.divf %div3A_115, %sqrt3A_114 : f32
    %dot_general3A = arith.constant dense<0.000000e+00> : vector<512x512xf32>
    %dot_general3A_117 = tpu.matmul %div3A_7, %div3A_18, %dot_general3A {dimension_numbers = #tpu.dot_dimension_numbers<[1], [1], [0], [0], [0, 0, 1, 0], [], []>, transpose_lhs_hint = false} : vector<512x128xf32>, vector<512x128xf32>, vector<512x512xf32> -> vector<512x512xf32>
    %mul3A_118 = vector.broadcast %div3A_116 : f32 to vector<512x512xf32>
    %mul3A_119 = arith.mulf %dot_general3A_117, %mul3A_118 : vector<512x512xf32>
    %jit3A_120 = arith.constant -1.000000e+30 : f32
    %broadcast_in_dim3A_121 = vector.broadcast %jit3A_120 : f32 to vector<512x512xf32>
    %select_n3A_122 = arith.select %eq3A, %mul3A_119, %broadcast_in_dim3A_121 : vector<512x512xi1>, vector<512x512xf32>
    %reduce_max3A = arith.constant dense<0xFF800000> : vector<512xf32>
    %reduce_max3A_123 = vector.multi_reduction <maximumf>, %select_n3A_122, %reduce_max3A [1] : vector<512x512xf32> to vector<512xf32>
    %broadcast_in_dim3A_124 = vector.shape_cast %reduce_max3A_123 : vector<512xf32> to vector<512x1xf32>
    %sub3A_125 = vector.broadcast %broadcast_in_dim3A_124 : vector<512x1xf32> to vector<512x512xf32>
    %sub3A_126 = arith.subf %select_n3A_122, %sub3A_125 : vector<512x512xf32>
    %exp3A = math.exp %sub3A_126 : vector<512x512xf32>
    %reduce_sum3A_127 = arith.constant dense<0.000000e+00> : vector<512xf32>
    %reduce_sum3A_128 = vector.multi_reduction <add>, %exp3A, %reduce_sum3A_127 [1] : vector<512x512xf32> to vector<512xf32>
    %broadcast_in_dim3A_129 = vector.shape_cast %reduce_sum3A_128 : vector<512xf32> to vector<512x1xf32>
    %div3A_130 = vector.broadcast %broadcast_in_dim3A_129 : vector<512x1xf32> to vector<512x512xf32>
    %div3A_131 = arith.divf %exp3A, %div3A_130 : vector<512x512xf32>
    %dot_general3A_132 = arith.constant dense<0.000000e+00> : vector<512x128xf32>
    %dot_general3A_133 = tpu.matmul %div3A_131, %div3A_18, %dot_general3A_132 {dimension_numbers = #tpu.dot_dimension_numbers<[1], [0], [0], [1], [0, 0, 1, 1], [], []>, transpose_lhs_hint = false} : vector<512x512xf32>, vector<512x128xf32>, vector<512x128xf32> -> vector<512x128xf32>
    %dot_general3A_134 = arith.constant dense<0.000000e+00> : vector<512x512xf32>
    %dot_general3A_135 = tpu.matmul %div3A_18, %div3A_7, %dot_general3A_134 {dimension_numbers = #tpu.dot_dimension_numbers<[1], [1], [0], [0], [0, 0, 1, 0], [], []>, transpose_lhs_hint = false} : vector<512x128xf32>, vector<512x128xf32>, vector<512x512xf32> -> vector<512x512xf32>
    %mul3A_136 = vector.broadcast %div3A_116 : f32 to vector<512x512xf32>
    %mul3A_137 = arith.mulf %dot_general3A_135, %mul3A_136 : vector<512x512xf32>
    %jit3A_138 = arith.constant -1.000000e+30 : f32
    %broadcast_in_dim3A_139 = vector.broadcast %jit3A_138 : f32 to vector<512x512xf32>
    %select_n3A_140 = arith.select %eq3A, %mul3A_137, %broadcast_in_dim3A_139 : vector<512x512xi1>, vector<512x512xf32>
    %reduce_max3A_141 = arith.constant dense<0xFF800000> : vector<512xf32>
    %reduce_max3A_142 = vector.multi_reduction <maximumf>, %select_n3A_140, %reduce_max3A_141 [1] : vector<512x512xf32> to vector<512xf32>
    %broadcast_in_dim3A_143 = vector.shape_cast %reduce_max3A_142 : vector<512xf32> to vector<512x1xf32>
    %sub3A_144 = vector.broadcast %broadcast_in_dim3A_143 : vector<512x1xf32> to vector<512x512xf32>
    %sub3A_145 = arith.subf %select_n3A_140, %sub3A_144 : vector<512x512xf32>
    %exp3A_146 = math.exp %sub3A_145 : vector<512x512xf32>
    %reduce_sum3A_147 = arith.constant dense<0.000000e+00> : vector<512xf32>
    %reduce_sum3A_148 = vector.multi_reduction <add>, %exp3A_146, %reduce_sum3A_147 [1] : vector<512x512xf32> to vector<512xf32>
    %broadcast_in_dim3A_149 = vector.shape_cast %reduce_sum3A_148 : vector<512xf32> to vector<512x1xf32>
    %div3A_150 = vector.broadcast %broadcast_in_dim3A_149 : vector<512x1xf32> to vector<512x512xf32>
    %div3A_151 = arith.divf %exp3A_146, %div3A_150 : vector<512x512xf32>
    %dot_general3A_152 = arith.constant dense<0.000000e+00> : vector<512x128xf32>
    %dot_general3A_153 = tpu.matmul %div3A_151, %div3A_7, %dot_general3A_152 {dimension_numbers = #tpu.dot_dimension_numbers<[1], [0], [0], [1], [0, 0, 1, 1], [], []>, transpose_lhs_hint = false} : vector<512x512xf32>, vector<512x128xf32>, vector<512x128xf32> -> vector<512x128xf32>
    %iota3A_154 = tpu.iota {dimensions = array<i32: 0>} : vector<64x512xi32>
    %iota3A_155 = tpu.iota {dimensions = array<i32: 1>} : vector<64x512xi32>
    %jit3A_156 = arith.constant 8 : i32
    %div3A_157 = vector.broadcast %jit3A_156 : i32 to vector<64x512xi32>
    %div3A_158 = arith.divsi %iota3A_155, %div3A_157 : vector<64x512xi32>
    %sign3A_159 = arith.constant 0 : i32
    %sign3A_160 = vector.broadcast %sign3A_159 : i32 to vector<64x512xi32>
    %sign3A_161 = arith.cmpi sgt, %iota3A_155, %sign3A_160 : vector<64x512xi32>
    %sign3A_162 = arith.extui %sign3A_161 : vector<64x512xi1> to vector<64x512xi32>
    %sign3A_163 = arith.constant 0 : i32
    %sign3A_164 = vector.broadcast %sign3A_163 : i32 to vector<64x512xi32>
    %sign3A_165 = arith.cmpi slt, %iota3A_155, %sign3A_164 : vector<64x512xi32>
    %sign3A_166 = arith.extui %sign3A_165 : vector<64x512xi1> to vector<64x512xi32>
    %sign3A_167 = arith.subi %sign3A_162, %sign3A_166 : vector<64x512xi32>
    %sign3A_168 = arith.constant 0 : i32
    %sign3A_169 = arith.cmpi sgt, %jit3A_156, %sign3A_168 : i32
    %sign3A_170 = arith.extui %sign3A_169 : i1 to i32
    %sign3A_171 = arith.constant 0 : i32
    %sign3A_172 = arith.cmpi slt, %jit3A_156, %sign3A_171 : i32
    %sign3A_173 = arith.extui %sign3A_172 : i1 to i32
    %sign3A_174 = arith.subi %sign3A_170, %sign3A_173 : i32
    %ne3A_175 = vector.broadcast %sign3A_174 : i32 to vector<64x512xi32>
    %ne3A_176 = arith.cmpi ne, %sign3A_167, %ne3A_175 : vector<64x512xi32>
    %rem3A_177 = vector.broadcast %jit3A_156 : i32 to vector<64x512xi32>
    %rem3A_178 = arith.remsi %iota3A_155, %rem3A_177 : vector<64x512xi32>
    %ne3A_179 = arith.constant 0 : i32
    %ne3A_180 = vector.broadcast %ne3A_179 : i32 to vector<64x512xi32>
    %ne3A_181 = arith.cmpi ne, %rem3A_178, %ne3A_180 : vector<64x512xi32>
    %and3A_182 = arith.andi %ne3A_176, %ne3A_181 : vector<64x512xi1>
    %sub3A_183 = arith.constant 1 : i32
    %sub3A_184 = vector.broadcast %sub3A_183 : i32 to vector<64x512xi32>
    %sub3A_185 = arith.subi %div3A_158, %sub3A_184 : vector<64x512xi32>
    %select_n3A_186 = arith.select %and3A_182, %sub3A_185, %div3A_158 : vector<64x512xi1>, vector<64x512xi32>
    %eq3A_187 = arith.cmpi eq, %iota3A_154, %select_n3A_186 : vector<64x512xi32>
    %jit3A_188 = arith.constant 1.250000e-01 : f32
    %jit3A_189 = arith.constant 0.000000e+00 : f32
    %broadcast_in_dim3A_190 = vector.broadcast %jit3A_188 : f32 to vector<64x512xf32>
    %broadcast_in_dim3A_191 = vector.broadcast %jit3A_189 : f32 to vector<64x512xf32>
    %select_n3A_192 = arith.select %eq3A_187, %broadcast_in_dim3A_190, %broadcast_in_dim3A_191 : vector<64x512xi1>, vector<64x512xf32>
    %dot_general3A_193 = arith.constant dense<0.000000e+00> : vector<64x128xf32>
    %dot_general3A_194 = tpu.matmul %select_n3A_192, %dot_general3A_133, %dot_general3A_193 {dimension_numbers = #tpu.dot_dimension_numbers<[1], [0], [0], [1], [0, 0, 1, 1], [], []>, precision = #tpu.contract_precision<fp32>, transpose_lhs_hint = false} : vector<64x512xf32>, vector<512x128xf32>, vector<64x128xf32> -> vector<64x128xf32>
    %dot_general3A_195 = arith.constant dense<0.000000e+00> : vector<64x128xf32>
    %dot_general3A_196 = tpu.matmul %select_n3A_192, %dot_general3A_153, %dot_general3A_195 {dimension_numbers = #tpu.dot_dimension_numbers<[1], [0], [0], [1], [0, 0, 1, 1], [], []>, precision = #tpu.contract_precision<fp32>, transpose_lhs_hint = false} : vector<64x512xf32>, vector<512x128xf32>, vector<64x128xf32> -> vector<64x128xf32>
    %reduce_sum3A_197 = arith.constant dense<0.000000e+00> : vector<64xf32>
    %reduce_sum3A_198 = vector.multi_reduction <add>, %dot_general3A_194, %reduce_sum3A_197 [1] : vector<64x128xf32> to vector<64xf32>
    %broadcast_in_dim3A_199 = vector.shape_cast %reduce_sum3A_198 : vector<64xf32> to vector<64x1xf32>
    %div3A_200 = arith.constant 1.280000e+02 : f32
    %div3A_201 = vector.broadcast %div3A_200 : f32 to vector<64x1xf32>
    %div3A_202 = arith.divf %broadcast_in_dim3A_199, %div3A_201 : vector<64x1xf32>
    %sub3A_203 = vector.broadcast %div3A_202 : vector<64x1xf32> to vector<64x128xf32>
    %sub3A_204 = arith.subf %dot_general3A_194, %sub3A_203 : vector<64x128xf32>
    %mul3A_205 = arith.mulf %sub3A_204, %sub3A_204 : vector<64x128xf32>
    %reduce_sum3A_206 = arith.constant dense<0.000000e+00> : vector<64xf32>
    %reduce_sum3A_207 = vector.multi_reduction <add>, %mul3A_205, %reduce_sum3A_206 [1] : vector<64x128xf32> to vector<64xf32>
    %broadcast_in_dim3A_208 = vector.shape_cast %reduce_sum3A_207 : vector<64xf32> to vector<64x1xf32>
    %div3A_209 = arith.constant 1.270000e+02 : f32
    %div3A_210 = vector.broadcast %div3A_209 : f32 to vector<64x1xf32>
    %div3A_211 = arith.divf %broadcast_in_dim3A_208, %div3A_210 : vector<64x1xf32>
    %rsqrt3A = math.rsqrt %div3A_211 : vector<64x1xf32>
    %mul3A_212 = vector.broadcast %rsqrt3A : vector<64x1xf32> to vector<64x128xf32>
    %mul3A_213 = arith.mulf %sub3A_204, %mul3A_212 : vector<64x128xf32>
    %reduce_sum3A_214 = arith.constant dense<0.000000e+00> : vector<64xf32>
    %reduce_sum3A_215 = vector.multi_reduction <add>, %dot_general3A_196, %reduce_sum3A_214 [1] : vector<64x128xf32> to vector<64xf32>
    %broadcast_in_dim3A_216 = vector.shape_cast %reduce_sum3A_215 : vector<64xf32> to vector<64x1xf32>
    %div3A_217 = arith.constant 1.280000e+02 : f32
    %div3A_218 = vector.broadcast %div3A_217 : f32 to vector<64x1xf32>
    %div3A_219 = arith.divf %broadcast_in_dim3A_216, %div3A_218 : vector<64x1xf32>
    %sub3A_220 = vector.broadcast %div3A_219 : vector<64x1xf32> to vector<64x128xf32>
    %sub3A_221 = arith.subf %dot_general3A_196, %sub3A_220 : vector<64x128xf32>
    %mul3A_222 = arith.mulf %sub3A_221, %sub3A_221 : vector<64x128xf32>
    %reduce_sum3A_223 = arith.constant dense<0.000000e+00> : vector<64xf32>
    %reduce_sum3A_224 = vector.multi_reduction <add>, %mul3A_222, %reduce_sum3A_223 [1] : vector<64x128xf32> to vector<64xf32>
    %broadcast_in_dim3A_225 = vector.shape_cast %reduce_sum3A_224 : vector<64xf32> to vector<64x1xf32>
    %div3A_226 = arith.constant 1.270000e+02 : f32
    %div3A_227 = vector.broadcast %div3A_226 : f32 to vector<64x1xf32>
    %div3A_228 = arith.divf %broadcast_in_dim3A_225, %div3A_227 : vector<64x1xf32>
    %rsqrt3A_229 = math.rsqrt %div3A_228 : vector<64x1xf32>
    %mul3A_230 = vector.broadcast %rsqrt3A_229 : vector<64x1xf32> to vector<64x128xf32>
    %mul3A_231 = arith.mulf %sub3A_221, %mul3A_230 : vector<64x128xf32>
    %dot_general3A_232 = arith.constant dense<0.000000e+00> : vector<512x512xf32>
    %dot_general3A_233 = tpu.matmul %div3A_46, %div3A_56, %dot_general3A_232 {dimension_numbers = #tpu.dot_dimension_numbers<[1], [1], [0], [0], [0, 0, 1, 0], [], []>, transpose_lhs_hint = false} : vector<512x128xf32>, vector<512x128xf32>, vector<512x512xf32> -> vector<512x512xf32>
    %jit3A_234 = arith.constant 0.000000e+00 : f32
    %broadcast_in_dim3A_235 = vector.broadcast %jit3A_234 : f32 to vector<512x512xf32>
    %select_n3A_236 = arith.select %eq3A, %dot_general3A_233, %broadcast_in_dim3A_235 : vector<512x512xi1>, vector<512x512xf32>
    %iota3A_237 = tpu.iota {dimensions = array<i32: 0>} : vector<512x8xi32>
    %iota3A_238 = tpu.iota {dimensions = array<i32: 1>} : vector<512x8xi32>
    %jit3A_239 = arith.constant 8 : i32
    %eq3A_240 = arith.constant 0 : i32
    %eq3A_241 = arith.cmpi eq, %jit3A_239, %eq3A_240 : i32
    %jit3A_242 = arith.constant 1 : i32
    %select_n3A_243 = arith.select %eq3A_241, %jit3A_242, %jit3A_239 : i32
    %rem3A_244 = vector.broadcast %select_n3A_243 : i32 to vector<512x8xi32>
    %rem3A_245 = arith.remsi %iota3A_237, %rem3A_244 : vector<512x8xi32>
    %ne3A_246 = arith.constant 0 : i32
    %ne3A_247 = vector.broadcast %ne3A_246 : i32 to vector<512x8xi32>
    %ne3A_248 = arith.cmpi ne, %rem3A_245, %ne3A_247 : vector<512x8xi32>
    %lt3A = arith.constant 0 : i32
    %lt3A_249 = vector.broadcast %lt3A : i32 to vector<512x8xi32>
    %lt3A_250 = arith.cmpi slt, %rem3A_245, %lt3A_249 : vector<512x8xi32>
    %lt3A_251 = arith.constant 0 : i32
    %lt3A_252 = arith.cmpi slt, %select_n3A_243, %lt3A_251 : i32
    %ne3A_253 = vector.broadcast %lt3A_252 : i1 to vector<512x8xi1>
    %ne3A_254 = vector.broadcast %ne3A_253 : vector<512x8xi1> to vector<512x8xi1>
    %ne3A_255 = arith.xori %lt3A_250, %ne3A_254 : vector<512x8xi1>
    %and3A_256 = arith.andi %ne3A_255, %ne3A_248 : vector<512x8xi1>
    %add3A = vector.broadcast %select_n3A_243 : i32 to vector<512x8xi32>
    %add3A_257 = arith.addi %rem3A_245, %add3A : vector<512x8xi32>
    %select_n3A_258 = arith.select %and3A_256, %add3A_257, %rem3A_245 : vector<512x8xi1>, vector<512x8xi32>
    %eq3A_259 = arith.cmpi eq, %select_n3A_258, %iota3A_238 : vector<512x8xi32>
    %convert_element_type3A = arith.extui %eq3A_259 : vector<512x8xi1> to vector<512x8xi32>
    %convert_element_type3A_260 = arith.sitofp %convert_element_type3A : vector<512x8xi32> to vector<512x8xf32>
    %dot_general3A_261 = arith.constant dense<0.000000e+00> : vector<512x8xf32>
    %dot_general3A_262 = tpu.matmul %select_n3A_236, %convert_element_type3A_260, %dot_general3A_261 {dimension_numbers = #tpu.dot_dimension_numbers<[1], [0], [0], [1], [0, 0, 1, 1], [], []>, precision = #tpu.contract_precision<fp32>, transpose_lhs_hint = false} : vector<512x512xf32>, vector<512x8xf32>, vector<512x8xf32> -> vector<512x8xf32>
    %get3A_263 = arith.constant 0 : index
    %get3A_264 = arith.constant 0 : index
    %get3A_265 = vector.load %arg8[%get3A_263, %get3A_264] : memref<320x128xf32, #tpu.memory_space<vmem>>, vector<320x128xf32>
    %slice3A = vector.extract_strided_slice %get3A_265 {offsets = [0, 0], sizes = [128, 128], strides = [1, 1]} : vector<320x128xf32> to vector<128x128xf32>
    %dot_general3A_266 = arith.constant dense<0.000000e+00> : vector<64x128xf32>
    %dot_general3A_267 = tpu.matmul %mul3A_213, %slice3A, %dot_general3A_266 {dimension_numbers = #tpu.dot_dimension_numbers<[1], [0], [0], [1], [0, 0, 1, 1], [], []>, transpose_lhs_hint = false} : vector<64x128xf32>, vector<128x128xf32>, vector<64x128xf32> -> vector<64x128xf32>
    %slice3A_268 = vector.extract_strided_slice %get3A_265 {offsets = [128, 0], sizes = [128, 128], strides = [1, 1]} : vector<320x128xf32> to vector<128x128xf32>
    %dot_general3A_269 = arith.constant dense<0.000000e+00> : vector<64x128xf32>
    %dot_general3A_270 = tpu.matmul %mul3A_231, %slice3A_268, %dot_general3A_269 {dimension_numbers = #tpu.dot_dimension_numbers<[1], [0], [0], [1], [0, 0, 1, 1], [], []>, transpose_lhs_hint = false} : vector<64x128xf32>, vector<128x128xf32>, vector<64x128xf32> -> vector<64x128xf32>
    %add3A_271 = arith.addf %dot_general3A_267, %dot_general3A_270 : vector<64x128xf32>
    %jit3A_272 = arith.constant 8 : i32
    %eq3A_273 = arith.constant 0 : i32
    %eq3A_274 = arith.cmpi eq, %jit3A_272, %eq3A_273 : i32
    %jit3A_275 = arith.constant 1 : i32
    %select_n3A_276 = arith.select %eq3A_274, %jit3A_275, %jit3A_272 : i32
    %rem3A_277 = vector.broadcast %select_n3A_276 : i32 to vector<64x512xi32>
    %rem3A_278 = arith.remsi %iota3A_155, %rem3A_277 : vector<64x512xi32>
    %ne3A_279 = arith.constant 0 : i32
    %ne3A_280 = vector.broadcast %ne3A_279 : i32 to vector<64x512xi32>
    %ne3A_281 = arith.cmpi ne, %rem3A_278, %ne3A_280 : vector<64x512xi32>
    %lt3A_282 = arith.constant 0 : i32
    %lt3A_283 = vector.broadcast %lt3A_282 : i32 to vector<64x512xi32>
    %lt3A_284 = arith.cmpi slt, %rem3A_278, %lt3A_283 : vector<64x512xi32>
    %lt3A_285 = arith.constant 0 : i32
    %lt3A_286 = arith.cmpi slt, %select_n3A_276, %lt3A_285 : i32
    %ne3A_287 = vector.broadcast %lt3A_286 : i1 to vector<64x512xi1>
    %ne3A_288 = vector.broadcast %ne3A_287 : vector<64x512xi1> to vector<64x512xi1>
    %ne3A_289 = arith.xori %lt3A_284, %ne3A_288 : vector<64x512xi1>
    %and3A_290 = arith.andi %ne3A_289, %ne3A_281 : vector<64x512xi1>
    %add3A_291 = vector.broadcast %select_n3A_276 : i32 to vector<64x512xi32>
    %add3A_292 = arith.addi %rem3A_278, %add3A_291 : vector<64x512xi32>
    %select_n3A_293 = arith.select %and3A_290, %add3A_292, %rem3A_278 : vector<64x512xi1>, vector<64x512xi32>
    %eq3A_294 = arith.constant 0 : i32
    %eq3A_295 = vector.broadcast %eq3A_294 : i32 to vector<64x512xi32>
    %eq3A_296 = arith.cmpi eq, %select_n3A_293, %eq3A_295 : vector<64x512xi32>
    %convert_element_type3A_297 = arith.extui %eq3A_296 : vector<64x512xi1> to vector<64x512xi32>
    %convert_element_type3A_298 = arith.sitofp %convert_element_type3A_297 : vector<64x512xi32> to vector<64x512xf32>
    %jit3A_299 = arith.constant 8 : i32
    %div3A_300 = vector.broadcast %jit3A_299 : i32 to vector<64x512xi32>
    %div3A_301 = arith.divsi %iota3A_155, %div3A_300 : vector<64x512xi32>
    %sign3A_302 = arith.constant 0 : i32
    %sign3A_303 = vector.broadcast %sign3A_302 : i32 to vector<64x512xi32>
    %sign3A_304 = arith.cmpi sgt, %iota3A_155, %sign3A_303 : vector<64x512xi32>
    %sign3A_305 = arith.extui %sign3A_304 : vector<64x512xi1> to vector<64x512xi32>
    %sign3A_306 = arith.constant 0 : i32
    %sign3A_307 = vector.broadcast %sign3A_306 : i32 to vector<64x512xi32>
    %sign3A_308 = arith.cmpi slt, %iota3A_155, %sign3A_307 : vector<64x512xi32>
    %sign3A_309 = arith.extui %sign3A_308 : vector<64x512xi1> to vector<64x512xi32>
    %sign3A_310 = arith.subi %sign3A_305, %sign3A_309 : vector<64x512xi32>
    %sign3A_311 = arith.constant 0 : i32
    %sign3A_312 = arith.cmpi sgt, %jit3A_299, %sign3A_311 : i32
    %sign3A_313 = arith.extui %sign3A_312 : i1 to i32
    %sign3A_314 = arith.constant 0 : i32
    %sign3A_315 = arith.cmpi slt, %jit3A_299, %sign3A_314 : i32
    %sign3A_316 = arith.extui %sign3A_315 : i1 to i32
    %sign3A_317 = arith.subi %sign3A_313, %sign3A_316 : i32
    %ne3A_318 = vector.broadcast %sign3A_317 : i32 to vector<64x512xi32>
    %ne3A_319 = arith.cmpi ne, %sign3A_310, %ne3A_318 : vector<64x512xi32>
    %rem3A_320 = vector.broadcast %jit3A_299 : i32 to vector<64x512xi32>
    %rem3A_321 = arith.remsi %iota3A_155, %rem3A_320 : vector<64x512xi32>
    %ne3A_322 = arith.constant 0 : i32
    %ne3A_323 = vector.broadcast %ne3A_322 : i32 to vector<64x512xi32>
    %ne3A_324 = arith.cmpi ne, %rem3A_321, %ne3A_323 : vector<64x512xi32>
    %and3A_325 = arith.andi %ne3A_319, %ne3A_324 : vector<64x512xi1>
    %sub3A_326 = arith.constant 1 : i32
    %sub3A_327 = vector.broadcast %sub3A_326 : i32 to vector<64x512xi32>
    %sub3A_328 = arith.subi %div3A_301, %sub3A_327 : vector<64x512xi32>
    %select_n3A_329 = arith.select %and3A_325, %sub3A_328, %div3A_301 : vector<64x512xi1>, vector<64x512xi32>
    %eq3A_330 = arith.cmpi eq, %iota3A_154, %select_n3A_329 : vector<64x512xi32>
    %convert_element_type3A_331 = arith.extui %eq3A_330 : vector<64x512xi1> to vector<64x512xi32>
    %convert_element_type3A_332 = arith.sitofp %convert_element_type3A_331 : vector<64x512xi32> to vector<64x512xf32>
    %mul3A_333 = arith.mulf %convert_element_type3A_298, %convert_element_type3A_332 : vector<64x512xf32>
    %dot_general3A_334 = arith.constant dense<0.000000e+00> : vector<64x8xf32>
    %dot_general3A_335 = tpu.matmul %mul3A_333, %dot_general3A_262, %dot_general3A_334 {dimension_numbers = #tpu.dot_dimension_numbers<[1], [0], [0], [1], [0, 0, 1, 1], [], []>, precision = #tpu.contract_precision<fp32>, transpose_lhs_hint = false} : vector<64x512xf32>, vector<512x8xf32>, vector<64x8xf32> -> vector<64x8xf32>
    %slice3A_336 = vector.extract_strided_slice %get3A_265 {offsets = [256, 0], sizes = [8, 128], strides = [1, 1]} : vector<320x128xf32> to vector<8x128xf32>
    %dot_general3A_337 = arith.constant dense<0.000000e+00> : vector<64x128xf32>
    %dot_general3A_338 = tpu.matmul %dot_general3A_335, %slice3A_336, %dot_general3A_337 {dimension_numbers = #tpu.dot_dimension_numbers<[1], [0], [0], [1], [0, 0, 1, 1], [], []>, transpose_lhs_hint = false} : vector<64x8xf32>, vector<8x128xf32>, vector<64x128xf32> -> vector<64x128xf32>
    %add3A_339 = arith.addf %add3A_271, %dot_general3A_338 : vector<64x128xf32>
    %jit3A_340 = arith.constant 8 : i32
    %eq3A_341 = arith.constant 0 : i32
    %eq3A_342 = arith.cmpi eq, %jit3A_340, %eq3A_341 : i32
    %jit3A_343 = arith.constant 1 : i32
    %select_n3A_344 = arith.select %eq3A_342, %jit3A_343, %jit3A_340 : i32
    %rem3A_345 = vector.broadcast %select_n3A_344 : i32 to vector<64x512xi32>
    %rem3A_346 = arith.remsi %iota3A_155, %rem3A_345 : vector<64x512xi32>
    %ne3A_347 = arith.constant 0 : i32
    %ne3A_348 = vector.broadcast %ne3A_347 : i32 to vector<64x512xi32>
    %ne3A_349 = arith.cmpi ne, %rem3A_346, %ne3A_348 : vector<64x512xi32>
    %lt3A_350 = arith.constant 0 : i32
    %lt3A_351 = vector.broadcast %lt3A_350 : i32 to vector<64x512xi32>
    %lt3A_352 = arith.cmpi slt, %rem3A_346, %lt3A_351 : vector<64x512xi32>
    %lt3A_353 = arith.constant 0 : i32
    %lt3A_354 = arith.cmpi slt, %select_n3A_344, %lt3A_353 : i32
    %ne3A_355 = vector.broadcast %lt3A_354 : i1 to vector<64x512xi1>
    %ne3A_356 = vector.broadcast %ne3A_355 : vector<64x512xi1> to vector<64x512xi1>
    %ne3A_357 = arith.xori %lt3A_352, %ne3A_356 : vector<64x512xi1>
    %and3A_358 = arith.andi %ne3A_357, %ne3A_349 : vector<64x512xi1>
    %add3A_359 = vector.broadcast %select_n3A_344 : i32 to vector<64x512xi32>
    %add3A_360 = arith.addi %rem3A_346, %add3A_359 : vector<64x512xi32>
    %select_n3A_361 = arith.select %and3A_358, %add3A_360, %rem3A_346 : vector<64x512xi1>, vector<64x512xi32>
    %eq3A_362 = arith.constant 1 : i32
    %eq3A_363 = vector.broadcast %eq3A_362 : i32 to vector<64x512xi32>
    %eq3A_364 = arith.cmpi eq, %select_n3A_361, %eq3A_363 : vector<64x512xi32>
    %convert_element_type3A_365 = arith.extui %eq3A_364 : vector<64x512xi1> to vector<64x512xi32>
    %convert_element_type3A_366 = arith.sitofp %convert_element_type3A_365 : vector<64x512xi32> to vector<64x512xf32>
    %jit3A_367 = arith.constant 8 : i32
    %div3A_368 = vector.broadcast %jit3A_367 : i32 to vector<64x512xi32>
    %div3A_369 = arith.divsi %iota3A_155, %div3A_368 : vector<64x512xi32>
    %sign3A_370 = arith.constant 0 : i32
    %sign3A_371 = vector.broadcast %sign3A_370 : i32 to vector<64x512xi32>
    %sign3A_372 = arith.cmpi sgt, %iota3A_155, %sign3A_371 : vector<64x512xi32>
    %sign3A_373 = arith.extui %sign3A_372 : vector<64x512xi1> to vector<64x512xi32>
    %sign3A_374 = arith.constant 0 : i32
    %sign3A_375 = vector.broadcast %sign3A_374 : i32 to vector<64x512xi32>
    %sign3A_376 = arith.cmpi slt, %iota3A_155, %sign3A_375 : vector<64x512xi32>
    %sign3A_377 = arith.extui %sign3A_376 : vector<64x512xi1> to vector<64x512xi32>
    %sign3A_378 = arith.subi %sign3A_373, %sign3A_377 : vector<64x512xi32>
    %sign3A_379 = arith.constant 0 : i32
    %sign3A_380 = arith.cmpi sgt, %jit3A_367, %sign3A_379 : i32
    %sign3A_381 = arith.extui %sign3A_380 : i1 to i32
    %sign3A_382 = arith.constant 0 : i32
    %sign3A_383 = arith.cmpi slt, %jit3A_367, %sign3A_382 : i32
    %sign3A_384 = arith.extui %sign3A_383 : i1 to i32
    %sign3A_385 = arith.subi %sign3A_381, %sign3A_384 : i32
    %ne3A_386 = vector.broadcast %sign3A_385 : i32 to vector<64x512xi32>
    %ne3A_387 = arith.cmpi ne, %sign3A_378, %ne3A_386 : vector<64x512xi32>
    %rem3A_388 = vector.broadcast %jit3A_367 : i32 to vector<64x512xi32>
    %rem3A_389 = arith.remsi %iota3A_155, %rem3A_388 : vector<64x512xi32>
    %ne3A_390 = arith.constant 0 : i32
    %ne3A_391 = vector.broadcast %ne3A_390 : i32 to vector<64x512xi32>
    %ne3A_392 = arith.cmpi ne, %rem3A_389, %ne3A_391 : vector<64x512xi32>
    %and3A_393 = arith.andi %ne3A_387, %ne3A_392 : vector<64x512xi1>
    %sub3A_394 = arith.constant 1 : i32
    %sub3A_395 = vector.broadcast %sub3A_394 : i32 to vector<64x512xi32>
    %sub3A_396 = arith.subi %div3A_369, %sub3A_395 : vector<64x512xi32>
    %select_n3A_397 = arith.select %and3A_393, %sub3A_396, %div3A_369 : vector<64x512xi1>, vector<64x512xi32>
    %eq3A_398 = arith.cmpi eq, %iota3A_154, %select_n3A_397 : vector<64x512xi32>
    %convert_element_type3A_399 = arith.extui %eq3A_398 : vector<64x512xi1> to vector<64x512xi32>
    %convert_element_type3A_400 = arith.sitofp %convert_element_type3A_399 : vector<64x512xi32> to vector<64x512xf32>
    %mul3A_401 = arith.mulf %convert_element_type3A_366, %convert_element_type3A_400 : vector<64x512xf32>
    %dot_general3A_402 = arith.constant dense<0.000000e+00> : vector<64x8xf32>
    %dot_general3A_403 = tpu.matmul %mul3A_401, %dot_general3A_262, %dot_general3A_402 {dimension_numbers = #tpu.dot_dimension_numbers<[1], [0], [0], [1], [0, 0, 1, 1], [], []>, precision = #tpu.contract_precision<fp32>, transpose_lhs_hint = false} : vector<64x512xf32>, vector<512x8xf32>, vector<64x8xf32> -> vector<64x8xf32>
    %slice3A_404 = vector.extract_strided_slice %get3A_265 {offsets = [264, 0], sizes = [8, 128], strides = [1, 1]} : vector<320x128xf32> to vector<8x128xf32>
    %dot_general3A_405 = arith.constant dense<0.000000e+00> : vector<64x128xf32>
    %dot_general3A_406 = tpu.matmul %dot_general3A_403, %slice3A_404, %dot_general3A_405 {dimension_numbers = #tpu.dot_dimension_numbers<[1], [0], [0], [1], [0, 0, 1, 1], [], []>, transpose_lhs_hint = false} : vector<64x8xf32>, vector<8x128xf32>, vector<64x128xf32> -> vector<64x128xf32>
    %add3A_407 = arith.addf %add3A_339, %dot_general3A_406 : vector<64x128xf32>
    %jit3A_408 = arith.constant 8 : i32
    %eq3A_409 = arith.constant 0 : i32
    %eq3A_410 = arith.cmpi eq, %jit3A_408, %eq3A_409 : i32
    %jit3A_411 = arith.constant 1 : i32
    %select_n3A_412 = arith.select %eq3A_410, %jit3A_411, %jit3A_408 : i32
    %rem3A_413 = vector.broadcast %select_n3A_412 : i32 to vector<64x512xi32>
    %rem3A_414 = arith.remsi %iota3A_155, %rem3A_413 : vector<64x512xi32>
    %ne3A_415 = arith.constant 0 : i32
    %ne3A_416 = vector.broadcast %ne3A_415 : i32 to vector<64x512xi32>
    %ne3A_417 = arith.cmpi ne, %rem3A_414, %ne3A_416 : vector<64x512xi32>
    %lt3A_418 = arith.constant 0 : i32
    %lt3A_419 = vector.broadcast %lt3A_418 : i32 to vector<64x512xi32>
    %lt3A_420 = arith.cmpi slt, %rem3A_414, %lt3A_419 : vector<64x512xi32>
    %lt3A_421 = arith.constant 0 : i32
    %lt3A_422 = arith.cmpi slt, %select_n3A_412, %lt3A_421 : i32
    %ne3A_423 = vector.broadcast %lt3A_422 : i1 to vector<64x512xi1>
    %ne3A_424 = vector.broadcast %ne3A_423 : vector<64x512xi1> to vector<64x512xi1>
    %ne3A_425 = arith.xori %lt3A_420, %ne3A_424 : vector<64x512xi1>
    %and3A_426 = arith.andi %ne3A_425, %ne3A_417 : vector<64x512xi1>
    %add3A_427 = vector.broadcast %select_n3A_412 : i32 to vector<64x512xi32>
    %add3A_428 = arith.addi %rem3A_414, %add3A_427 : vector<64x512xi32>
    %select_n3A_429 = arith.select %and3A_426, %add3A_428, %rem3A_414 : vector<64x512xi1>, vector<64x512xi32>
    %eq3A_430 = arith.constant 2 : i32
    %eq3A_431 = vector.broadcast %eq3A_430 : i32 to vector<64x512xi32>
    %eq3A_432 = arith.cmpi eq, %select_n3A_429, %eq3A_431 : vector<64x512xi32>
    %convert_element_type3A_433 = arith.extui %eq3A_432 : vector<64x512xi1> to vector<64x512xi32>
    %convert_element_type3A_434 = arith.sitofp %convert_element_type3A_433 : vector<64x512xi32> to vector<64x512xf32>
    %jit3A_435 = arith.constant 8 : i32
    %div3A_436 = vector.broadcast %jit3A_435 : i32 to vector<64x512xi32>
    %div3A_437 = arith.divsi %iota3A_155, %div3A_436 : vector<64x512xi32>
    %sign3A_438 = arith.constant 0 : i32
    %sign3A_439 = vector.broadcast %sign3A_438 : i32 to vector<64x512xi32>
    %sign3A_440 = arith.cmpi sgt, %iota3A_155, %sign3A_439 : vector<64x512xi32>
    %sign3A_441 = arith.extui %sign3A_440 : vector<64x512xi1> to vector<64x512xi32>
    %sign3A_442 = arith.constant 0 : i32
    %sign3A_443 = vector.broadcast %sign3A_442 : i32 to vector<64x512xi32>
    %sign3A_444 = arith.cmpi slt, %iota3A_155, %sign3A_443 : vector<64x512xi32>
    %sign3A_445 = arith.extui %sign3A_444 : vector<64x512xi1> to vector<64x512xi32>
    %sign3A_446 = arith.subi %sign3A_441, %sign3A_445 : vector<64x512xi32>
    %sign3A_447 = arith.constant 0 : i32
    %sign3A_448 = arith.cmpi sgt, %jit3A_435, %sign3A_447 : i32
    %sign3A_449 = arith.extui %sign3A_448 : i1 to i32
    %sign3A_450 = arith.constant 0 : i32
    %sign3A_451 = arith.cmpi slt, %jit3A_435, %sign3A_450 : i32
    %sign3A_452 = arith.extui %sign3A_451 : i1 to i32
    %sign3A_453 = arith.subi %sign3A_449, %sign3A_452 : i32
    %ne3A_454 = vector.broadcast %sign3A_453 : i32 to vector<64x512xi32>
    %ne3A_455 = arith.cmpi ne, %sign3A_446, %ne3A_454 : vector<64x512xi32>
    %rem3A_456 = vector.broadcast %jit3A_435 : i32 to vector<64x512xi32>
    %rem3A_457 = arith.remsi %iota3A_155, %rem3A_456 : vector<64x512xi32>
    %ne3A_458 = arith.constant 0 : i32
    %ne3A_459 = vector.broadcast %ne3A_458 : i32 to vector<64x512xi32>
    %ne3A_460 = arith.cmpi ne, %rem3A_457, %ne3A_459 : vector<64x512xi32>
    %and3A_461 = arith.andi %ne3A_455, %ne3A_460 : vector<64x512xi1>
    %sub3A_462 = arith.constant 1 : i32
    %sub3A_463 = vector.broadcast %sub3A_462 : i32 to vector<64x512xi32>
    %sub3A_464 = arith.subi %div3A_437, %sub3A_463 : vector<64x512xi32>
    %select_n3A_465 = arith.select %and3A_461, %sub3A_464, %div3A_437 : vector<64x512xi1>, vector<64x512xi32>
    %eq3A_466 = arith.cmpi eq, %iota3A_154, %select_n3A_465 : vector<64x512xi32>
    %convert_element_type3A_467 = arith.extui %eq3A_466 : vector<64x512xi1> to vector<64x512xi32>
    %convert_element_type3A_468 = arith.sitofp %convert_element_type3A_467 : vector<64x512xi32> to vector<64x512xf32>
    %mul3A_469 = arith.mulf %convert_element_type3A_434, %convert_element_type3A_468 : vector<64x512xf32>
    %dot_general3A_470 = arith.constant dense<0.000000e+00> : vector<64x8xf32>
    %dot_general3A_471 = tpu.matmul %mul3A_469, %dot_general3A_262, %dot_general3A_470 {dimension_numbers = #tpu.dot_dimension_numbers<[1], [0], [0], [1], [0, 0, 1, 1], [], []>, precision = #tpu.contract_precision<fp32>, transpose_lhs_hint = false} : vector<64x512xf32>, vector<512x8xf32>, vector<64x8xf32> -> vector<64x8xf32>
    %slice3A_472 = vector.extract_strided_slice %get3A_265 {offsets = [272, 0], sizes = [8, 128], strides = [1, 1]} : vector<320x128xf32> to vector<8x128xf32>
    %dot_general3A_473 = arith.constant dense<0.000000e+00> : vector<64x128xf32>
    %dot_general3A_474 = tpu.matmul %dot_general3A_471, %slice3A_472, %dot_general3A_473 {dimension_numbers = #tpu.dot_dimension_numbers<[1], [0], [0], [1], [0, 0, 1, 1], [], []>, transpose_lhs_hint = false} : vector<64x8xf32>, vector<8x128xf32>, vector<64x128xf32> -> vector<64x128xf32>
    %add3A_475 = arith.addf %add3A_407, %dot_general3A_474 : vector<64x128xf32>
    %jit3A_476 = arith.constant 8 : i32
    %eq3A_477 = arith.constant 0 : i32
    %eq3A_478 = arith.cmpi eq, %jit3A_476, %eq3A_477 : i32
    %jit3A_479 = arith.constant 1 : i32
    %select_n3A_480 = arith.select %eq3A_478, %jit3A_479, %jit3A_476 : i32
    %rem3A_481 = vector.broadcast %select_n3A_480 : i32 to vector<64x512xi32>
    %rem3A_482 = arith.remsi %iota3A_155, %rem3A_481 : vector<64x512xi32>
    %ne3A_483 = arith.constant 0 : i32
    %ne3A_484 = vector.broadcast %ne3A_483 : i32 to vector<64x512xi32>
    %ne3A_485 = arith.cmpi ne, %rem3A_482, %ne3A_484 : vector<64x512xi32>
    %lt3A_486 = arith.constant 0 : i32
    %lt3A_487 = vector.broadcast %lt3A_486 : i32 to vector<64x512xi32>
    %lt3A_488 = arith.cmpi slt, %rem3A_482, %lt3A_487 : vector<64x512xi32>
    %lt3A_489 = arith.constant 0 : i32
    %lt3A_490 = arith.cmpi slt, %select_n3A_480, %lt3A_489 : i32
    %ne3A_491 = vector.broadcast %lt3A_490 : i1 to vector<64x512xi1>
    %ne3A_492 = vector.broadcast %ne3A_491 : vector<64x512xi1> to vector<64x512xi1>
    %ne3A_493 = arith.xori %lt3A_488, %ne3A_492 : vector<64x512xi1>
    %and3A_494 = arith.andi %ne3A_493, %ne3A_485 : vector<64x512xi1>
    %add3A_495 = vector.broadcast %select_n3A_480 : i32 to vector<64x512xi32>
    %add3A_496 = arith.addi %rem3A_482, %add3A_495 : vector<64x512xi32>
    %select_n3A_497 = arith.select %and3A_494, %add3A_496, %rem3A_482 : vector<64x512xi1>, vector<64x512xi32>
    %eq3A_498 = arith.constant 3 : i32
    %eq3A_499 = vector.broadcast %eq3A_498 : i32 to vector<64x512xi32>
    %eq3A_500 = arith.cmpi eq, %select_n3A_497, %eq3A_499 : vector<64x512xi32>
    %convert_element_type3A_501 = arith.extui %eq3A_500 : vector<64x512xi1> to vector<64x512xi32>
    %convert_element_type3A_502 = arith.sitofp %convert_element_type3A_501 : vector<64x512xi32> to vector<64x512xf32>
    %jit3A_503 = arith.constant 8 : i32
    %div3A_504 = vector.broadcast %jit3A_503 : i32 to vector<64x512xi32>
    %div3A_505 = arith.divsi %iota3A_155, %div3A_504 : vector<64x512xi32>
    %sign3A_506 = arith.constant 0 : i32
    %sign3A_507 = vector.broadcast %sign3A_506 : i32 to vector<64x512xi32>
    %sign3A_508 = arith.cmpi sgt, %iota3A_155, %sign3A_507 : vector<64x512xi32>
    %sign3A_509 = arith.extui %sign3A_508 : vector<64x512xi1> to vector<64x512xi32>
    %sign3A_510 = arith.constant 0 : i32
    %sign3A_511 = vector.broadcast %sign3A_510 : i32 to vector<64x512xi32>
    %sign3A_512 = arith.cmpi slt, %iota3A_155, %sign3A_511 : vector<64x512xi32>
    %sign3A_513 = arith.extui %sign3A_512 : vector<64x512xi1> to vector<64x512xi32>
    %sign3A_514 = arith.subi %sign3A_509, %sign3A_513 : vector<64x512xi32>
    %sign3A_515 = arith.constant 0 : i32
    %sign3A_516 = arith.cmpi sgt, %jit3A_503, %sign3A_515 : i32
    %sign3A_517 = arith.extui %sign3A_516 : i1 to i32
    %sign3A_518 = arith.constant 0 : i32
    %sign3A_519 = arith.cmpi slt, %jit3A_503, %sign3A_518 : i32
    %sign3A_520 = arith.extui %sign3A_519 : i1 to i32
    %sign3A_521 = arith.subi %sign3A_517, %sign3A_520 : i32
    %ne3A_522 = vector.broadcast %sign3A_521 : i32 to vector<64x512xi32>
    %ne3A_523 = arith.cmpi ne, %sign3A_514, %ne3A_522 : vector<64x512xi32>
    %rem3A_524 = vector.broadcast %jit3A_503 : i32 to vector<64x512xi32>
    %rem3A_525 = arith.remsi %iota3A_155, %rem3A_524 : vector<64x512xi32>
    %ne3A_526 = arith.constant 0 : i32
    %ne3A_527 = vector.broadcast %ne3A_526 : i32 to vector<64x512xi32>
    %ne3A_528 = arith.cmpi ne, %rem3A_525, %ne3A_527 : vector<64x512xi32>
    %and3A_529 = arith.andi %ne3A_523, %ne3A_528 : vector<64x512xi1>
    %sub3A_530 = arith.constant 1 : i32
    %sub3A_531 = vector.broadcast %sub3A_530 : i32 to vector<64x512xi32>
    %sub3A_532 = arith.subi %div3A_505, %sub3A_531 : vector<64x512xi32>
    %select_n3A_533 = arith.select %and3A_529, %sub3A_532, %div3A_505 : vector<64x512xi1>, vector<64x512xi32>
    %eq3A_534 = arith.cmpi eq, %iota3A_154, %select_n3A_533 : vector<64x512xi32>
    %convert_element_type3A_535 = arith.extui %eq3A_534 : vector<64x512xi1> to vector<64x512xi32>
    %convert_element_type3A_536 = arith.sitofp %convert_element_type3A_535 : vector<64x512xi32> to vector<64x512xf32>
    %mul3A_537 = arith.mulf %convert_element_type3A_502, %convert_element_type3A_536 : vector<64x512xf32>
    %dot_general3A_538 = arith.constant dense<0.000000e+00> : vector<64x8xf32>
    %dot_general3A_539 = tpu.matmul %mul3A_537, %dot_general3A_262, %dot_general3A_538 {dimension_numbers = #tpu.dot_dimension_numbers<[1], [0], [0], [1], [0, 0, 1, 1], [], []>, precision = #tpu.contract_precision<fp32>, transpose_lhs_hint = false} : vector<64x512xf32>, vector<512x8xf32>, vector<64x8xf32> -> vector<64x8xf32>
    %slice3A_540 = vector.extract_strided_slice %get3A_265 {offsets = [280, 0], sizes = [8, 128], strides = [1, 1]} : vector<320x128xf32> to vector<8x128xf32>
    %dot_general3A_541 = arith.constant dense<0.000000e+00> : vector<64x128xf32>
    %dot_general3A_542 = tpu.matmul %dot_general3A_539, %slice3A_540, %dot_general3A_541 {dimension_numbers = #tpu.dot_dimension_numbers<[1], [0], [0], [1], [0, 0, 1, 1], [], []>, transpose_lhs_hint = false} : vector<64x8xf32>, vector<8x128xf32>, vector<64x128xf32> -> vector<64x128xf32>
    %add3A_543 = arith.addf %add3A_475, %dot_general3A_542 : vector<64x128xf32>
    %jit3A_544 = arith.constant 8 : i32
    %eq3A_545 = arith.constant 0 : i32
    %eq3A_546 = arith.cmpi eq, %jit3A_544, %eq3A_545 : i32
    %jit3A_547 = arith.constant 1 : i32
    %select_n3A_548 = arith.select %eq3A_546, %jit3A_547, %jit3A_544 : i32
    %rem3A_549 = vector.broadcast %select_n3A_548 : i32 to vector<64x512xi32>
    %rem3A_550 = arith.remsi %iota3A_155, %rem3A_549 : vector<64x512xi32>
    %ne3A_551 = arith.constant 0 : i32
    %ne3A_552 = vector.broadcast %ne3A_551 : i32 to vector<64x512xi32>
    %ne3A_553 = arith.cmpi ne, %rem3A_550, %ne3A_552 : vector<64x512xi32>
    %lt3A_554 = arith.constant 0 : i32
    %lt3A_555 = vector.broadcast %lt3A_554 : i32 to vector<64x512xi32>
    %lt3A_556 = arith.cmpi slt, %rem3A_550, %lt3A_555 : vector<64x512xi32>
    %lt3A_557 = arith.constant 0 : i32
    %lt3A_558 = arith.cmpi slt, %select_n3A_548, %lt3A_557 : i32
    %ne3A_559 = vector.broadcast %lt3A_558 : i1 to vector<64x512xi1>
    %ne3A_560 = vector.broadcast %ne3A_559 : vector<64x512xi1> to vector<64x512xi1>
    %ne3A_561 = arith.xori %lt3A_556, %ne3A_560 : vector<64x512xi1>
    %and3A_562 = arith.andi %ne3A_561, %ne3A_553 : vector<64x512xi1>
    %add3A_563 = vector.broadcast %select_n3A_548 : i32 to vector<64x512xi32>
    %add3A_564 = arith.addi %rem3A_550, %add3A_563 : vector<64x512xi32>
    %select_n3A_565 = arith.select %and3A_562, %add3A_564, %rem3A_550 : vector<64x512xi1>, vector<64x512xi32>
    %eq3A_566 = arith.constant 4 : i32
    %eq3A_567 = vector.broadcast %eq3A_566 : i32 to vector<64x512xi32>
    %eq3A_568 = arith.cmpi eq, %select_n3A_565, %eq3A_567 : vector<64x512xi32>
    %convert_element_type3A_569 = arith.extui %eq3A_568 : vector<64x512xi1> to vector<64x512xi32>
    %convert_element_type3A_570 = arith.sitofp %convert_element_type3A_569 : vector<64x512xi32> to vector<64x512xf32>
    %jit3A_571 = arith.constant 8 : i32
    %div3A_572 = vector.broadcast %jit3A_571 : i32 to vector<64x512xi32>
    %div3A_573 = arith.divsi %iota3A_155, %div3A_572 : vector<64x512xi32>
    %sign3A_574 = arith.constant 0 : i32
    %sign3A_575 = vector.broadcast %sign3A_574 : i32 to vector<64x512xi32>
    %sign3A_576 = arith.cmpi sgt, %iota3A_155, %sign3A_575 : vector<64x512xi32>
    %sign3A_577 = arith.extui %sign3A_576 : vector<64x512xi1> to vector<64x512xi32>
    %sign3A_578 = arith.constant 0 : i32
    %sign3A_579 = vector.broadcast %sign3A_578 : i32 to vector<64x512xi32>
    %sign3A_580 = arith.cmpi slt, %iota3A_155, %sign3A_579 : vector<64x512xi32>
    %sign3A_581 = arith.extui %sign3A_580 : vector<64x512xi1> to vector<64x512xi32>
    %sign3A_582 = arith.subi %sign3A_577, %sign3A_581 : vector<64x512xi32>
    %sign3A_583 = arith.constant 0 : i32
    %sign3A_584 = arith.cmpi sgt, %jit3A_571, %sign3A_583 : i32
    %sign3A_585 = arith.extui %sign3A_584 : i1 to i32
    %sign3A_586 = arith.constant 0 : i32
    %sign3A_587 = arith.cmpi slt, %jit3A_571, %sign3A_586 : i32
    %sign3A_588 = arith.extui %sign3A_587 : i1 to i32
    %sign3A_589 = arith.subi %sign3A_585, %sign3A_588 : i32
    %ne3A_590 = vector.broadcast %sign3A_589 : i32 to vector<64x512xi32>
    %ne3A_591 = arith.cmpi ne, %sign3A_582, %ne3A_590 : vector<64x512xi32>
    %rem3A_592 = vector.broadcast %jit3A_571 : i32 to vector<64x512xi32>
    %rem3A_593 = arith.remsi %iota3A_155, %rem3A_592 : vector<64x512xi32>
    %ne3A_594 = arith.constant 0 : i32
    %ne3A_595 = vector.broadcast %ne3A_594 : i32 to vector<64x512xi32>
    %ne3A_596 = arith.cmpi ne, %rem3A_593, %ne3A_595 : vector<64x512xi32>
    %and3A_597 = arith.andi %ne3A_591, %ne3A_596 : vector<64x512xi1>
    %sub3A_598 = arith.constant 1 : i32
    %sub3A_599 = vector.broadcast %sub3A_598 : i32 to vector<64x512xi32>
    %sub3A_600 = arith.subi %div3A_573, %sub3A_599 : vector<64x512xi32>
    %select_n3A_601 = arith.select %and3A_597, %sub3A_600, %div3A_573 : vector<64x512xi1>, vector<64x512xi32>
    %eq3A_602 = arith.cmpi eq, %iota3A_154, %select_n3A_601 : vector<64x512xi32>
    %convert_element_type3A_603 = arith.extui %eq3A_602 : vector<64x512xi1> to vector<64x512xi32>
    %convert_element_type3A_604 = arith.sitofp %convert_element_type3A_603 : vector<64x512xi32> to vector<64x512xf32>
    %mul3A_605 = arith.mulf %convert_element_type3A_570, %convert_element_type3A_604 : vector<64x512xf32>
    %dot_general3A_606 = arith.constant dense<0.000000e+00> : vector<64x8xf32>
    %dot_general3A_607 = tpu.matmul %mul3A_605, %dot_general3A_262, %dot_general3A_606 {dimension_numbers = #tpu.dot_dimension_numbers<[1], [0], [0], [1], [0, 0, 1, 1], [], []>, precision = #tpu.contract_precision<fp32>, transpose_lhs_hint = false} : vector<64x512xf32>, vector<512x8xf32>, vector<64x8xf32> -> vector<64x8xf32>
    %slice3A_608 = vector.extract_strided_slice %get3A_265 {offsets = [288, 0], sizes = [8, 128], strides = [1, 1]} : vector<320x128xf32> to vector<8x128xf32>
    %dot_general3A_609 = arith.constant dense<0.000000e+00> : vector<64x128xf32>
    %dot_general3A_610 = tpu.matmul %dot_general3A_607, %slice3A_608, %dot_general3A_609 {dimension_numbers = #tpu.dot_dimension_numbers<[1], [0], [0], [1], [0, 0, 1, 1], [], []>, transpose_lhs_hint = false} : vector<64x8xf32>, vector<8x128xf32>, vector<64x128xf32> -> vector<64x128xf32>
    %add3A_611 = arith.addf %add3A_543, %dot_general3A_610 : vector<64x128xf32>
    %jit3A_612 = arith.constant 8 : i32
    %eq3A_613 = arith.constant 0 : i32
    %eq3A_614 = arith.cmpi eq, %jit3A_612, %eq3A_613 : i32
    %jit3A_615 = arith.constant 1 : i32
    %select_n3A_616 = arith.select %eq3A_614, %jit3A_615, %jit3A_612 : i32
    %rem3A_617 = vector.broadcast %select_n3A_616 : i32 to vector<64x512xi32>
    %rem3A_618 = arith.remsi %iota3A_155, %rem3A_617 : vector<64x512xi32>
    %ne3A_619 = arith.constant 0 : i32
    %ne3A_620 = vector.broadcast %ne3A_619 : i32 to vector<64x512xi32>
    %ne3A_621 = arith.cmpi ne, %rem3A_618, %ne3A_620 : vector<64x512xi32>
    %lt3A_622 = arith.constant 0 : i32
    %lt3A_623 = vector.broadcast %lt3A_622 : i32 to vector<64x512xi32>
    %lt3A_624 = arith.cmpi slt, %rem3A_618, %lt3A_623 : vector<64x512xi32>
    %lt3A_625 = arith.constant 0 : i32
    %lt3A_626 = arith.cmpi slt, %select_n3A_616, %lt3A_625 : i32
    %ne3A_627 = vector.broadcast %lt3A_626 : i1 to vector<64x512xi1>
    %ne3A_628 = vector.broadcast %ne3A_627 : vector<64x512xi1> to vector<64x512xi1>
    %ne3A_629 = arith.xori %lt3A_624, %ne3A_628 : vector<64x512xi1>
    %and3A_630 = arith.andi %ne3A_629, %ne3A_621 : vector<64x512xi1>
    %add3A_631 = vector.broadcast %select_n3A_616 : i32 to vector<64x512xi32>
    %add3A_632 = arith.addi %rem3A_618, %add3A_631 : vector<64x512xi32>
    %select_n3A_633 = arith.select %and3A_630, %add3A_632, %rem3A_618 : vector<64x512xi1>, vector<64x512xi32>
    %eq3A_634 = arith.constant 5 : i32
    %eq3A_635 = vector.broadcast %eq3A_634 : i32 to vector<64x512xi32>
    %eq3A_636 = arith.cmpi eq, %select_n3A_633, %eq3A_635 : vector<64x512xi32>
    %convert_element_type3A_637 = arith.extui %eq3A_636 : vector<64x512xi1> to vector<64x512xi32>
    %convert_element_type3A_638 = arith.sitofp %convert_element_type3A_637 : vector<64x512xi32> to vector<64x512xf32>
    %jit3A_639 = arith.constant 8 : i32
    %div3A_640 = vector.broadcast %jit3A_639 : i32 to vector<64x512xi32>
    %div3A_641 = arith.divsi %iota3A_155, %div3A_640 : vector<64x512xi32>
    %sign3A_642 = arith.constant 0 : i32
    %sign3A_643 = vector.broadcast %sign3A_642 : i32 to vector<64x512xi32>
    %sign3A_644 = arith.cmpi sgt, %iota3A_155, %sign3A_643 : vector<64x512xi32>
    %sign3A_645 = arith.extui %sign3A_644 : vector<64x512xi1> to vector<64x512xi32>
    %sign3A_646 = arith.constant 0 : i32
    %sign3A_647 = vector.broadcast %sign3A_646 : i32 to vector<64x512xi32>
    %sign3A_648 = arith.cmpi slt, %iota3A_155, %sign3A_647 : vector<64x512xi32>
    %sign3A_649 = arith.extui %sign3A_648 : vector<64x512xi1> to vector<64x512xi32>
    %sign3A_650 = arith.subi %sign3A_645, %sign3A_649 : vector<64x512xi32>
    %sign3A_651 = arith.constant 0 : i32
    %sign3A_652 = arith.cmpi sgt, %jit3A_639, %sign3A_651 : i32
    %sign3A_653 = arith.extui %sign3A_652 : i1 to i32
    %sign3A_654 = arith.constant 0 : i32
    %sign3A_655 = arith.cmpi slt, %jit3A_639, %sign3A_654 : i32
    %sign3A_656 = arith.extui %sign3A_655 : i1 to i32
    %sign3A_657 = arith.subi %sign3A_653, %sign3A_656 : i32
    %ne3A_658 = vector.broadcast %sign3A_657 : i32 to vector<64x512xi32>
    %ne3A_659 = arith.cmpi ne, %sign3A_650, %ne3A_658 : vector<64x512xi32>
    %rem3A_660 = vector.broadcast %jit3A_639 : i32 to vector<64x512xi32>
    %rem3A_661 = arith.remsi %iota3A_155, %rem3A_660 : vector<64x512xi32>
    %ne3A_662 = arith.constant 0 : i32
    %ne3A_663 = vector.broadcast %ne3A_662 : i32 to vector<64x512xi32>
    %ne3A_664 = arith.cmpi ne, %rem3A_661, %ne3A_663 : vector<64x512xi32>
    %and3A_665 = arith.andi %ne3A_659, %ne3A_664 : vector<64x512xi1>
    %sub3A_666 = arith.constant 1 : i32
    %sub3A_667 = vector.broadcast %sub3A_666 : i32 to vector<64x512xi32>
    %sub3A_668 = arith.subi %div3A_641, %sub3A_667 : vector<64x512xi32>
    %select_n3A_669 = arith.select %and3A_665, %sub3A_668, %div3A_641 : vector<64x512xi1>, vector<64x512xi32>
    %eq3A_670 = arith.cmpi eq, %iota3A_154, %select_n3A_669 : vector<64x512xi32>
    %convert_element_type3A_671 = arith.extui %eq3A_670 : vector<64x512xi1> to vector<64x512xi32>
    %convert_element_type3A_672 = arith.sitofp %convert_element_type3A_671 : vector<64x512xi32> to vector<64x512xf32>
    %mul3A_673 = arith.mulf %convert_element_type3A_638, %convert_element_type3A_672 : vector<64x512xf32>
    %dot_general3A_674 = arith.constant dense<0.000000e+00> : vector<64x8xf32>
    %dot_general3A_675 = tpu.matmul %mul3A_673, %dot_general3A_262, %dot_general3A_674 {dimension_numbers = #tpu.dot_dimension_numbers<[1], [0], [0], [1], [0, 0, 1, 1], [], []>, precision = #tpu.contract_precision<fp32>, transpose_lhs_hint = false} : vector<64x512xf32>, vector<512x8xf32>, vector<64x8xf32> -> vector<64x8xf32>
    %slice3A_676 = vector.extract_strided_slice %get3A_265 {offsets = [296, 0], sizes = [8, 128], strides = [1, 1]} : vector<320x128xf32> to vector<8x128xf32>
    %dot_general3A_677 = arith.constant dense<0.000000e+00> : vector<64x128xf32>
    %dot_general3A_678 = tpu.matmul %dot_general3A_675, %slice3A_676, %dot_general3A_677 {dimension_numbers = #tpu.dot_dimension_numbers<[1], [0], [0], [1], [0, 0, 1, 1], [], []>, transpose_lhs_hint = false} : vector<64x8xf32>, vector<8x128xf32>, vector<64x128xf32> -> vector<64x128xf32>
    %add3A_679 = arith.addf %add3A_611, %dot_general3A_678 : vector<64x128xf32>
    %jit3A_680 = arith.constant 8 : i32
    %eq3A_681 = arith.constant 0 : i32
    %eq3A_682 = arith.cmpi eq, %jit3A_680, %eq3A_681 : i32
    %jit3A_683 = arith.constant 1 : i32
    %select_n3A_684 = arith.select %eq3A_682, %jit3A_683, %jit3A_680 : i32
    %rem3A_685 = vector.broadcast %select_n3A_684 : i32 to vector<64x512xi32>
    %rem3A_686 = arith.remsi %iota3A_155, %rem3A_685 : vector<64x512xi32>
    %ne3A_687 = arith.constant 0 : i32
    %ne3A_688 = vector.broadcast %ne3A_687 : i32 to vector<64x512xi32>
    %ne3A_689 = arith.cmpi ne, %rem3A_686, %ne3A_688 : vector<64x512xi32>
    %lt3A_690 = arith.constant 0 : i32
    %lt3A_691 = vector.broadcast %lt3A_690 : i32 to vector<64x512xi32>
    %lt3A_692 = arith.cmpi slt, %rem3A_686, %lt3A_691 : vector<64x512xi32>
    %lt3A_693 = arith.constant 0 : i32
    %lt3A_694 = arith.cmpi slt, %select_n3A_684, %lt3A_693 : i32
    %ne3A_695 = vector.broadcast %lt3A_694 : i1 to vector<64x512xi1>
    %ne3A_696 = vector.broadcast %ne3A_695 : vector<64x512xi1> to vector<64x512xi1>
    %ne3A_697 = arith.xori %lt3A_692, %ne3A_696 : vector<64x512xi1>
    %and3A_698 = arith.andi %ne3A_697, %ne3A_689 : vector<64x512xi1>
    %add3A_699 = vector.broadcast %select_n3A_684 : i32 to vector<64x512xi32>
    %add3A_700 = arith.addi %rem3A_686, %add3A_699 : vector<64x512xi32>
    %select_n3A_701 = arith.select %and3A_698, %add3A_700, %rem3A_686 : vector<64x512xi1>, vector<64x512xi32>
    %eq3A_702 = arith.constant 6 : i32
    %eq3A_703 = vector.broadcast %eq3A_702 : i32 to vector<64x512xi32>
    %eq3A_704 = arith.cmpi eq, %select_n3A_701, %eq3A_703 : vector<64x512xi32>
    %convert_element_type3A_705 = arith.extui %eq3A_704 : vector<64x512xi1> to vector<64x512xi32>
    %convert_element_type3A_706 = arith.sitofp %convert_element_type3A_705 : vector<64x512xi32> to vector<64x512xf32>
    %jit3A_707 = arith.constant 8 : i32
    %div3A_708 = vector.broadcast %jit3A_707 : i32 to vector<64x512xi32>
    %div3A_709 = arith.divsi %iota3A_155, %div3A_708 : vector<64x512xi32>
    %sign3A_710 = arith.constant 0 : i32
    %sign3A_711 = vector.broadcast %sign3A_710 : i32 to vector<64x512xi32>
    %sign3A_712 = arith.cmpi sgt, %iota3A_155, %sign3A_711 : vector<64x512xi32>
    %sign3A_713 = arith.extui %sign3A_712 : vector<64x512xi1> to vector<64x512xi32>
    %sign3A_714 = arith.constant 0 : i32
    %sign3A_715 = vector.broadcast %sign3A_714 : i32 to vector<64x512xi32>
    %sign3A_716 = arith.cmpi slt, %iota3A_155, %sign3A_715 : vector<64x512xi32>
    %sign3A_717 = arith.extui %sign3A_716 : vector<64x512xi1> to vector<64x512xi32>
    %sign3A_718 = arith.subi %sign3A_713, %sign3A_717 : vector<64x512xi32>
    %sign3A_719 = arith.constant 0 : i32
    %sign3A_720 = arith.cmpi sgt, %jit3A_707, %sign3A_719 : i32
    %sign3A_721 = arith.extui %sign3A_720 : i1 to i32
    %sign3A_722 = arith.constant 0 : i32
    %sign3A_723 = arith.cmpi slt, %jit3A_707, %sign3A_722 : i32
    %sign3A_724 = arith.extui %sign3A_723 : i1 to i32
    %sign3A_725 = arith.subi %sign3A_721, %sign3A_724 : i32
    %ne3A_726 = vector.broadcast %sign3A_725 : i32 to vector<64x512xi32>
    %ne3A_727 = arith.cmpi ne, %sign3A_718, %ne3A_726 : vector<64x512xi32>
    %rem3A_728 = vector.broadcast %jit3A_707 : i32 to vector<64x512xi32>
    %rem3A_729 = arith.remsi %iota3A_155, %rem3A_728 : vector<64x512xi32>
    %ne3A_730 = arith.constant 0 : i32
    %ne3A_731 = vector.broadcast %ne3A_730 : i32 to vector<64x512xi32>
    %ne3A_732 = arith.cmpi ne, %rem3A_729, %ne3A_731 : vector<64x512xi32>
    %and3A_733 = arith.andi %ne3A_727, %ne3A_732 : vector<64x512xi1>
    %sub3A_734 = arith.constant 1 : i32
    %sub3A_735 = vector.broadcast %sub3A_734 : i32 to vector<64x512xi32>
    %sub3A_736 = arith.subi %div3A_709, %sub3A_735 : vector<64x512xi32>
    %select_n3A_737 = arith.select %and3A_733, %sub3A_736, %div3A_709 : vector<64x512xi1>, vector<64x512xi32>
    %eq3A_738 = arith.cmpi eq, %iota3A_154, %select_n3A_737 : vector<64x512xi32>
    %convert_element_type3A_739 = arith.extui %eq3A_738 : vector<64x512xi1> to vector<64x512xi32>
    %convert_element_type3A_740 = arith.sitofp %convert_element_type3A_739 : vector<64x512xi32> to vector<64x512xf32>
    %mul3A_741 = arith.mulf %convert_element_type3A_706, %convert_element_type3A_740 : vector<64x512xf32>
    %dot_general3A_742 = arith.constant dense<0.000000e+00> : vector<64x8xf32>
    %dot_general3A_743 = tpu.matmul %mul3A_741, %dot_general3A_262, %dot_general3A_742 {dimension_numbers = #tpu.dot_dimension_numbers<[1], [0], [0], [1], [0, 0, 1, 1], [], []>, precision = #tpu.contract_precision<fp32>, transpose_lhs_hint = false} : vector<64x512xf32>, vector<512x8xf32>, vector<64x8xf32> -> vector<64x8xf32>
    %slice3A_744 = vector.extract_strided_slice %get3A_265 {offsets = [304, 0], sizes = [8, 128], strides = [1, 1]} : vector<320x128xf32> to vector<8x128xf32>
    %dot_general3A_745 = arith.constant dense<0.000000e+00> : vector<64x128xf32>
    %dot_general3A_746 = tpu.matmul %dot_general3A_743, %slice3A_744, %dot_general3A_745 {dimension_numbers = #tpu.dot_dimension_numbers<[1], [0], [0], [1], [0, 0, 1, 1], [], []>, transpose_lhs_hint = false} : vector<64x8xf32>, vector<8x128xf32>, vector<64x128xf32> -> vector<64x128xf32>
    %add3A_747 = arith.addf %add3A_679, %dot_general3A_746 : vector<64x128xf32>
    %jit3A_748 = arith.constant 8 : i32
    %eq3A_749 = arith.constant 0 : i32
    %eq3A_750 = arith.cmpi eq, %jit3A_748, %eq3A_749 : i32
    %jit3A_751 = arith.constant 1 : i32
    %select_n3A_752 = arith.select %eq3A_750, %jit3A_751, %jit3A_748 : i32
    %rem3A_753 = vector.broadcast %select_n3A_752 : i32 to vector<64x512xi32>
    %rem3A_754 = arith.remsi %iota3A_155, %rem3A_753 : vector<64x512xi32>
    %ne3A_755 = arith.constant 0 : i32
    %ne3A_756 = vector.broadcast %ne3A_755 : i32 to vector<64x512xi32>
    %ne3A_757 = arith.cmpi ne, %rem3A_754, %ne3A_756 : vector<64x512xi32>
    %lt3A_758 = arith.constant 0 : i32
    %lt3A_759 = vector.broadcast %lt3A_758 : i32 to vector<64x512xi32>
    %lt3A_760 = arith.cmpi slt, %rem3A_754, %lt3A_759 : vector<64x512xi32>
    %lt3A_761 = arith.constant 0 : i32
    %lt3A_762 = arith.cmpi slt, %select_n3A_752, %lt3A_761 : i32
    %ne3A_763 = vector.broadcast %lt3A_762 : i1 to vector<64x512xi1>
    %ne3A_764 = vector.broadcast %ne3A_763 : vector<64x512xi1> to vector<64x512xi1>
    %ne3A_765 = arith.xori %lt3A_760, %ne3A_764 : vector<64x512xi1>
    %and3A_766 = arith.andi %ne3A_765, %ne3A_757 : vector<64x512xi1>
    %add3A_767 = vector.broadcast %select_n3A_752 : i32 to vector<64x512xi32>
    %add3A_768 = arith.addi %rem3A_754, %add3A_767 : vector<64x512xi32>
    %select_n3A_769 = arith.select %and3A_766, %add3A_768, %rem3A_754 : vector<64x512xi1>, vector<64x512xi32>
    %eq3A_770 = arith.constant 7 : i32
    %eq3A_771 = vector.broadcast %eq3A_770 : i32 to vector<64x512xi32>
    %eq3A_772 = arith.cmpi eq, %select_n3A_769, %eq3A_771 : vector<64x512xi32>
    %convert_element_type3A_773 = arith.extui %eq3A_772 : vector<64x512xi1> to vector<64x512xi32>
    %convert_element_type3A_774 = arith.sitofp %convert_element_type3A_773 : vector<64x512xi32> to vector<64x512xf32>
    %jit3A_775 = arith.constant 8 : i32
    %div3A_776 = vector.broadcast %jit3A_775 : i32 to vector<64x512xi32>
    %div3A_777 = arith.divsi %iota3A_155, %div3A_776 : vector<64x512xi32>
    %sign3A_778 = arith.constant 0 : i32
    %sign3A_779 = vector.broadcast %sign3A_778 : i32 to vector<64x512xi32>
    %sign3A_780 = arith.cmpi sgt, %iota3A_155, %sign3A_779 : vector<64x512xi32>
    %sign3A_781 = arith.extui %sign3A_780 : vector<64x512xi1> to vector<64x512xi32>
    %sign3A_782 = arith.constant 0 : i32
    %sign3A_783 = vector.broadcast %sign3A_782 : i32 to vector<64x512xi32>
    %sign3A_784 = arith.cmpi slt, %iota3A_155, %sign3A_783 : vector<64x512xi32>
    %sign3A_785 = arith.extui %sign3A_784 : vector<64x512xi1> to vector<64x512xi32>
    %sign3A_786 = arith.subi %sign3A_781, %sign3A_785 : vector<64x512xi32>
    %sign3A_787 = arith.constant 0 : i32
    %sign3A_788 = arith.cmpi sgt, %jit3A_775, %sign3A_787 : i32
    %sign3A_789 = arith.extui %sign3A_788 : i1 to i32
    %sign3A_790 = arith.constant 0 : i32
    %sign3A_791 = arith.cmpi slt, %jit3A_775, %sign3A_790 : i32
    %sign3A_792 = arith.extui %sign3A_791 : i1 to i32
    %sign3A_793 = arith.subi %sign3A_789, %sign3A_792 : i32
    %ne3A_794 = vector.broadcast %sign3A_793 : i32 to vector<64x512xi32>
    %ne3A_795 = arith.cmpi ne, %sign3A_786, %ne3A_794 : vector<64x512xi32>
    %rem3A_796 = vector.broadcast %jit3A_775 : i32 to vector<64x512xi32>
    %rem3A_797 = arith.remsi %iota3A_155, %rem3A_796 : vector<64x512xi32>
    %ne3A_798 = arith.constant 0 : i32
    %ne3A_799 = vector.broadcast %ne3A_798 : i32 to vector<64x512xi32>
    %ne3A_800 = arith.cmpi ne, %rem3A_797, %ne3A_799 : vector<64x512xi32>
    %and3A_801 = arith.andi %ne3A_795, %ne3A_800 : vector<64x512xi1>
    %sub3A_802 = arith.constant 1 : i32
    %sub3A_803 = vector.broadcast %sub3A_802 : i32 to vector<64x512xi32>
    %sub3A_804 = arith.subi %div3A_777, %sub3A_803 : vector<64x512xi32>
    %select_n3A_805 = arith.select %and3A_801, %sub3A_804, %div3A_777 : vector<64x512xi1>, vector<64x512xi32>
    %eq3A_806 = arith.cmpi eq, %iota3A_154, %select_n3A_805 : vector<64x512xi32>
    %convert_element_type3A_807 = arith.extui %eq3A_806 : vector<64x512xi1> to vector<64x512xi32>
    %convert_element_type3A_808 = arith.sitofp %convert_element_type3A_807 : vector<64x512xi32> to vector<64x512xf32>
    %mul3A_809 = arith.mulf %convert_element_type3A_774, %convert_element_type3A_808 : vector<64x512xf32>
    %dot_general3A_810 = arith.constant dense<0.000000e+00> : vector<64x8xf32>
    %dot_general3A_811 = tpu.matmul %mul3A_809, %dot_general3A_262, %dot_general3A_810 {dimension_numbers = #tpu.dot_dimension_numbers<[1], [0], [0], [1], [0, 0, 1, 1], [], []>, precision = #tpu.contract_precision<fp32>, transpose_lhs_hint = false} : vector<64x512xf32>, vector<512x8xf32>, vector<64x8xf32> -> vector<64x8xf32>
    %slice3A_812 = vector.extract_strided_slice %get3A_265 {offsets = [312, 0], sizes = [8, 128], strides = [1, 1]} : vector<320x128xf32> to vector<8x128xf32>
    %dot_general3A_813 = arith.constant dense<0.000000e+00> : vector<64x128xf32>
    %dot_general3A_814 = tpu.matmul %dot_general3A_811, %slice3A_812, %dot_general3A_813 {dimension_numbers = #tpu.dot_dimension_numbers<[1], [0], [0], [1], [0, 0, 1, 1], [], []>, transpose_lhs_hint = false} : vector<64x8xf32>, vector<8x128xf32>, vector<64x128xf32> -> vector<64x128xf32>
    %add3A_815 = arith.addf %add3A_747, %dot_general3A_814 : vector<64x128xf32>
    %get3A_816 = arith.constant 0 : index
    %get3A_817 = vector.load %arg9[%get3A_816] : memref<128xf32, #tpu.memory_space<vmem>>, vector<128xf32>
    %broadcast_in_dim3A_818 = vector.shape_cast %get3A_817 : vector<128xf32> to vector<1x128xf32>
    %add3A_819 = vector.broadcast %broadcast_in_dim3A_818 : vector<1x128xf32> to vector<64x128xf32>
    %add3A_820 = arith.addf %add3A_815, %add3A_819 : vector<64x128xf32>
    %get3A_821 = arith.constant 0 : index
    %get3A_822 = arith.constant 0 : index
    %get3A_823 = vector.load %arg10[%get3A_821, %get3A_822] : memref<128x128xf32, #tpu.memory_space<vmem>>, vector<128x128xf32>
    %dot_general3A_824 = arith.constant dense<0.000000e+00> : vector<64x128xf32>
    %dot_general3A_825 = tpu.matmul %add3A_820, %get3A_823, %dot_general3A_824 {dimension_numbers = #tpu.dot_dimension_numbers<[1], [0], [0], [1], [0, 0, 1, 1], [], []>, transpose_lhs_hint = false} : vector<64x128xf32>, vector<128x128xf32>, vector<64x128xf32> -> vector<64x128xf32>
    %get3A_826 = arith.constant 0 : index
    %get3A_827 = vector.load %arg11[%get3A_826] : memref<128xf32, #tpu.memory_space<vmem>>, vector<128xf32>
    %broadcast_in_dim3A_828 = vector.shape_cast %get3A_827 : vector<128xf32> to vector<1x128xf32>
    %add3A_829 = vector.broadcast %broadcast_in_dim3A_828 : vector<1x128xf32> to vector<64x128xf32>
    %add3A_830 = arith.addf %dot_general3A_825, %add3A_829 : vector<64x128xf32>
    %max3A_831 = arith.constant 0.000000e+00 : f32
    %max3A_832 = vector.broadcast %max3A_831 : f32 to vector<64x128xf32>
    %max3A_833 = arith.maximumf %add3A_830, %max3A_832 : vector<64x128xf32>
    %get3A_834 = arith.constant 0 : index
    %get3A_835 = arith.constant 0 : index
    %get3A_836 = vector.load %arg12[%get3A_834, %get3A_835] : memref<128x128xf32, #tpu.memory_space<vmem>>, vector<128x128xf32>
    %dot_general3A_837 = arith.constant dense<0.000000e+00> : vector<64x128xf32>
    %dot_general3A_838 = tpu.matmul %max3A_833, %get3A_836, %dot_general3A_837 {dimension_numbers = #tpu.dot_dimension_numbers<[1], [0], [0], [1], [0, 0, 1, 1], [], []>, transpose_lhs_hint = false} : vector<64x128xf32>, vector<128x128xf32>, vector<64x128xf32> -> vector<64x128xf32>
    %get3A_839 = arith.constant 0 : index
    %get3A_840 = vector.load %arg13[%get3A_839] : memref<128xf32, #tpu.memory_space<vmem>>, vector<128xf32>
    %broadcast_in_dim3A_841 = vector.shape_cast %get3A_840 : vector<128xf32> to vector<1x128xf32>
    %add3A_842 = vector.broadcast %broadcast_in_dim3A_841 : vector<1x128xf32> to vector<64x128xf32>
    %add3A_843 = arith.addf %dot_general3A_838, %add3A_842 : vector<64x128xf32>
    %max3A_844 = arith.constant 0.000000e+00 : f32
    %max3A_845 = vector.broadcast %max3A_844 : f32 to vector<64x128xf32>
    %max3A_846 = arith.maximumf %add3A_843, %max3A_845 : vector<64x128xf32>
    %get3A_847 = arith.constant 0 : index
    %get3A_848 = arith.constant 0 : index
    %get3A_849 = vector.load %arg14[%get3A_847, %get3A_848] : memref<128x1xf32, #tpu.memory_space<vmem>>, vector<128x1xf32>
    %dot_general3A_850 = arith.constant dense<0.000000e+00> : vector<64x1xf32>
    %dot_general3A_851 = tpu.matmul %max3A_846, %get3A_849, %dot_general3A_850 {dimension_numbers = #tpu.dot_dimension_numbers<[1], [0], [0], [1], [0, 0, 1, 1], [], []>, transpose_lhs_hint = false} : vector<64x128xf32>, vector<128x1xf32>, vector<64x1xf32> -> vector<64x1xf32>
    %get3A_852 = arith.constant 0 : index
    %get3A_853 = vector.load %arg15[%get3A_852] : memref<1xf32, #tpu.memory_space<vmem>>, vector<1xf32>
    %broadcast_in_dim3A_854 = vector.shape_cast %get3A_853 : vector<1xf32> to vector<1x1xf32>
    %add3A_855 = vector.broadcast %broadcast_in_dim3A_854 : vector<1x1xf32> to vector<64x1xf32>
    %add3A_856 = arith.addf %dot_general3A_851, %add3A_855 : vector<64x1xf32>
    %swap3A = arith.constant 0 : index
    %swap3A_857 = arith.constant 0 : index
    %swap3A_858 = vector.load %arg16[%swap3A, %swap3A_857] : memref<64x1xf32, #tpu.memory_space<vmem>>, vector<64x1xf32>
    tpu.vector_store %arg16[%swap3A, %swap3A_857], %add3A_856 {strides = array<i32>} : memref<64x1xf32, #tpu.memory_space<vmem>>, vector<64x1xf32>,
    return
  }
}

</mosaic_0001>

<sc_bundles>
// kernel: kernel.10.cloned.1.call-start
scs
__scs_entry_jumppad:
0x0: {  	(pc) =	sbr.rel $0x88, $3  }
0x1: {  	(tag) =	ssettag $0x0;
	lr =	simm.s32 $0x1  }
0x2: {  	[smem:$0x3F8B] =	sst lr;
	_ =	strace $0xD0000000  }
0x3: {  	_ = 	snop  }
0x4: {  	_ = 	snop  }
0x5: {  	_ = 	snop  }
0x6: {  	_ = 	snop  }
0x7: {  	_ = 	snop  }
__scs_overlays_trampoline_lowered:
0x8: {  	[smem:$0x3F9A] =	sst s0  }
0x9: {  	[smem:$0x3F9B] =	sst s1  }
0xa: {  	[smem:$0x3F9C] =	sst s2  }
0xb: {  	[smem:$0x3F9D] =	sst s3  }
0xc: {  	[smem:$0x3F9E] =	sst s4  }
0xd: {  	[smem:$0x3F9F] =	sst s5  }
0xe: {  	[smem:$0x3FA0] =	sst s6  }
0xf: {  	[smem:$0x3FA1] =	sst s7  }
0x10: {  	[smem:$0x3FA2] =	sst s8  }
0x11: {  	[smem:$0x3FA3] =	sst s9;
	s0 =	simm.s32 @!p0 $0x0  }
0x12: {  	s1 =	sld [smem:$0x3F89];
	s0 =	simm.s32 @p0 $0x1  }
0x13: {  	[smem:$0x3FA4] =	sst s0;
	s0 =	simm.s32 @!p1 $0x0  }
0x14: {  	s2 =	sld [smem:$0x3F88];
	s0 =	simm.s32 @p1 $0x1  }
0x15: {  	[smem:$0x3FA5] =	sst s0;
	s0 =	simm.s32 @!p2 $0x0  }
0x16: {  	s3 =	sld [smem:$0x3FDB];
	s0 =	simm.s32 @p2 $0x1  }
0x17: {  	s4 =	simm.s32 $0x1BF5;
	[smem:$0x3FA7] =	sst s0  }
0x18: {  	s0 =	sld [smem:$0x3F8A];
	_ =	swait.ge [sflag:s4], $0x0  }
0x19: {  	s7 =	sld [smem:$0x3F8B]  }
0x1a: {  	s8 =	sadd.s32 $0xFFFFE003, lr  }
0x1b: {  	s9 =	sadd.s32 $0xFFFFFEF7, lr;
	s5 =	simm.s32 $0xFFFFFFFF;
	p2 =	slt.u32 s8, $0xFFFFF086  }
0x1c: {  	p1 =	slt.u32 s9, $0xF7A;
	s5 =	simm.s32 @!p2 $0x0  }
0x1d: {  	s5 =	simm.s32 @p1 $0x1;
	p0 =	seq.s32 s7, s2  }
0x1e: {  	s7 =	smul.u32 @!p0 $0xF7A, s2;
	p2 =	seq.s32 @!p0 s5, $0x0  }
0x1f: {  	s9 =	smul.u32 $0xF7A, s1;
	s8 =	simm.s32 @!p0 $0x1BF5;
	p2 =	por !p2, p0  }
0x20: {  	[sflag:s8] =	ssyncset.s32 @!p0 $0xFFFFF086;
	s6 =	sadd.s32 @!p0 s3, s7;
	s7 =	simm.s32 @!p0 $0x108  }
0x21: {  	s3 =	sadd.s32 s3, s9;
	s6 =	sadd.s32 @!p0 $0x88, s6;
	s7 =	simm.s32 @p2 $0x1082  }
0x22: {  	[simem:s7], [sflag:s8] =	dma.local @!p0 [hbm:s6], $0xF7A  }
0x23: {  	s9 =	sor.u32 $0xD0000000, s2;
	s6 =	simm.s32 $0x108;
	_ =	swait.ge @!p0 [sflag:s8], $0x0  }
0x24: {  	s3 =	sadd.s32 $0x88, s3;
	s6 =	simm.s32 @!p1 $0x1082;
	[sflag:s4] =	ssyncset.s32 $0xFFFFF086  }
0x25: {  	[simem:s6], [sflag:s4] =	dma.local [hbm:s3], $0xF7A  }
0x26: {  	[smem:$0x3F8B] =	sst s1;
	(tag) =	ssettag s2;
	_ =	strace s9  }
0x27: {  	s1 =	sld [smem:$0x3F9B]  }
0x28: {  	s2 =	sld [smem:$0x3F9C]  }
0x29: {  	s4 =	sld [smem:$0x3F9E]  }
0x2a: {  	p0 =	seq.s32 s5, $0x0;
	s5 =	sld [smem:$0x3F9F]  }
0x2b: {  	s6 =	sld [smem:$0x3FA0]  }
0x2c: {  	s7 =	sld [smem:$0x3FA1]  }
0x2d: {  	s3 =	simm.s32 $0x108;
	s8 =	sld [smem:$0x3FA2]  }
0x2e: {  	s3 =	simm.s32 @!p0 $0x1082;
	s9 =	sld [smem:$0x3FA3]  }
0x2f: {  	lr =	sadd.s32 s0, s3;
	s0 =	sld [smem:$0x3F9A]  }
0x30: {  	s3 =	sld [smem:$0x3F9D]  }
0x31: {  	[smem:$0x3FA6] =	sst s10  }
0x32: {  	s10 =	sld [smem:$0x3FA4];
	_ =	sdelay $0x3  }
0x33: {  	p0 =	seq.s32 s10, $0x1;
	s10 =	sld [smem:$0x3FA6];
	_ =	sdelay $0x3  }
0x34: {  	[smem:$0x3FA6] =	sst s10  }
0x35: {  	s10 =	sld [smem:$0x3FA5];
	_ =	sdelay $0x3  }
0x36: {  	p1 =	seq.s32 s10, $0x1;
	s10 =	sld [smem:$0x3FA6];
	_ =	sdelay $0x3  }
0x37: {  	[smem:$0x3FA6] =	sst s10  }
0x38: {  	s10 =	sld [smem:$0x3FA7]  }
0x39: {  	_ = 	snop;
	(pc) =	sbr.ind lr, $3  }
0x3a: {  	_ = 	snop  }
0x3b: {  	_ = 	snop  }
0x3c: {  	p2 =	seq.s32 s10, $0x1;
	s10 =	sld [smem:$0x3FA6]  }
0x3d: {  	_ =	shalt  }
0x3e: {  	_ =	shalt  }
0x3f: {  	_ =	shalt  }
0x40: {  	_ =	shalt  }
0x41: {  	_ =	shalt  }
0x42: {  	_ =	shalt  }
0x43: {  	_ =	shalt  }
0x44: {  	_ =	shalt  }
0x45: {  	_ =	shalt  }
0x46: {  	_ =	shalt  }
0x47: {  	_ =	shalt  }
0x48: {  	_ =	shalt  }
0x49: {  	_ =	shalt  }
0x4a: {  	_ =	shalt  }
0x4b: {  	_ =	shalt  }
0x4c: {  	_ =	shalt  }
0x4d: {  	_ =	shalt  }
0x4e: {  	_ =	shalt  }
0x4f: {  	_ =	shalt  }
0x50: {  	_ =	shalt  }
0x51: {  	_ =	shalt  }
0x52: {  	_ =	shalt  }
0x53: {  	_ =	shalt  }
0x54: {  	_ =	shalt  }
0x55: {  	_ =	shalt  }
0x56: {  	_ =	shalt  }
0x57: {  	_ =	shalt  }
0x58: {  	_ =	shalt  }
0x59: {  	_ =	shalt  }
0x5a: {  	_ =	shalt  }
0x5b: {  	_ =	shalt  }
0x5c: {  	_ =	shalt  }
0x5d: {  	_ =	shalt  }
0x5e: {  	_ =	shalt  }
0x5f: {  	_ =	shalt  }
0x60: {  	_ =	shalt  }
0x61: {  	_ =	shalt  }
0x62: {  	_ =	shalt  }
0x63: {  	_ =	shalt  }
0x64: {  	_ =	shalt  }
0x65: {  	_ =	shalt  }
0x66: {  	_ =	shalt  }
0x67: {  	_ =	shalt  }
0x68: {  	_ =	shalt  }
0x69: {  	_ =	shalt  }
0x6a: {  	_ =	shalt  }
0x6b: {  	_ =	shalt  }
0x6c: {  	_ =	shalt  }
0x6d: {  	_ =	shalt  }
0x6e: {  	_ =	shalt  }
0x6f: {  	_ =	shalt  }
0x70: {  	_ =	shalt  }
0x71: {  	_ =	shalt  }
0x72: {  	_ =	shalt  }
0x73: {  	_ =	shalt  }
0x74: {  	_ =	shalt  }
0x75: {  	_ =	shalt  }
0x76: {  	_ =	shalt  }
0x77: {  	_ =	shalt  }
0x78: {  	_ =	shalt  }
0x79: {  	_ =	shalt  }
0x7a: {  	_ =	shalt  }
0x7b: {  	_ =	shalt  }
0x7c: {  	_ =	shalt  }
0x7d: {  	_ =	shalt  }
0x7e: {  	_ =	shalt  }
0x7f: {  	_ =	shalt  }
0x80: {  	_ =	shalt  }
0x81: {  	_ =	shalt  }
0x82: {  	_ =	shalt  }
0x83: {  	_ =	shalt  }
0x84: {  	_ =	shalt  }
0x85: {  	_ =	shalt  }
0x86: {  	_ =	shalt  }
0x87: {  	_ =	shalt  }
.Lfunc_end0:
.L_simem_size_0:
called_computation_lowered:
.L_overlay_start_0:
0x88: {  	s2 =	sld [smem:$0x3FD9]  }
0x89: {  	s3 =	sld [smem:$0x3FFE];
	_ =	sdelay $0x1  }
0x8a: {  	s1 =	srdreg.scid  }
0x8b: {  	s0 =	sand.u32 $0x1, s1  }
0x8c: {  	s16 =	sshll.u32 s0, $0xA;
	s2 =	sadd.s32 s3, s2  }
0x8d: {  	s2 =	sadd.s32 s2, s16  }
0x8e: {  	[smem:$0x3FB2] =	sst s2  }
0x8f: {  	_ = 	snop  }
0x90: {  	(tm) =	ssettm $0x1  }
0x91: {  	s17 =	sld [smem:$0x3FFB];
	_ =	sdelay $0x3  }
0x92: {  	_ =	strace s17  }
0x93: {  	s2 =	sld [smem:$0x3FFC];
	_ =	sdelay $0x3  }
0x94: {  	_ =	strace s2  }
0x95: {  	s2 =	sld [smem:$0x3FFD];
	_ =	sdelay $0x3  }
0x96: {  	_ =	strace s2  }
0x97: {  	_ =	strace $0x8FFFFFFF  }
0x98: {  	s18 =	sld [smem:$0x3FDB];
	_ =	sdelay $0x1  }
0x99: {  	s19 =	simm.s32 $_scs_section_size  }
0x9a: {  	s4 =	simm.s32 $_size__tile_overlayer_lowered;
	s5 =	simm.s32 $_tile_overlayer_lowered  }
0x9b: {  	s22 =	simm.s32 $0x1BFF;
	s21 =	sshll.u32 s5, $0x1;
	s2 =	sadd.s32 s19, s18  }
0x9c: {  	s6 =	simm.s32 $0x0;
	s20 =	sshll.u32 s4, $0x1;
	s4 =	sadd.s32 s21, s2  }
0x9d: {  	[timem:s6], [sflag:s22] =	dma.local [hbm:s4], s20  }
0x9e: {  	_ =	swait.ge [sflag:s22], s20  }
0x9f: {  	s3 =	ssub.s32 $0x0, s20;
	[sflag:s22] =	ssyncset.done $0x0  }
0xa0: {  	[sflag:s22] =	ssyncadd.s32 s3;
	_ =	sdelay $0x1  }
0xa1: {  	s23 =	simm.s32 $0x1B8B  }
0xa2: {  	_ =	swait.ge [sflag:s23], $0x1  }
0xa3: {  	[sflag:s23] =	ssyncset.done $0x0  }
0xa4: {  	s25 =	simm.s32 $0x1B8E;
	s24 =	sld [smem:$0x3FFE];
	[sflag:s23] =	ssyncadd.s32 $0xFFFFFFFF  }
0xa5: {  	s26 =	simm.s32 $execute0_lowered;
	[smem:$0x3FD2] =	sst s25  }
0xa6: {  	s4 =	sshll.u32 s26, $0x1;
	_ =	strace $0x80000046;
	[dreg:$0x1] =	wrdreg $0xFFFFFFFF  }
0xa7: {  	s28 =	simm.s32 $_size_execute0_lowered;
	s2 =	sadd.s32 s2, s4;
	[dreg:$0x0] =	wrdreg $0x0  }
0xa8: {  	s4 =	sshll.u32 s28, $0x1;
	[dreg:$0x2] =	wrdreg s2  }
0xa9: {  	[dreg:$0x3] =	wrdreg s4  }
0xaa: {  	[dreg:$0x4] =	wrdreg $0xC0  }
0xab: {  	_ =	task [dreg:s6], $0x5FFFF  }
0xac: {  	[dreg:$0x1] =	wrdreg $0xFFFFFFFF  }
0xad: {  	[dreg:$0x0] =	wrdreg $0x60  }
0xae: {  	[dreg:$0x2] =	wrdreg s24  }
0xaf: {  	[dreg:$0x3] =	wrdreg $0x9  }
0xb0: {  	_ =	task.clear_ibuf [dreg:s6], $0x4FFFF;
	_ =	strace $0x90000046  }
0xb1: {  	s29 =	simm.s32 $0x9;
	_ =	strace $0x80000048  }
0xb2: {  	_ =	swait.ge [sflag:s29], $0x1  }
0xb3: {  	[sflag:s29] =	ssyncadd.s32 $0xFFFFFFFF  }
0xb4: {  	_ =	strace $0x90000048  }
0xb5: {  	_ =	sfence  }
0xb6: {  	s30 =	sld [smem:$0x0];
	_ =	sdelay $0x2  }
0xb7: {  	s31 =	sshll.u32 s1, $0xD;
	s1 =	sshrl.u32 s1, $0x2  }
0xb8: {  	s3 =	sand.u32 $0x4000, s31;
	s1 =	sadd.s32 s1, s30  }
0xb9: {  	s0 =	sor.u32 s3, s0;
	s1 =	sshll.u32 s1, $0x11  }
0xba: {  	s0 =	sor.u32 s1, s0  }
0xbb: {  	s0 =	sadd.s32 $0x8F2B, s0  }
0xbc: {  	[sflag:s0] =	ssyncadd.remote.s32 $0x1  }
0xbd: {  	_ =	sfence.sel $0xFFFF  }
0xbe: {  	[dreg:$0x0] =	wrdreg $0xFFFFFFFF;
	(pc) =	sbr.abs _section_cstart, $3  }
0xbf: {  	[dreg:$0x1] =	wrdreg $0xFFFFFFFF  }
0xc0: {  	_ =	task.clear_ibuf [dreg:s6], $0x2FFFF;
	_ =	strace $0x9FFFFFFF  }
0xc1: {  	(tm) =	ssettm $0x7FFFFFFF  }
tec
execute0_lowered:
.L_overlay_start_1:
0x0: {  	(tag) =	ssettag $0x1  }
0x1: {  	s0 =	srdreg.scid  }
0x2: {  	s4 =	rddreg [dreg:$0x0];
	s1 =	stileid.u32;
	s3 =	sand.u32 $0x1, s0  }
0x3: {  	s2 =	simm.s32 $0x0;
	s9 =	simm.s32 $0x0;
	s5 =	sshll.u32 s3, $0x4  }
0x4: {  	s0 =	rddreg [dreg:$0x1];
	s7 =	ssub.s32 $0x2, s3;
	s5 =	sor.u32 s1, s5  }
0x5: {  	[smem:$0x7FF] =	sst s2;
	s8 =	sshrl.u32 s7, $0x1;
	s6 =	smul.u32 $0x500, s5  }
0x6: {  	_ =	strace $0x80000047;
	s3 =	sadd.s32 $0x17400, s4;
	s7 =	ssub.s32 s7, s8  }
0x7: {  	s8 =	simm.s32 $0x1;
	s6 =	sadd.s32 s6, s4;
	s4 =	smul.u32 $0x5000, s5  }
0x8: {  	v0 =	vimm.f32 $0.0e+00;
	v1 =	vimm.f32 $1.000000000e+00;
	s5 =	sadd.s32 $0x2B400, s6;
	s6 =	smax.u32 s7, $0x1;
	s7 =	simm.s32 $0x2800  }
.LBB2_1:
0x9: {  	s10 =	simm.s32 $0x40;
	s11 =	simm.s32 $0x0  }
.LBB2_2:
0xa: {  	p0 =	sne.s32 s10, $0x9FC0;
	[tilespmem:s11+$0x0] =	vst v0;
	s11 =	smov.u32 s10;
	s10 =	sadd.s32 $0x40, s10  }
.Ltmp0:
0xb: {  	(pc) =	sbr.rel @p0 .LBB2_2-.Ltmp0, $2  }
0xc: {  	_ =	sdelay $0x2  }
0xd: {  	s11 =	sshra.s32 s11, $0x2  }
0xe: {  	[tilespmem:s11+$0x0] =	vst v0;
	s10 =	simm.s32 $0x0;
	s11 =	simm.s32 $0x0  }
.LBB2_4:
0xf: {  	s12 =	sshll.u32 s11, $0xB  }
0x10: {  	s12 =	sadd.s32 s4, s12  }
0x11: {  	s12 =	sshrl.u32 s12, $0x3  }
0x12: {  	s12 =	sadd.s32 s3, s12  }
0x13: {  	[tilespmem:s7], [sflag:$0x1] =	stream.linear.gather [hbm4b:s12+s10], $0x800, $0x38;
	[tilespmem:$0x3000] =	vst v63  }
0x14: {  	s31 =	sand.u32 $0x1E00, s10;
	_ =	swait.ge [sflag:s8], $0x800  }
0x15: {  	s13 =	sand.u32 $0x70, s10;
	s12 =	sshrl.u32 s31, $0x2;
	[sflag:s8] =	ssyncset.done $0x0  }
0x16: {  	s12 =	sor.u32 s13, s12;
	[sflag:s8] =	ssyncadd.s32 $0xFFFFF800  }
0x17: {  	v2 =	vld [tilespmem:s12+$0x2800];
	_ =	sdelay $0x4  }
0x18: {  	s14 =	simm.s32 $0x40  }
0x19: {  	s14 =	sand.u32 $0x1E00, s14;
	s13 =	simm.s32 $0x80;
	s12 =	simm.s32 $0x10  }
.LBB2_5:
0x1a: {  	p0 =	sne.s32 s13, $0x1FC0;
	s15 =	sand.u32 $0x70, s12;
	s14 =	sshrl.u32 s14, $0x2  }
0x1b: {  	s14 =	sor.u32 s15, s14;
	[tilespmem:v2+s2+$0x0] =	vst.idx.add.f32.msk $0xffff, v1  }
0x1c: {  	v2 =	vld [tilespmem:s14+$0x2800];
	_ =	sdelay $0x1  }
.Ltmp1:
0x1d: {  	(pc) =	sbr.rel @p0 .LBB2_5-.Ltmp1, $2  }
0x1e: {  	_ =	sdelay $0x2  }
0x1f: {  	s12 =	sadd.s32 $0x10, s12;
	s14 =	sand.u32 $0x1E00, s13;
	s13 =	sadd.s32 $0x40, s13  }
0x20: {  	_ =	sdelay $0x2  }
0x21: {  	s12 =	sand.u32 $0x70, s12;
	s13 =	sshrl.u32 s14, $0x2  }
0x22: {  	[tilespmem:v2+s2+$0x0] =	vst.idx.add.f32.msk $0xffff, v1;
	s12 =	sor.u32 s12, s13  }
0x23: {  	v2 =	vld [tilespmem:s12+$0x2800];
	_ =	sdelay $0x1  }
0x24: {  	s11 =	sadd.s32 $0x1, s11  }
0x25: {  	p0 =	sne.s32 s11, $0xA  }
.Ltmp2:
0x26: {  	_ = 	snop;
	(pc) =	sbr.rel @p0 .LBB2_4-.Ltmp2, $2  }
0x27: {  	_ =	sdelay $0x2  }
0x28: {  	[tilespmem:v2+s2+$0x0] =	vst.idx.add.f32.msk $0xffff, v1  }
0x29: {  	s9 =	sadd.s32 $0x1, s9  }
0x2a: {  	p0 =	sne.s32 s9, s6  }
.Ltmp3:
0x2b: {  	_ = 	snop;
	(pc) =	sbr.rel @p0 .LBB2_1-.Ltmp3, $4  }
0x2c: {  	[hbm4b:s5+s2] =	stream.linear.scatter [tilespmem:s2], [sflag:$0x1], $0x2800, $0x38;
	[tilespmem:$0x3000] =	vst v63  }
0x2d: {  	_ =	swait.ge [sflag:s8], $0x2800  }
0x2e: {  	[sflag:s8] =	ssyncset.done $0x0  }
0x2f: {  	[sflag:s8] =	ssyncadd.s32 $0xFFFFD800  }
0x30: {  	_ =	sfence.sel $0x180000  }
0x31: {  	[bflag:$0x0] =	sbarrier.arrive $0xFFFF  }
0x32: {  	p0 =	sne.s32 s1, $0x0;
	_ =	strace $0x90000047  }
0x33: {  	s0 =	sadd.s32 @!p0 $0x100000, s0;
	[bflag:$0x2] =	sbarrier.arrive $0xFFFF  }
0x34: {  	[sflag:s0] =	ssyncadd.tile.s32 @!p0 $0x1;
	_ =	shalt  }
.Lfunc_end2:
_tile_overlayer_lowered:
.L_overlay_start_2:
0x35: {  	(tag) =	ssettag $0x2  }
0x36: {  	s0 =	rddreg [dreg:$0x0];
	s2 =	stileid.u32  }
0x37: {  	s1 =	rddreg [dreg:$0x1];
	p0 =	sne.s32 s2, $0x0  }
0x38: {  	s3 =	rddreg [dreg:$0x2];
	[bflag:$0x3] =	sbarrier.arrive $0xFFFF;
	s2 =	simm.s32 @!p0 $0x1C01  }
0x39: {  	[timem:s3], [sflag:s2] =	dma.local @!p0 [hbm:s0], s1  }
0x3a: {  	s0 =	simm.s32 @!p0 $0x1  }
0x3b: {  	_ =	swait.ge @!p0 [sflag:s0], s1  }
0x3c: {  	s1 =	ssub.s32 @!p0 $0x0, s1;
	[sflag:s0] =	ssyncset.done @!p0 $0x0  }
0x3d: {  	[sflag:s0] =	ssyncadd.s32 @!p0 s1  }
0x3e: {  	[bflag:$0x3] =	sbarrier.arrive $0xFFFF  }
0x3f: {  	_ =	shalt  }

// kernel: kernel.13.cloned.1.call-start
scs
__scs_entry_jumppad:
0x0: {  	(pc) =	sbr.rel $0x88, $3  }
0x1: {  	(tag) =	ssettag $0x0;
	lr =	simm.s32 $0x1  }
0x2: {  	[smem:$0x3F8B] =	sst lr;
	_ =	strace $0xD0000000  }
0x3: {  	_ = 	snop  }
0x4: {  	_ = 	snop  }
0x5: {  	_ = 	snop  }
0x6: {  	_ = 	snop  }
0x7: {  	_ = 	snop  }
__scs_overlays_trampoline_lowered:
0x8: {  	[smem:$0x3F9A] =	sst s0  }
0x9: {  	[smem:$0x3F9B] =	sst s1  }
0xa: {  	[smem:$0x3F9C] =	sst s2  }
0xb: {  	[smem:$0x3F9D] =	sst s3  }
0xc: {  	[smem:$0x3F9E] =	sst s4  }
0xd: {  	[smem:$0x3F9F] =	sst s5  }
0xe: {  	[smem:$0x3FA0] =	sst s6  }
0xf: {  	[smem:$0x3FA1] =	sst s7  }
0x10: {  	[smem:$0x3FA2] =	sst s8  }
0x11: {  	[smem:$0x3FA3] =	sst s9;
	s0 =	simm.s32 @!p0 $0x0  }
0x12: {  	s1 =	sld [smem:$0x3F89];
	s0 =	simm.s32 @p0 $0x1  }
0x13: {  	[smem:$0x3FA4] =	sst s0;
	s0 =	simm.s32 @!p1 $0x0  }
0x14: {  	s2 =	sld [smem:$0x3F88];
	s0 =	simm.s32 @p1 $0x1  }
0x15: {  	[smem:$0x3FA5] =	sst s0;
	s0 =	simm.s32 @!p2 $0x0  }
0x16: {  	s3 =	sld [smem:$0x3FDB];
	s0 =	simm.s32 @p2 $0x1  }
0x17: {  	s4 =	simm.s32 $0x1BF5;
	[smem:$0x3FA7] =	sst s0  }
0x18: {  	s0 =	sld [smem:$0x3F8A];
	_ =	swait.ge [sflag:s4], $0x0  }
0x19: {  	s7 =	sld [smem:$0x3F8B]  }
0x1a: {  	s8 =	sadd.s32 $0xFFFFE003, lr  }
0x1b: {  	s9 =	sadd.s32 $0xFFFFFEF7, lr;
	s5 =	simm.s32 $0xFFFFFFFF;
	p2 =	slt.u32 s8, $0xFFFFF086  }
0x1c: {  	p1 =	slt.u32 s9, $0xF7A;
	s5 =	simm.s32 @!p2 $0x0  }
0x1d: {  	s5 =	simm.s32 @p1 $0x1;
	p0 =	seq.s32 s7, s2  }
0x1e: {  	s7 =	smul.u32 @!p0 $0xF7A, s2;
	p2 =	seq.s32 @!p0 s5, $0x0  }
0x1f: {  	s9 =	smul.u32 $0xF7A, s1;
	s8 =	simm.s32 @!p0 $0x1BF5;
	p2 =	por !p2, p0  }
0x20: {  	[sflag:s8] =	ssyncset.s32 @!p0 $0xFFFFF086;
	s6 =	sadd.s32 @!p0 s3, s7;
	s7 =	simm.s32 @!p0 $0x108  }
0x21: {  	s3 =	sadd.s32 s3, s9;
	s6 =	sadd.s32 @!p0 $0x88, s6;
	s7 =	simm.s32 @p2 $0x1082  }
0x22: {  	[simem:s7], [sflag:s8] =	dma.local @!p0 [hbm:s6], $0xF7A  }
0x23: {  	s9 =	sor.u32 $0xD0000000, s2;
	s6 =	simm.s32 $0x108;
	_ =	swait.ge @!p0 [sflag:s8], $0x0  }
0x24: {  	s3 =	sadd.s32 $0x88, s3;
	s6 =	simm.s32 @!p1 $0x1082;
	[sflag:s4] =	ssyncset.s32 $0xFFFFF086  }
0x25: {  	[simem:s6], [sflag:s4] =	dma.local [hbm:s3], $0xF7A  }
0x26: {  	[smem:$0x3F8B] =	sst s1;
	(tag) =	ssettag s2;
	_ =	strace s9  }
0x27: {  	s1 =	sld [smem:$0x3F9B]  }
0x28: {  	s2 =	sld [smem:$0x3F9C]  }
0x29: {  	s4 =	sld [smem:$0x3F9E]  }
0x2a: {  	p0 =	seq.s32 s5, $0x0;
	s5 =	sld [smem:$0x3F9F]  }
0x2b: {  	s6 =	sld [smem:$0x3FA0]  }
0x2c: {  	s7 =	sld [smem:$0x3FA1]  }
0x2d: {  	s3 =	simm.s32 $0x108;
	s8 =	sld [smem:$0x3FA2]  }
0x2e: {  	s3 =	simm.s32 @!p0 $0x1082;
	s9 =	sld [smem:$0x3FA3]  }
0x2f: {  	lr =	sadd.s32 s0, s3;
	s0 =	sld [smem:$0x3F9A]  }
0x30: {  	s3 =	sld [smem:$0x3F9D]  }
0x31: {  	[smem:$0x3FA6] =	sst s10  }
0x32: {  	s10 =	sld [smem:$0x3FA4];
	_ =	sdelay $0x3  }
0x33: {  	p0 =	seq.s32 s10, $0x1;
	s10 =	sld [smem:$0x3FA6];
	_ =	sdelay $0x3  }
0x34: {  	[smem:$0x3FA6] =	sst s10  }
0x35: {  	s10 =	sld [smem:$0x3FA5];
	_ =	sdelay $0x3  }
0x36: {  	p1 =	seq.s32 s10, $0x1;
	s10 =	sld [smem:$0x3FA6];
	_ =	sdelay $0x3  }
0x37: {  	[smem:$0x3FA6] =	sst s10  }
0x38: {  	s10 =	sld [smem:$0x3FA7]  }
0x39: {  	_ = 	snop;
	(pc) =	sbr.ind lr, $3  }
0x3a: {  	_ = 	snop  }
0x3b: {  	_ = 	snop  }
0x3c: {  	p2 =	seq.s32 s10, $0x1;
	s10 =	sld [smem:$0x3FA6]  }
0x3d: {  	_ =	shalt  }
0x3e: {  	_ =	shalt  }
0x3f: {  	_ =	shalt  }
0x40: {  	_ =	shalt  }
0x41: {  	_ =	shalt  }
0x42: {  	_ =	shalt  }
0x43: {  	_ =	shalt  }
0x44: {  	_ =	shalt  }
0x45: {  	_ =	shalt  }
0x46: {  	_ =	shalt  }
0x47: {  	_ =	shalt  }
0x48: {  	_ =	shalt  }
0x49: {  	_ =	shalt  }
0x4a: {  	_ =	shalt  }
0x4b: {  	_ =	shalt  }
0x4c: {  	_ =	shalt  }
0x4d: {  	_ =	shalt  }
0x4e: {  	_ =	shalt  }
0x4f: {  	_ =	shalt  }
0x50: {  	_ =	shalt  }
0x51: {  	_ =	shalt  }
0x52: {  	_ =	shalt  }
0x53: {  	_ =	shalt  }
0x54: {  	_ =	shalt  }
0x55: {  	_ =	shalt  }
0x56: {  	_ =	shalt  }
0x57: {  	_ =	shalt  }
0x58: {  	_ =	shalt  }
0x59: {  	_ =	shalt  }
0x5a: {  	_ =	shalt  }
0x5b: {  	_ =	shalt  }
0x5c: {  	_ =	shalt  }
0x5d: {  	_ =	shalt  }
0x5e: {  	_ =	shalt  }
0x5f: {  	_ =	shalt  }
0x60: {  	_ =	shalt  }
0x61: {  	_ =	shalt  }
0x62: {  	_ =	shalt  }
0x63: {  	_ =	shalt  }
0x64: {  	_ =	shalt  }
0x65: {  	_ =	shalt  }
0x66: {  	_ =	shalt  }
0x67: {  	_ =	shalt  }
0x68: {  	_ =	shalt  }
0x69: {  	_ =	shalt  }
0x6a: {  	_ =	shalt  }
0x6b: {  	_ =	shalt  }
0x6c: {  	_ =	shalt  }
0x6d: {  	_ =	shalt  }
0x6e: {  	_ =	shalt  }
0x6f: {  	_ =	shalt  }
0x70: {  	_ =	shalt  }
0x71: {  	_ =	shalt  }
0x72: {  	_ =	shalt  }
0x73: {  	_ =	shalt  }
0x74: {  	_ =	shalt  }
0x75: {  	_ =	shalt  }
0x76: {  	_ =	shalt  }
0x77: {  	_ =	shalt  }
0x78: {  	_ =	shalt  }
0x79: {  	_ =	shalt  }
0x7a: {  	_ =	shalt  }
0x7b: {  	_ =	shalt  }
0x7c: {  	_ =	shalt  }
0x7d: {  	_ =	shalt  }
0x7e: {  	_ =	shalt  }
0x7f: {  	_ =	shalt  }
0x80: {  	_ =	shalt  }
0x81: {  	_ =	shalt  }
0x82: {  	_ =	shalt  }
0x83: {  	_ =	shalt  }
0x84: {  	_ =	shalt  }
0x85: {  	_ =	shalt  }
0x86: {  	_ =	shalt  }
0x87: {  	_ =	shalt  }
.Lfunc_end0:
.L_simem_size_0:
called_computation.1_lowered:
.L_overlay_start_0:
0x88: {  	s2 =	sld [smem:$0x3FD9]  }
0x89: {  	s3 =	sld [smem:$0x3FFE];
	_ =	sdelay $0x1  }
0x8a: {  	s1 =	srdreg.scid  }
0x8b: {  	s0 =	sand.u32 $0x1, s1  }
0x8c: {  	s16 =	sshll.u32 s0, $0xA;
	s2 =	sadd.s32 s3, s2  }
0x8d: {  	s2 =	sadd.s32 s2, s16  }
0x8e: {  	[smem:$0x3FB2] =	sst s2  }
0x8f: {  	_ = 	snop  }
0x90: {  	(tm) =	ssettm $0x1  }
0x91: {  	s17 =	sld [smem:$0x3FFB];
	_ =	sdelay $0x3  }
0x92: {  	_ =	strace s17  }
0x93: {  	s2 =	sld [smem:$0x3FFC];
	_ =	sdelay $0x3  }
0x94: {  	_ =	strace s2  }
0x95: {  	s2 =	sld [smem:$0x3FFD];
	_ =	sdelay $0x3  }
0x96: {  	_ =	strace s2  }
0x97: {  	_ =	strace $0x8FFFFFFF  }
0x98: {  	s18 =	sld [smem:$0x3FDB];
	_ =	sdelay $0x1  }
0x99: {  	s19 =	simm.s32 $_scs_section_size  }
0x9a: {  	s4 =	simm.s32 $_size__tile_overlayer_lowered;
	s5 =	simm.s32 $_tile_overlayer_lowered  }
0x9b: {  	s22 =	simm.s32 $0x1BFF;
	s21 =	sshll.u32 s5, $0x1;
	s2 =	sadd.s32 s19, s18  }
0x9c: {  	s6 =	simm.s32 $0x0;
	s20 =	sshll.u32 s4, $0x1;
	s4 =	sadd.s32 s21, s2  }
0x9d: {  	[timem:s6], [sflag:s22] =	dma.local [hbm:s4], s20  }
0x9e: {  	_ =	swait.ge [sflag:s22], s20  }
0x9f: {  	s3 =	ssub.s32 $0x0, s20;
	[sflag:s22] =	ssyncset.done $0x0  }
0xa0: {  	[sflag:s22] =	ssyncadd.s32 s3;
	_ =	sdelay $0x1  }
0xa1: {  	s23 =	simm.s32 $0x1B8B  }
0xa2: {  	_ =	swait.ge [sflag:s23], $0x1  }
0xa3: {  	[sflag:s23] =	ssyncset.done $0x0  }
0xa4: {  	s25 =	simm.s32 $0x1B8E;
	s24 =	sld [smem:$0x3FFE];
	[sflag:s23] =	ssyncadd.s32 $0xFFFFFFFF  }
0xa5: {  	s26 =	simm.s32 $execute0_lowered;
	[smem:$0x3FD2] =	sst s25  }
0xa6: {  	s4 =	sshll.u32 s26, $0x1;
	_ =	strace $0x80000049;
	[dreg:$0x1] =	wrdreg $0xFFFFFFFF  }
0xa7: {  	s28 =	simm.s32 $_size_execute0_lowered;
	s2 =	sadd.s32 s2, s4;
	[dreg:$0x0] =	wrdreg $0x0  }
0xa8: {  	s4 =	sshll.u32 s28, $0x1;
	[dreg:$0x2] =	wrdreg s2  }
0xa9: {  	[dreg:$0x3] =	wrdreg s4  }
0xaa: {  	[dreg:$0x4] =	wrdreg $0xC0  }
0xab: {  	_ =	task [dreg:s6], $0x5FFFF  }
0xac: {  	[dreg:$0x1] =	wrdreg $0xFFFFFFFF  }
0xad: {  	[dreg:$0x0] =	wrdreg $0x60  }
0xae: {  	[dreg:$0x2] =	wrdreg s24  }
0xaf: {  	[dreg:$0x3] =	wrdreg $0x0  }
0xb0: {  	[dreg:$0x4] =	wrdreg $0x9  }
0xb1: {  	_ =	task.clear_ibuf [dreg:s6], $0x5FFFF;
	_ =	strace $0x90000049  }
0xb2: {  	s29 =	simm.s32 $0x9;
	_ =	strace $0x8000004B  }
0xb3: {  	_ =	swait.ge [sflag:s29], $0x1  }
0xb4: {  	[sflag:s29] =	ssyncadd.s32 $0xFFFFFFFF  }
0xb5: {  	_ =	strace $0x9000004B  }
0xb6: {  	_ =	sfence  }
0xb7: {  	s30 =	sld [smem:$0x0];
	_ =	sdelay $0x2  }
0xb8: {  	s31 =	sshll.u32 s1, $0xD;
	s1 =	sshrl.u32 s1, $0x2  }
0xb9: {  	s3 =	sand.u32 $0x4000, s31;
	s1 =	sadd.s32 s1, s30  }
0xba: {  	s0 =	sor.u32 s3, s0;
	s1 =	sshll.u32 s1, $0x11  }
0xbb: {  	s0 =	sor.u32 s1, s0  }
0xbc: {  	s0 =	sadd.s32 $0x8F2B, s0  }
0xbd: {  	[sflag:s0] =	ssyncadd.remote.s32 $0x1  }
0xbe: {  	_ =	sfence.sel $0xFFFF  }
0xbf: {  	[dreg:$0x0] =	wrdreg $0xFFFFFFFF;
	(pc) =	sbr.abs _section_cstart, $3  }
0xc0: {  	[dreg:$0x1] =	wrdreg $0xFFFFFFFF  }
0xc1: {  	_ =	task.clear_ibuf [dreg:s6], $0x2FFFF;
	_ =	strace $0x9FFFFFFF  }
0xc2: {  	(tm) =	ssettm $0x7FFFFFFF  }
0xc3: {  	_ =	shalt  }
tec
execute0_lowered:
.L_overlay_start_1:
0x0: {  	(tag) =	ssettag $0x1  }
0x1: {  	s0 =	rddreg [dreg:$0x0]  }
0x2: {  	s2 =	srdreg.scid;
	s1 =	rddreg [dreg:$0x1];
	s4 =	simm.s32 $0x0  }
0x3: {  	s9 =	stileid.u32;
	s31 =	simm.s32 $0x14000;
	s2 =	sand.u32 $0x1, s2  }
0x4: {  	[smem:$0x7FF] =	sst s4;
	s7 =	smul.u32 $0x50000, s9;
	s26 =	ssub.s32 $0x2, s2  }
0x5: {  	s6 =	smul.u32 $0x14000, s9;
	s4 =	sadd.s32 $0x3400, s0;
	s8 =	sshrl.u32 s26, $0x1  }
0x6: {  	s3 =	smul.u32 $0x28000, s2;
	s7 =	sshrl.u32 s7, $0x2;
	s10 =	ssub.s32 s26, s8  }
0x7: {  	s5 =	smul.u32 $0x140000, s2;
	s7 =	sadd.s32 s7, s1;
	s11 =	smax.u32 s10, $0x1  }
0x8: {  	_ =	strace $0x8000004A;
	s12 =	sadd.s32 $0x1000, s7;
	[dreg:$0x4] =	wrdreg s11  }
0x9: {  	s2 =	sshll.u32 s2, $0x4;
	s13 =	sadd.s32 $0x2000, s7;
	[dreg:$0x5] =	wrdreg s12  }
0xa: {  	s2 =	sor.u32 s9, s2;
	s14 =	sadd.s32 $0x3000, s7;
	[dreg:$0x6] =	wrdreg s13  }
0xb: {  	s9 =	simm.s32 $0x16400;
	s15 =	sadd.s32 $0x4000, s7;
	[dreg:$0x7] =	wrdreg s14  }
0xc: {  	s3 =	sadd.s32 s3, s0;
	s16 =	sadd.s32 $0x5000, s7;
	[dreg:$0x8] =	wrdreg s15  }
0xd: {  	s6 =	sadd.s32 s6, s5;
	s17 =	sadd.s32 $0x6000, s7;
	[dreg:$0x9] =	wrdreg s16  }
0xe: {  	s5 =	sadd.s32 $0x17400, s0;
	s18 =	sadd.s32 $0x7000, s7;
	[dreg:$0xa] =	wrdreg s17  }
0xf: {  	s6 =	sshrl.u32 s6, $0x3;
	s19 =	sadd.s32 $0x8000, s7;
	[dreg:$0xb] =	wrdreg s18  }
0x10: {  	s8 =	sadd.s32 $0x7B400, s3;
	s20 =	sadd.s32 $0x9000, s7;
	[dreg:$0xc] =	wrdreg s19  }
0x11: {  	s21 =	sadd.s32 $0xA000, s7;
	s22 =	sadd.s32 $0xB000, s7;
	[dreg:$0xd] =	wrdreg s20  }
0x12: {  	s23 =	sadd.s32 $0xC000, s7;
	s24 =	sadd.s32 $0xD000, s7;
	[dreg:$0xe] =	wrdreg s21  }
0x13: {  	s25 =	sadd.s32 $0xE000, s7;
	s26 =	sadd.s32 $0xF000, s7;
	[dreg:$0xf] =	wrdreg s22  }
0x14: {  	s28 =	sadd.s32 $0x11000, s7;
	s29 =	sadd.s32 $0x12000, s7;
	[dreg:$0x10] =	wrdreg s23  }
0x15: {  	s30 =	sadd.s32 $0x13000, s7;
	s3 =	simm.s32 $0x4;
	[dreg:$0x11] =	wrdreg s24  }
0x16: {  	s10 =	simm.s32 $0x80;
	s0 =	sadd.s32 s6, s0;
	[dreg:$0x12] =	wrdreg s25  }
0x17: {  	s6 =	smul.u32 $0xA0, s2;
	[dreg:$0x13] =	wrdreg s26;
	s26 =	sadd.s32 $0x10000, s7  }
0x18: {  	s2 =	simm.s32 $0x15000;
	s11 =	simm.s32 $0x17800;
	s12 =	simm.s32 $0x1B800  }
0x19: {  	s13 =	simm.s32 $0x1;
	s14 =	simm.s32 $0x2;
	s15 =	simm.s32 $0x16380  }
0x1a: {  	s16 =	simm.s32 $0x17700;
	s17 =	simm.s32 $0x17780;
	s0 =	sadd.s32 $0xCB400, s0  }
0x1b: {  	v0 =	vimm.f32 $0.0e+00;
	s18 =	simm.s32 $0x0;
	[dreg:$0x3] =	wrdreg s0;
	s0 =	simm.s32 $0x3  }
.LBB2_1:
0x1c: {  	s20 =	simm.s32 $0x0  }
0x1d: {  	s19 =	sand.u32 $0x3E00, s20  }
0x1e: {  	s20 =	sand.u32 $0x70, s20;
	s21 =	sshrl.u32 s19, $0x2  }
0x1f: {  	s19 =	simm.s32 $0x40;
	s21 =	sor.u32 s20, s21;
	s20 =	simm.s32 $0x0  }
.LBB2_2:
0x20: {  	p0 =	sne.s32 s19, $0x3FC0  }
0x21: {  	[tilespmem:s21+$0x14000] =	vst v0;
	s20 =	sadd.s32 $0x10, s20;
	s21 =	smov.u32 s19;
	s19 =	sadd.s32 $0x40, s19  }
.Ltmp0:
0x22: {  	(pc) =	sbr.rel @p0 .LBB2_2-.Ltmp0, $4  }
0x23: {  	_ = 	snop  }
0x24: {  	s21 =	sand.u32 $0x3E00, s21  }
0x25: {  	s22 =	sand.u32 $0x70, s20;
	s21 =	sshrl.u32 s21, $0x2  }
0x26: {  	s21 =	sor.u32 s22, s21  }
0x27: {  	[tilespmem:s21+$0x14000] =	vst v0  }
0x28: {  	[spmem:s7] =	stream.linear.scatter [tilespmem:s31], [sflag:$0x3], $0x1000, $0x38;
	[tilespmem:$0x1F800] =	vst v63  }
0x29: {  	s19 =	rddreg [dreg:$0x5]  }
0x2a: {  	[spmem:s19] =	stream.linear.scatter [tilespmem:s31], [sflag:$0x3], $0x1000, $0x38;
	[tilespmem:$0x1F800] =	vst v63  }
0x2b: {  	s24 =	rddreg [dreg:$0x6]  }
0x2c: {  	[spmem:s24] =	stream.linear.scatter [tilespmem:s31], [sflag:$0x3], $0x1000, $0x38;
	[tilespmem:$0x1F800] =	vst v63  }
0x2d: {  	s25 =	rddreg [dreg:$0x7]  }
0x2e: {  	[spmem:s25] =	stream.linear.scatter [tilespmem:s31], [sflag:$0x3], $0x1000, $0x38;
	[tilespmem:$0x1F800] =	vst v63  }
0x2f: {  	s20 =	rddreg [dreg:$0x8]  }
0x30: {  	[spmem:s20] =	stream.linear.scatter [tilespmem:s31], [sflag:$0x3], $0x1000, $0x38;
	[tilespmem:$0x1F800] =	vst v63  }
0x31: {  	s21 =	rddreg [dreg:$0x9]  }
0x32: {  	[spmem:s21] =	stream.linear.scatter [tilespmem:s31], [sflag:$0x3], $0x1000, $0x38;
	[tilespmem:$0x1F800] =	vst v63  }
0x33: {  	s22 =	rddreg [dreg:$0xa]  }
0x34: {  	[spmem:s22] =	stream.linear.scatter [tilespmem:s31], [sflag:$0x3], $0x1000, $0x38;
	[tilespmem:$0x1F800] =	vst v63  }
0x35: {  	s23 =	rddreg [dreg:$0xb]  }
0x36: {  	[spmem:s23] =	stream.linear.scatter [tilespmem:s31], [sflag:$0x3], $0x1000, $0x38;
	[tilespmem:$0x1F800] =	vst v63  }
0x37: {  	s24 =	rddreg [dreg:$0xc]  }
0x38: {  	[spmem:s24] =	stream.linear.scatter [tilespmem:s31], [sflag:$0x3], $0x1000, $0x38;
	[tilespmem:$0x1F800] =	vst v63  }
0x39: {  	s25 =	rddreg [dreg:$0xd]  }
0x3a: {  	[spmem:s25] =	stream.linear.scatter [tilespmem:s31], [sflag:$0x3], $0x1000, $0x38;
	[tilespmem:$0x1F800] =	vst v63  }
0x3b: {  	s20 =	rddreg [dreg:$0xe]  }
0x3c: {  	[spmem:s20] =	stream.linear.scatter [tilespmem:s31], [sflag:$0x3], $0x1000, $0x38;
	[tilespmem:$0x1F800] =	vst v63  }
0x3d: {  	s21 =	rddreg [dreg:$0xf]  }
0x3e: {  	[spmem:s21] =	stream.linear.scatter [tilespmem:s31], [sflag:$0x3], $0x1000, $0x38;
	[tilespmem:$0x1F800] =	vst v63  }
0x3f: {  	s22 =	rddreg [dreg:$0x10]  }
0x40: {  	[spmem:s22] =	stream.linear.scatter [tilespmem:s31], [sflag:$0x3], $0x1000, $0x38;
	[tilespmem:$0x1F800] =	vst v63  }
0x41: {  	s23 =	rddreg [dreg:$0x11]  }
0x42: {  	[spmem:s23] =	stream.linear.scatter [tilespmem:s31], [sflag:$0x3], $0x1000, $0x38;
	[tilespmem:$0x1F800] =	vst v63  }
0x43: {  	s24 =	rddreg [dreg:$0x12]  }
0x44: {  	[spmem:s24] =	stream.linear.scatter [tilespmem:s31], [sflag:$0x3], $0x1000, $0x38;
	[tilespmem:$0x1F800] =	vst v63  }
0x45: {  	s25 =	rddreg [dreg:$0x13]  }
0x46: {  	[spmem:s25] =	stream.linear.scatter [tilespmem:s31], [sflag:$0x3], $0x1000, $0x38;
	[tilespmem:$0x1F800] =	vst v63  }
0x47: {  	_ = 	snop  }
0x48: {  	[spmem:s26] =	stream.linear.scatter [tilespmem:s31], [sflag:$0x3], $0x1000, $0x38;
	[tilespmem:$0x1F800] =	vst v63  }
0x49: {  	_ = 	snop  }
0x4a: {  	[spmem:s28] =	stream.linear.scatter [tilespmem:s31], [sflag:$0x3], $0x1000, $0x38;
	[tilespmem:$0x1F800] =	vst v63  }
0x4b: {  	_ = 	snop  }
0x4c: {  	[spmem:s29] =	stream.linear.scatter [tilespmem:s31], [sflag:$0x3], $0x1000, $0x38;
	[tilespmem:$0x1F800] =	vst v63  }
0x4d: {  	_ = 	snop  }
0x4e: {  	[spmem:s30] =	stream.linear.scatter [tilespmem:s31], [sflag:$0x3], $0x1000, $0x38;
	[tilespmem:$0x1F800] =	vst v63  }
0x4f: {  	_ =	swait.ge [sflag:s0], $0x1000  }
0x50: {  	[sflag:s0] =	ssyncset.done $0x0  }
0x51: {  	[sflag:s0] =	ssyncadd.s32 $0xFFFFF000  }
0x52: {  	_ =	swait.ge [sflag:s0], $0x1000  }
0x53: {  	[sflag:s0] =	ssyncset.done $0x0  }
0x54: {  	[sflag:s0] =	ssyncadd.s32 $0xFFFFF000  }
0x55: {  	_ =	swait.ge [sflag:s0], $0x1000  }
0x56: {  	[sflag:s0] =	ssyncset.done $0x0  }
0x57: {  	[sflag:s0] =	ssyncadd.s32 $0xFFFFF000  }
0x58: {  	_ =	swait.ge [sflag:s0], $0x1000  }
0x59: {  	[sflag:s0] =	ssyncset.done $0x0  }
0x5a: {  	[sflag:s0] =	ssyncadd.s32 $0xFFFFF000  }
0x5b: {  	_ =	swait.ge [sflag:s0], $0x1000  }
0x5c: {  	[sflag:s0] =	ssyncset.done $0x0  }
0x5d: {  	[sflag:s0] =	ssyncadd.s32 $0xFFFFF000  }
0x5e: {  	_ =	swait.ge [sflag:s0], $0x1000  }
0x5f: {  	[sflag:s0] =	ssyncset.done $0x0  }
0x60: {  	[sflag:s0] =	ssyncadd.s32 $0xFFFFF000  }
0x61: {  	_ =	swait.ge [sflag:s0], $0x1000  }
0x62: {  	[sflag:s0] =	ssyncset.done $0x0  }
0x63: {  	[sflag:s0] =	ssyncadd.s32 $0xFFFFF000  }
0x64: {  	_ =	swait.ge [sflag:s0], $0x1000  }
0x65: {  	[sflag:s0] =	ssyncset.done $0x0  }
0x66: {  	[sflag:s0] =	ssyncadd.s32 $0xFFFFF000  }
0x67: {  	_ =	swait.ge [sflag:s0], $0x1000  }
0x68: {  	[sflag:s0] =	ssyncset.done $0x0  }
0x69: {  	[sflag:s0] =	ssyncadd.s32 $0xFFFFF000  }
0x6a: {  	_ =	swait.ge [sflag:s0], $0x1000  }
0x6b: {  	[sflag:s0] =	ssyncset.done $0x0  }
0x6c: {  	[sflag:s0] =	ssyncadd.s32 $0xFFFFF000  }
0x6d: {  	_ =	swait.ge [sflag:s0], $0x1000  }
0x6e: {  	[sflag:s0] =	ssyncset.done $0x0  }
0x6f: {  	[sflag:s0] =	ssyncadd.s32 $0xFFFFF000  }
0x70: {  	_ =	swait.ge [sflag:s0], $0x1000  }
0x71: {  	[sflag:s0] =	ssyncset.done $0x0  }
0x72: {  	[sflag:s0] =	ssyncadd.s32 $0xFFFFF000  }
0x73: {  	_ =	swait.ge [sflag:s0], $0x1000  }
0x74: {  	[sflag:s0] =	ssyncset.done $0x0  }
0x75: {  	[sflag:s0] =	ssyncadd.s32 $0xFFFFF000  }
0x76: {  	_ =	swait.ge [sflag:s0], $0x1000  }
0x77: {  	[sflag:s0] =	ssyncset.done $0x0  }
0x78: {  	[sflag:s0] =	ssyncadd.s32 $0xFFFFF000  }
0x79: {  	_ =	swait.ge [sflag:s0], $0x1000  }
0x7a: {  	[sflag:s0] =	ssyncset.done $0x0  }
0x7b: {  	[sflag:s0] =	ssyncadd.s32 $0xFFFFF000  }
0x7c: {  	_ =	swait.ge [sflag:s0], $0x1000  }
0x7d: {  	[sflag:s0] =	ssyncset.done $0x0  }
0x7e: {  	[sflag:s0] =	ssyncadd.s32 $0xFFFFF000  }
0x7f: {  	_ =	swait.ge [sflag:s0], $0x1000  }
0x80: {  	[sflag:s0] =	ssyncset.done $0x0  }
0x81: {  	[sflag:s0] =	ssyncadd.s32 $0xFFFFF000  }
0x82: {  	_ =	swait.ge [sflag:s0], $0x1000  }
0x83: {  	[sflag:s0] =	ssyncset.done $0x0  }
0x84: {  	[sflag:s0] =	ssyncadd.s32 $0xFFFFF000  }
0x85: {  	_ =	swait.ge [sflag:s0], $0x1000  }
0x86: {  	[sflag:s0] =	ssyncset.done $0x0  }
0x87: {  	[sflag:s0] =	ssyncadd.s32 $0xFFFFF000  }
0x88: {  	_ =	swait.ge [sflag:s0], $0x1000  }
0x89: {  	[sflag:s0] =	ssyncset.done $0x0  }
0x8a: {  	[sflag:s0] =	ssyncadd.s32 $0xFFFFF000  }
0x8b: {  	s19 =	simm.s32 $0x0;
	s20 =	simm.s32 $0x0;
	[bflag:$0x0] =	sbarrier.arrive $0xFFFF  }
.LBB2_4:
0x8c: {  	s21 =	smul.u32 $0x28, s20;
	_ =	sdelay $0x1  }
0x8d: {  	s21 =	sadd.s32 s6, s21  }
0x8e: {  	s21 =	sshll.u32 s21, $0x4  }
0x8f: {  	s22 =	sadd.s32 s4, s21  }
0x90: {  	[tilespmem:s2], [sflag:$0x4] =	stream.linear.gather [hbm4b:s22+s19], $0x1400, $0x38;
	[tilespmem:$0x1F800] =	vst v63  }
0x91: {  	_ =	swait.ge [sflag:s3], $0x1400  }
0x92: {  	[sflag:s3] =	ssyncset.done $0x0  }
0x93: {  	s21 =	sadd.s32 s5, s21;
	[sflag:s3] =	ssyncadd.s32 $0xFFFFEC00  }
0x94: {  	[tilespmem:s9], [sflag:$0x4] =	stream.linear.gather [hbm4b:s21+s19], $0x1400, $0x38;
	[tilespmem:$0x1F800] =	vst v63  }
0x95: {  	_ =	swait.ge [sflag:s3], $0x1400  }
0x96: {  	[sflag:s3] =	ssyncset.done $0x0  }
0x97: {  	[sflag:s3] =	ssyncadd.s32 $0xFFFFEC00  }
0x98: {  	[tilespmem:s11], [sflag:$0x1] =	stream.indirect.gather [hbm4b:s8+s10], $0x80, s2, s10, $0xb8;
	[tilespmem:$0x1F800] =	vst v63  }
0x99: {  	s22 =	simm.s32 $0x15080  }
0x9a: {  	[tilespmem:s12], [sflag:$0x2] =	stream.indirect.gather [hbm4b:s8+s10], $0x80, s22, s10, $0xb8;
	[tilespmem:$0x1F800] =	vst v63  }
0x9b: {  	_ =	swait.ge [sflag:s13], $0x4000  }
0x9c: {  	[sflag:s13] =	ssyncset.done $0x0  }
0x9d: {  	s23 =	simm.s32 $0x16400;
	[sflag:s13] =	ssyncadd.s32 $0xFFFFC000  }
0x9e: {  	[spmem:s1] =	stream.indirect.scatter.add.f32 [tilespmem:s11], [sflag:$0x4], $0x80, s23, s10, $0xb8;
	[tilespmem:$0x1F800] =	vst v63  }
0x9f: {  	_ =	swait.ge [sflag:s3], $0x4000  }
0xa0: {  	[sflag:s3] =	ssyncset.done $0x0  }
0xa1: {  	s24 =	simm.s32 $0x15100;
	[sflag:s3] =	ssyncadd.s32 $0xFFFFC000  }
0xa2: {  	[tilespmem:s11], [sflag:$0x1] =	stream.indirect.gather [hbm4b:s8+s10], $0x80, s24, s10, $0xb8;
	[tilespmem:$0x1F800] =	vst v63  }
0xa3: {  	_ =	swait.ge [sflag:s14], $0x4000  }
0xa4: {  	[sflag:s14] =	ssyncset.done $0x0  }
0xa5: {  	s25 =	simm.s32 $0x16480;
	[sflag:s14] =	ssyncadd.s32 $0xFFFFC000  }
0xa6: {  	[spmem:s1] =	stream.indirect.scatter.add.f32 [tilespmem:s12], [sflag:$0x4], $0x80, s25, s10, $0xb8;
	[tilespmem:$0x1F800] =	vst v63  }
0xa7: {  	_ =	swait.ge [sflag:s3], $0x4000  }
0xa8: {  	s21 =	simm.s32 $0x100;
	s22 =	simm.s32 $0x800;
	[sflag:s3] =	ssyncset.done $0x0  }
.LBB2_5:
0xa9: {  	s23 =	sadd.s32 $0x15080, s21  }
0xaa: {  	[sflag:s3] =	ssyncadd.s32 $0xFFFFC000;
	s24 =	smov.u32 s22;
	s25 =	sadd.s32 $0x400, s22  }
0xab: {  	[tilespmem:s12], [sflag:$0x2] =	stream.indirect.gather [hbm4b:s8+s10], $0x80, s23, s10, $0xb8;
	[tilespmem:$0x1F800] =	vst v63  }
0xac: {  	p0 =	sne.s32 s22, $0x4800;
	_ =	swait.ge [sflag:s13], $0x4000  }
0xad: {  	[sflag:s13] =	ssyncset.done $0x0  }
0xae: {  	s22 =	sadd.s32 $0x16400, s21;
	[sflag:s13] =	ssyncadd.s32 $0xFFFFC000  }
0xaf: {  	[spmem:s1] =	stream.indirect.scatter.add.f32 [tilespmem:s11], [sflag:$0x4], $0x80, s22, s10, $0xb8;
	[tilespmem:$0x1F800] =	vst v63  }
0xb0: {  	_ =	swait.ge [sflag:s3], $0x4000  }
0xb1: {  	[sflag:s3] =	ssyncset.done $0x0  }
0xb2: {  	s22 =	sadd.s32 $0x15100, s21;
	[sflag:s3] =	ssyncadd.s32 $0xFFFFC000  }
0xb3: {  	[tilespmem:s11], [sflag:$0x1] =	stream.indirect.gather [hbm4b:s8+s10], $0x80, s22, s10, $0xb8;
	[tilespmem:$0x1F800] =	vst v63  }
0xb4: {  	_ =	swait.ge [sflag:s14], $0x4000  }
.Ltmp1:
0xb5: {  	[sflag:s14] =	ssyncset.done $0x0;
	(pc) =	sbr.rel @p0 .LBB2_5-.Ltmp1, $4  }
0xb6: {  	s21 =	sadd.s32 $0x16480, s21;
	[sflag:s14] =	ssyncadd.s32 $0xFFFFC000  }
0xb7: {  	[spmem:s1] =	stream.indirect.scatter.add.f32 [tilespmem:s12], [sflag:$0x4], $0x80, s21, s10, $0xb8;
	[tilespmem:$0x1F800] =	vst v63  }
0xb8: {  	_ =	swait.ge [sflag:s3], $0x4000  }
0xb9: {  	s22 =	smov.u32 s25;
	s21 =	sshra.s32 s24, $0x2;
	[sflag:s3] =	ssyncset.done $0x0  }
0xba: {  	s22 =	sadd.s32 $0x15080, s21;
	[sflag:s3] =	ssyncadd.s32 $0xFFFFC000  }
0xbb: {  	[tilespmem:s12], [sflag:$0x2] =	stream.indirect.gather [hbm4b:s8+s10], $0x80, s22, s10, $0xb8;
	[tilespmem:$0x1F800] =	vst v63  }
0xbc: {  	_ =	swait.ge [sflag:s13], $0x4000  }
0xbd: {  	[sflag:s13] =	ssyncset.done $0x0  }
0xbe: {  	s23 =	sadd.s32 $0x16400, s21;
	[sflag:s13] =	ssyncadd.s32 $0xFFFFC000  }
0xbf: {  	[spmem:s1] =	stream.indirect.scatter.add.f32 [tilespmem:s11], [sflag:$0x4], $0x80, s23, s10, $0xb8;
	[tilespmem:$0x1F800] =	vst v63  }
0xc0: {  	_ =	swait.ge [sflag:s3], $0x4000  }
0xc1: {  	[sflag:s3] =	ssyncset.done $0x0  }
0xc2: {  	s24 =	sadd.s32 $0x15100, s21;
	[sflag:s3] =	ssyncadd.s32 $0xFFFFC000  }
0xc3: {  	[tilespmem:s11], [sflag:$0x1] =	stream.indirect.gather [hbm4b:s8+s10], $0x80, s24, s10, $0xb8;
	[tilespmem:$0x1F800] =	vst v63  }
0xc4: {  	_ =	swait.ge [sflag:s14], $0x4000  }
0xc5: {  	[sflag:s14] =	ssyncset.done $0x0  }
0xc6: {  	s25 =	sadd.s32 $0x16480, s21;
	[sflag:s14] =	ssyncadd.s32 $0xFFFFC000  }
0xc7: {  	[spmem:s1] =	stream.indirect.scatter.add.f32 [tilespmem:s12], [sflag:$0x4], $0x80, s25, s10, $0xb8;
	[tilespmem:$0x1F800] =	vst v63  }
0xc8: {  	_ =	swait.ge [sflag:s3], $0x4000  }
0xc9: {  	[sflag:s3] =	ssyncset.done $0x0  }
0xca: {  	[sflag:s3] =	ssyncadd.s32 $0xFFFFC000  }
0xcb: {  	[tilespmem:s12], [sflag:$0x2] =	stream.indirect.gather [hbm4b:s8+s10], $0x80, s15, s10, $0xb8;
	[tilespmem:$0x1F800] =	vst v63  }
0xcc: {  	_ =	swait.ge [sflag:s13], $0x4000  }
0xcd: {  	[sflag:s13] =	ssyncset.done $0x0  }
0xce: {  	[sflag:s13] =	ssyncadd.s32 $0xFFFFC000  }
0xcf: {  	[spmem:s1] =	stream.indirect.scatter.add.f32 [tilespmem:s11], [sflag:$0x4], $0x80, s16, s10, $0xb8;
	[tilespmem:$0x1F800] =	vst v63  }
0xd0: {  	_ =	swait.ge [sflag:s3], $0x4000  }
0xd1: {  	[sflag:s3] =	ssyncset.done $0x0  }
0xd2: {  	[sflag:s3] =	ssyncadd.s32 $0xFFFFC000  }
0xd3: {  	s20 =	sadd.s32 $0x1, s20;
	_ =	swait.ge [sflag:s14], $0x4000  }
0xd4: {  	p0 =	sne.s32 s20, $0x4;
	[sflag:s14] =	ssyncset.done $0x0  }
.Ltmp2:
0xd5: {  	[sflag:s14] =	ssyncadd.s32 $0xFFFFC000;
	(pc) =	sbr.rel @p0 .LBB2_4-.Ltmp2, $4  }
0xd6: {  	[spmem:s1] =	stream.indirect.scatter.add.f32 [tilespmem:s12], [sflag:$0x4], $0x80, s17, s10, $0xb8;
	[tilespmem:$0x1F800] =	vst v63  }
0xd7: {  	_ =	swait.ge [sflag:s3], $0x4000  }
0xd8: {  	[sflag:s3] =	ssyncset.done $0x0  }
0xd9: {  	[sflag:s3] =	ssyncadd.s32 $0xFFFFC000  }
0xda: {  	s19 =	stileid.u32  }
0xdb: {  	[bflag:$0x0] =	sbarrier.arrive $0xFFFF;
	s19 =	sshll.u32 s19, $0x6  }
0xdc: {  	s20 =	sshrl.u32 s7, $0x3;
	s21 =	rddreg [dreg:$0x3];
	s19 =	sor.u32 $0x1C04, s19  }
0xdd: {  	[hbm:s21], [sflag:s19] =	dma.local [spmem:s20], $0x2800  }
0xde: {  	_ =	swait.ge [sflag:s3], $0x2800  }
0xdf: {  	s18 =	sadd.s32 $0x1, s18;
	s25 =	rddreg [dreg:$0x4]  }
0xe0: {  	p0 =	sne.s32 s18, s25  }
.Ltmp3:
0xe1: {  	_ = 	snop;
	(pc) =	sbr.rel @p0 .LBB2_1-.Ltmp3, $3  }
0xe2: {  	_ =	sdelay $0x1  }
0xe3: {  	[sflag:s3] =	ssyncset.done $0x0  }
0xe4: {  	[sflag:s3] =	ssyncadd.s32 $0xFFFFD800  }
0xe5: {  	_ =	sfence.sel $0x180000  }
0xe6: {  	[bflag:$0x0] =	sbarrier.arrive $0xFFFF  }
0xe7: {  	_ =	strace $0x9000004A  }
0xe8: {  	s0 =	stileid.u32;
	[bflag:$0x2] =	sbarrier.arrive $0xFFFF  }
0xe9: {  	p0 =	sne.s32 s0, $0x0;
	s0 =	rddreg [dreg:$0x2]  }
0xea: {  	s0 =	sadd.s32 @!p0 $0x100000, s0  }
0xeb: {  	[sflag:s0] =	ssyncadd.tile.s32 @!p0 $0x1;
	_ =	shalt  }
.Lfunc_end2:
_tile_overlayer_lowered:
.L_overlay_start_2:
0xec: {  	(tag) =	ssettag $0x2  }
0xed: {  	s0 =	rddreg [dreg:$0x0];
	s2 =	stileid.u32  }
0xee: {  	s1 =	rddreg [dreg:$0x1];
	p0 =	sne.s32 s2, $0x0  }
0xef: {  	s3 =	rddreg [dreg:$0x2];
	[bflag:$0x3] =	sbarrier.arrive $0xFFFF;
	s2 =	simm.s32 @!p0 $0x1C04  }
0xf0: {  	[timem:s3], [sflag:s2] =	dma.local @!p0 [hbm:s0], s1  }
0xf1: {  	s0 =	simm.s32 @!p0 $0x4  }
0xf2: {  	_ =	swait.ge @!p0 [sflag:s0], s1  }
0xf3: {  	s1 =	ssub.s32 @!p0 $0x0, s1;
	[sflag:s0] =	ssyncset.done @!p0 $0x0  }
0xf4: {  	[sflag:s0] =	ssyncadd.s32 @!p0 s1  }
0xf5: {  	[bflag:$0x3] =	sbarrier.arrive $0xFFFF  }
0xf6: {  	_ =	shalt  }

// kernel: kernel.16.cloned.1.call-start
scs
__scs_entry_jumppad:
0x0: {  	(pc) =	sbr.rel $0x88, $3  }
0x1: {  	(tag) =	ssettag $0x0;
	lr =	simm.s32 $0x1  }
0x2: {  	[smem:$0x3F8B] =	sst lr;
	_ =	strace $0xD0000000  }
0x3: {  	_ = 	snop  }
0x4: {  	_ = 	snop  }
0x5: {  	_ = 	snop  }
0x6: {  	_ = 	snop  }
0x7: {  	_ = 	snop  }
__scs_overlays_trampoline_lowered:
0x8: {  	[smem:$0x3F9A] =	sst s0  }
0x9: {  	[smem:$0x3F9B] =	sst s1  }
0xa: {  	[smem:$0x3F9C] =	sst s2  }
0xb: {  	[smem:$0x3F9D] =	sst s3  }
0xc: {  	[smem:$0x3F9E] =	sst s4  }
0xd: {  	[smem:$0x3F9F] =	sst s5  }
0xe: {  	[smem:$0x3FA0] =	sst s6  }
0xf: {  	[smem:$0x3FA1] =	sst s7  }
0x10: {  	[smem:$0x3FA2] =	sst s8  }
0x11: {  	[smem:$0x3FA3] =	sst s9;
	s0 =	simm.s32 @!p0 $0x0  }
0x12: {  	s1 =	sld [smem:$0x3F89];
	s0 =	simm.s32 @p0 $0x1  }
0x13: {  	[smem:$0x3FA4] =	sst s0;
	s0 =	simm.s32 @!p1 $0x0  }
0x14: {  	s2 =	sld [smem:$0x3F88];
	s0 =	simm.s32 @p1 $0x1  }
0x15: {  	[smem:$0x3FA5] =	sst s0;
	s0 =	simm.s32 @!p2 $0x0  }
0x16: {  	s3 =	sld [smem:$0x3FDB];
	s0 =	simm.s32 @p2 $0x1  }
0x17: {  	s4 =	simm.s32 $0x1BF5;
	[smem:$0x3FA7] =	sst s0  }
0x18: {  	s0 =	sld [smem:$0x3F8A];
	_ =	swait.ge [sflag:s4], $0x0  }
0x19: {  	s7 =	sld [smem:$0x3F8B]  }
0x1a: {  	s8 =	sadd.s32 $0xFFFFE003, lr  }
0x1b: {  	s9 =	sadd.s32 $0xFFFFFEF7, lr;
	s5 =	simm.s32 $0xFFFFFFFF;
	p2 =	slt.u32 s8, $0xFFFFF086  }
0x1c: {  	p1 =	slt.u32 s9, $0xF7A;
	s5 =	simm.s32 @!p2 $0x0  }
0x1d: {  	s5 =	simm.s32 @p1 $0x1;
	p0 =	seq.s32 s7, s2  }
0x1e: {  	s7 =	smul.u32 @!p0 $0xF7A, s2;
	p2 =	seq.s32 @!p0 s5, $0x0  }
0x1f: {  	s9 =	smul.u32 $0xF7A, s1;
	s8 =	simm.s32 @!p0 $0x1BF5;
	p2 =	por !p2, p0  }
0x20: {  	[sflag:s8] =	ssyncset.s32 @!p0 $0xFFFFF086;
	s6 =	sadd.s32 @!p0 s3, s7;
	s7 =	simm.s32 @!p0 $0x108  }
0x21: {  	s3 =	sadd.s32 s3, s9;
	s6 =	sadd.s32 @!p0 $0x88, s6;
	s7 =	simm.s32 @p2 $0x1082  }
0x22: {  	[simem:s7], [sflag:s8] =	dma.local @!p0 [hbm:s6], $0xF7A  }
0x23: {  	s9 =	sor.u32 $0xD0000000, s2;
	s6 =	simm.s32 $0x108;
	_ =	swait.ge @!p0 [sflag:s8], $0x0  }
0x24: {  	s3 =	sadd.s32 $0x88, s3;
	s6 =	simm.s32 @!p1 $0x1082;
	[sflag:s4] =	ssyncset.s32 $0xFFFFF086  }
0x25: {  	[simem:s6], [sflag:s4] =	dma.local [hbm:s3], $0xF7A  }
0x26: {  	[smem:$0x3F8B] =	sst s1;
	(tag) =	ssettag s2;
	_ =	strace s9  }
0x27: {  	s1 =	sld [smem:$0x3F9B]  }
0x28: {  	s2 =	sld [smem:$0x3F9C]  }
0x29: {  	s4 =	sld [smem:$0x3F9E]  }
0x2a: {  	p0 =	seq.s32 s5, $0x0;
	s5 =	sld [smem:$0x3F9F]  }
0x2b: {  	s6 =	sld [smem:$0x3FA0]  }
0x2c: {  	s7 =	sld [smem:$0x3FA1]  }
0x2d: {  	s3 =	simm.s32 $0x108;
	s8 =	sld [smem:$0x3FA2]  }
0x2e: {  	s3 =	simm.s32 @!p0 $0x1082;
	s9 =	sld [smem:$0x3FA3]  }
0x2f: {  	lr =	sadd.s32 s0, s3;
	s0 =	sld [smem:$0x3F9A]  }
0x30: {  	s3 =	sld [smem:$0x3F9D]  }
0x31: {  	[smem:$0x3FA6] =	sst s10  }
0x32: {  	s10 =	sld [smem:$0x3FA4];
	_ =	sdelay $0x3  }
0x33: {  	p0 =	seq.s32 s10, $0x1;
	s10 =	sld [smem:$0x3FA6];
	_ =	sdelay $0x3  }
0x34: {  	[smem:$0x3FA6] =	sst s10  }
0x35: {  	s10 =	sld [smem:$0x3FA5];
	_ =	sdelay $0x3  }
0x36: {  	p1 =	seq.s32 s10, $0x1;
	s10 =	sld [smem:$0x3FA6];
	_ =	sdelay $0x3  }
0x37: {  	[smem:$0x3FA6] =	sst s10  }
0x38: {  	s10 =	sld [smem:$0x3FA7]  }
0x39: {  	_ = 	snop;
	(pc) =	sbr.ind lr, $3  }
0x3a: {  	_ = 	snop  }
0x3b: {  	_ = 	snop  }
0x3c: {  	p2 =	seq.s32 s10, $0x1;
	s10 =	sld [smem:$0x3FA6]  }
0x3d: {  	_ =	shalt  }
0x3e: {  	_ =	shalt  }
0x3f: {  	_ =	shalt  }
0x40: {  	_ =	shalt  }
0x41: {  	_ =	shalt  }
0x42: {  	_ =	shalt  }
0x43: {  	_ =	shalt  }
0x44: {  	_ =	shalt  }
0x45: {  	_ =	shalt  }
0x46: {  	_ =	shalt  }
0x47: {  	_ =	shalt  }
0x48: {  	_ =	shalt  }
0x49: {  	_ =	shalt  }
0x4a: {  	_ =	shalt  }
0x4b: {  	_ =	shalt  }
0x4c: {  	_ =	shalt  }
0x4d: {  	_ =	shalt  }
0x4e: {  	_ =	shalt  }
0x4f: {  	_ =	shalt  }
0x50: {  	_ =	shalt  }
0x51: {  	_ =	shalt  }
0x52: {  	_ =	shalt  }
0x53: {  	_ =	shalt  }
0x54: {  	_ =	shalt  }
0x55: {  	_ =	shalt  }
0x56: {  	_ =	shalt  }
0x57: {  	_ =	shalt  }
0x58: {  	_ =	shalt  }
0x59: {  	_ =	shalt  }
0x5a: {  	_ =	shalt  }
0x5b: {  	_ =	shalt  }
0x5c: {  	_ =	shalt  }
0x5d: {  	_ =	shalt  }
0x5e: {  	_ =	shalt  }
0x5f: {  	_ =	shalt  }
0x60: {  	_ =	shalt  }
0x61: {  	_ =	shalt  }
0x62: {  	_ =	shalt  }
0x63: {  	_ =	shalt  }
0x64: {  	_ =	shalt  }
0x65: {  	_ =	shalt  }
0x66: {  	_ =	shalt  }
0x67: {  	_ =	shalt  }
0x68: {  	_ =	shalt  }
0x69: {  	_ =	shalt  }
0x6a: {  	_ =	shalt  }
0x6b: {  	_ =	shalt  }
0x6c: {  	_ =	shalt  }
0x6d: {  	_ =	shalt  }
0x6e: {  	_ =	shalt  }
0x6f: {  	_ =	shalt  }
0x70: {  	_ =	shalt  }
0x71: {  	_ =	shalt  }
0x72: {  	_ =	shalt  }
0x73: {  	_ =	shalt  }
0x74: {  	_ =	shalt  }
0x75: {  	_ =	shalt  }
0x76: {  	_ =	shalt  }
0x77: {  	_ =	shalt  }
0x78: {  	_ =	shalt  }
0x79: {  	_ =	shalt  }
0x7a: {  	_ =	shalt  }
0x7b: {  	_ =	shalt  }
0x7c: {  	_ =	shalt  }
0x7d: {  	_ =	shalt  }
0x7e: {  	_ =	shalt  }
0x7f: {  	_ =	shalt  }
0x80: {  	_ =	shalt  }
0x81: {  	_ =	shalt  }
0x82: {  	_ =	shalt  }
0x83: {  	_ =	shalt  }
0x84: {  	_ =	shalt  }
0x85: {  	_ =	shalt  }
0x86: {  	_ =	shalt  }
0x87: {  	_ =	shalt  }
.Lfunc_end0:
.L_simem_size_0:
called_computation.2_lowered:
.L_overlay_start_0:
0x88: {  	s2 =	sld [smem:$0x3FD9]  }
0x89: {  	s3 =	sld [smem:$0x3FFE];
	_ =	sdelay $0x1  }
0x8a: {  	s1 =	srdreg.scid  }
0x8b: {  	s0 =	sand.u32 $0x1, s1  }
0x8c: {  	s16 =	sshll.u32 s0, $0xA;
	s2 =	sadd.s32 s3, s2  }
0x8d: {  	s2 =	sadd.s32 s2, s16  }
0x8e: {  	[smem:$0x3FB2] =	sst s2  }
0x8f: {  	_ = 	snop  }
0x90: {  	(tm) =	ssettm $0x1  }
0x91: {  	s17 =	sld [smem:$0x3FFB];
	_ =	sdelay $0x3  }
0x92: {  	_ =	strace s17  }
0x93: {  	s2 =	sld [smem:$0x3FFC];
	_ =	sdelay $0x3  }
0x94: {  	_ =	strace s2  }
0x95: {  	s2 =	sld [smem:$0x3FFD];
	_ =	sdelay $0x3  }
0x96: {  	_ =	strace s2  }
0x97: {  	_ =	strace $0x8FFFFFFF  }
0x98: {  	s18 =	sld [smem:$0x3FDB];
	_ =	sdelay $0x1  }
0x99: {  	s19 =	simm.s32 $_scs_section_size  }
0x9a: {  	s4 =	simm.s32 $_size__tile_overlayer_lowered;
	s5 =	simm.s32 $_tile_overlayer_lowered  }
0x9b: {  	s22 =	simm.s32 $0x1BFF;
	s21 =	sshll.u32 s5, $0x1;
	s2 =	sadd.s32 s19, s18  }
0x9c: {  	s6 =	simm.s32 $0x0;
	s20 =	sshll.u32 s4, $0x1;
	s4 =	sadd.s32 s21, s2  }
0x9d: {  	[timem:s6], [sflag:s22] =	dma.local [hbm:s4], s20  }
0x9e: {  	_ =	swait.ge [sflag:s22], s20  }
0x9f: {  	s3 =	ssub.s32 $0x0, s20;
	[sflag:s22] =	ssyncset.done $0x0  }
0xa0: {  	[sflag:s22] =	ssyncadd.s32 s3;
	_ =	sdelay $0x1  }
0xa1: {  	s23 =	simm.s32 $0x1B8B  }
0xa2: {  	_ =	swait.ge [sflag:s23], $0x1  }
0xa3: {  	[sflag:s23] =	ssyncset.done $0x0  }
0xa4: {  	s25 =	simm.s32 $0x1B8E;
	s24 =	sld [smem:$0x3FFE];
	[sflag:s23] =	ssyncadd.s32 $0xFFFFFFFF  }
0xa5: {  	s26 =	simm.s32 $execute0_lowered;
	[smem:$0x3FD2] =	sst s25  }
0xa6: {  	s4 =	sshll.u32 s26, $0x1;
	_ =	strace $0x8000004C;
	[dreg:$0x1] =	wrdreg $0xFFFFFFFF  }
0xa7: {  	s28 =	simm.s32 $_size_execute0_lowered;
	s2 =	sadd.s32 s2, s4;
	[dreg:$0x0] =	wrdreg $0x0  }
0xa8: {  	s4 =	sshll.u32 s28, $0x1;
	[dreg:$0x2] =	wrdreg s2  }
0xa9: {  	[dreg:$0x3] =	wrdreg s4  }
0xaa: {  	[dreg:$0x4] =	wrdreg $0xC0  }
0xab: {  	_ =	task [dreg:s6], $0x5FFFF  }
0xac: {  	[dreg:$0x1] =	wrdreg $0xFFFFFFFF  }
0xad: {  	[dreg:$0x0] =	wrdreg $0x60  }
0xae: {  	[dreg:$0x2] =	wrdreg s24  }
0xaf: {  	[dreg:$0x3] =	wrdreg $0x0  }
0xb0: {  	[dreg:$0x4] =	wrdreg $0x9  }
0xb1: {  	_ =	task.clear_ibuf [dreg:s6], $0x5FFFF;
	_ =	strace $0x9000004C  }
0xb2: {  	s29 =	simm.s32 $0x9;
	_ =	strace $0x8000004E  }
0xb3: {  	_ =	swait.ge [sflag:s29], $0x1  }
0xb4: {  	[sflag:s29] =	ssyncadd.s32 $0xFFFFFFFF  }
0xb5: {  	_ =	strace $0x9000004E  }
0xb6: {  	_ =	sfence  }
0xb7: {  	s30 =	sld [smem:$0x0];
	_ =	sdelay $0x2  }
0xb8: {  	s31 =	sshll.u32 s1, $0xD;
	s1 =	sshrl.u32 s1, $0x2  }
0xb9: {  	s3 =	sand.u32 $0x4000, s31;
	s1 =	sadd.s32 s1, s30  }
0xba: {  	s0 =	sor.u32 s3, s0;
	s1 =	sshll.u32 s1, $0x11  }
0xbb: {  	s0 =	sor.u32 s1, s0  }
0xbc: {  	s0 =	sadd.s32 $0x8F2B, s0  }
0xbd: {  	[sflag:s0] =	ssyncadd.remote.s32 $0x1  }
0xbe: {  	_ =	sfence.sel $0xFFFF  }
0xbf: {  	[dreg:$0x0] =	wrdreg $0xFFFFFFFF;
	(pc) =	sbr.abs _section_cstart, $3  }
0xc0: {  	[dreg:$0x1] =	wrdreg $0xFFFFFFFF  }
0xc1: {  	_ =	task.clear_ibuf [dreg:s6], $0x2FFFF;
	_ =	strace $0x9FFFFFFF  }
0xc2: {  	(tm) =	ssettm $0x7FFFFFFF  }
0xc3: {  	_ =	shalt  }
tec
execute0_lowered:
.L_overlay_start_1:
0x0: {  	(tag) =	ssettag $0x1  }
0x1: {  	s0 =	rddreg [dreg:$0x0]  }
0x2: {  	s2 =	srdreg.scid;
	s1 =	rddreg [dreg:$0x1];
	s4 =	simm.s32 $0x0  }
0x3: {  	s9 =	stileid.u32;
	s31 =	simm.s32 $0x14000;
	s2 =	sand.u32 $0x1, s2  }
0x4: {  	[smem:$0x7FF] =	sst s4;
	s7 =	smul.u32 $0x50000, s9;
	s26 =	ssub.s32 $0x2, s2  }
0x5: {  	s6 =	smul.u32 $0x14000, s9;
	s4 =	sadd.s32 $0x3400, s0;
	s8 =	sshrl.u32 s26, $0x1  }
0x6: {  	s3 =	smul.u32 $0x28000, s2;
	s7 =	sshrl.u32 s7, $0x2;
	s10 =	ssub.s32 s26, s8  }
0x7: {  	s5 =	smul.u32 $0x140000, s2;
	s7 =	sadd.s32 s7, s1;
	s11 =	smax.u32 s10, $0x1  }
0x8: {  	_ =	strace $0x8000004D;
	s12 =	sadd.s32 $0x1000, s7;
	[dreg:$0x4] =	wrdreg s11  }
0x9: {  	s2 =	sshll.u32 s2, $0x4;
	s13 =	sadd.s32 $0x2000, s7;
	[dreg:$0x5] =	wrdreg s12  }
0xa: {  	s2 =	sor.u32 s9, s2;
	s14 =	sadd.s32 $0x3000, s7;
	[dreg:$0x6] =	wrdreg s13  }
0xb: {  	s9 =	simm.s32 $0x16400;
	s15 =	sadd.s32 $0x4000, s7;
	[dreg:$0x7] =	wrdreg s14  }
0xc: {  	s3 =	sadd.s32 s3, s0;
	s16 =	sadd.s32 $0x5000, s7;
	[dreg:$0x8] =	wrdreg s15  }
0xd: {  	s6 =	sadd.s32 s6, s5;
	s17 =	sadd.s32 $0x6000, s7;
	[dreg:$0x9] =	wrdreg s16  }
0xe: {  	s5 =	sadd.s32 $0x17400, s0;
	s18 =	sadd.s32 $0x7000, s7;
	[dreg:$0xa] =	wrdreg s17  }
0xf: {  	s6 =	sshrl.u32 s6, $0x3;
	s19 =	sadd.s32 $0x8000, s7;
	[dreg:$0xb] =	wrdreg s18  }
0x10: {  	s8 =	sadd.s32 $0x7B400, s3;
	s20 =	sadd.s32 $0x9000, s7;
	[dreg:$0xc] =	wrdreg s19  }
0x11: {  	s21 =	sadd.s32 $0xA000, s7;
	s22 =	sadd.s32 $0xB000, s7;
	[dreg:$0xd] =	wrdreg s20  }
0x12: {  	s23 =	sadd.s32 $0xC000, s7;
	s24 =	sadd.s32 $0xD000, s7;
	[dreg:$0xe] =	wrdreg s21  }
0x13: {  	s25 =	sadd.s32 $0xE000, s7;
	s26 =	sadd.s32 $0xF000, s7;
	[dreg:$0xf] =	wrdreg s22  }
0x14: {  	s28 =	sadd.s32 $0x11000, s7;
	s29 =	sadd.s32 $0x12000, s7;
	[dreg:$0x10] =	wrdreg s23  }
0x15: {  	s30 =	sadd.s32 $0x13000, s7;
	s3 =	simm.s32 $0x4;
	[dreg:$0x11] =	wrdreg s24  }
0x16: {  	s10 =	simm.s32 $0x80;
	s0 =	sadd.s32 s6, s0;
	[dreg:$0x12] =	wrdreg s25  }
0x17: {  	s6 =	smul.u32 $0xA0, s2;
	[dreg:$0x13] =	wrdreg s26;
	s26 =	sadd.s32 $0x10000, s7  }
0x18: {  	s2 =	simm.s32 $0x15000;
	s11 =	simm.s32 $0x17800;
	s12 =	simm.s32 $0x1B800  }
0x19: {  	s13 =	simm.s32 $0x1;
	s14 =	simm.s32 $0x2;
	s15 =	simm.s32 $0x16380  }
0x1a: {  	s16 =	simm.s32 $0x17700;
	s17 =	simm.s32 $0x17780;
	s0 =	sadd.s32 $0xCB400, s0  }
0x1b: {  	v0 =	vimm.f32 $0.0e+00;
	s18 =	simm.s32 $0x0;
	[dreg:$0x3] =	wrdreg s0;
	s0 =	simm.s32 $0x3  }
.LBB2_1:
0x1c: {  	s20 =	simm.s32 $0x0  }
0x1d: {  	s19 =	sand.u32 $0x3E00, s20  }
0x1e: {  	s20 =	sand.u32 $0x70, s20;
	s21 =	sshrl.u32 s19, $0x2  }
0x1f: {  	s19 =	simm.s32 $0x40;
	s21 =	sor.u32 s20, s21;
	s20 =	simm.s32 $0x0  }
.LBB2_2:
0x20: {  	p0 =	sne.s32 s19, $0x3FC0  }
0x21: {  	[tilespmem:s21+$0x14000] =	vst v0;
	s20 =	sadd.s32 $0x10, s20;
	s21 =	smov.u32 s19;
	s19 =	sadd.s32 $0x40, s19  }
.Ltmp0:
0x22: {  	(pc) =	sbr.rel @p0 .LBB2_2-.Ltmp0, $4  }
0x23: {  	_ = 	snop  }
0x24: {  	s21 =	sand.u32 $0x3E00, s21  }
0x25: {  	s22 =	sand.u32 $0x70, s20;
	s21 =	sshrl.u32 s21, $0x2  }
0x26: {  	s21 =	sor.u32 s22, s21  }
0x27: {  	[tilespmem:s21+$0x14000] =	vst v0  }
0x28: {  	[spmem:s7] =	stream.linear.scatter [tilespmem:s31], [sflag:$0x3], $0x1000, $0x38;
	[tilespmem:$0x1F800] =	vst v63  }
0x29: {  	s19 =	rddreg [dreg:$0x5]  }
0x2a: {  	[spmem:s19] =	stream.linear.scatter [tilespmem:s31], [sflag:$0x3], $0x1000, $0x38;
	[tilespmem:$0x1F800] =	vst v63  }
0x2b: {  	s24 =	rddreg [dreg:$0x6]  }
0x2c: {  	[spmem:s24] =	stream.linear.scatter [tilespmem:s31], [sflag:$0x3], $0x1000, $0x38;
	[tilespmem:$0x1F800] =	vst v63  }
0x2d: {  	s25 =	rddreg [dreg:$0x7]  }
0x2e: {  	[spmem:s25] =	stream.linear.scatter [tilespmem:s31], [sflag:$0x3], $0x1000, $0x38;
	[tilespmem:$0x1F800] =	vst v63  }
0x2f: {  	s20 =	rddreg [dreg:$0x8]  }
0x30: {  	[spmem:s20] =	stream.linear.scatter [tilespmem:s31], [sflag:$0x3], $0x1000, $0x38;
	[tilespmem:$0x1F800] =	vst v63  }
0x31: {  	s21 =	rddreg [dreg:$0x9]  }
0x32: {  	[spmem:s21] =	stream.linear.scatter [tilespmem:s31], [sflag:$0x3], $0x1000, $0x38;
	[tilespmem:$0x1F800] =	vst v63  }
0x33: {  	s22 =	rddreg [dreg:$0xa]  }
0x34: {  	[spmem:s22] =	stream.linear.scatter [tilespmem:s31], [sflag:$0x3], $0x1000, $0x38;
	[tilespmem:$0x1F800] =	vst v63  }
0x35: {  	s23 =	rddreg [dreg:$0xb]  }
0x36: {  	[spmem:s23] =	stream.linear.scatter [tilespmem:s31], [sflag:$0x3], $0x1000, $0x38;
	[tilespmem:$0x1F800] =	vst v63  }
0x37: {  	s24 =	rddreg [dreg:$0xc]  }
0x38: {  	[spmem:s24] =	stream.linear.scatter [tilespmem:s31], [sflag:$0x3], $0x1000, $0x38;
	[tilespmem:$0x1F800] =	vst v63  }
0x39: {  	s25 =	rddreg [dreg:$0xd]  }
0x3a: {  	[spmem:s25] =	stream.linear.scatter [tilespmem:s31], [sflag:$0x3], $0x1000, $0x38;
	[tilespmem:$0x1F800] =	vst v63  }
0x3b: {  	s20 =	rddreg [dreg:$0xe]  }
0x3c: {  	[spmem:s20] =	stream.linear.scatter [tilespmem:s31], [sflag:$0x3], $0x1000, $0x38;
	[tilespmem:$0x1F800] =	vst v63  }
0x3d: {  	s21 =	rddreg [dreg:$0xf]  }
0x3e: {  	[spmem:s21] =	stream.linear.scatter [tilespmem:s31], [sflag:$0x3], $0x1000, $0x38;
	[tilespmem:$0x1F800] =	vst v63  }
0x3f: {  	s22 =	rddreg [dreg:$0x10]  }
0x40: {  	[spmem:s22] =	stream.linear.scatter [tilespmem:s31], [sflag:$0x3], $0x1000, $0x38;
	[tilespmem:$0x1F800] =	vst v63  }
0x41: {  	s23 =	rddreg [dreg:$0x11]  }
0x42: {  	[spmem:s23] =	stream.linear.scatter [tilespmem:s31], [sflag:$0x3], $0x1000, $0x38;
	[tilespmem:$0x1F800] =	vst v63  }
0x43: {  	s24 =	rddreg [dreg:$0x12]  }
0x44: {  	[spmem:s24] =	stream.linear.scatter [tilespmem:s31], [sflag:$0x3], $0x1000, $0x38;
	[tilespmem:$0x1F800] =	vst v63  }
0x45: {  	s25 =	rddreg [dreg:$0x13]  }
0x46: {  	[spmem:s25] =	stream.linear.scatter [tilespmem:s31], [sflag:$0x3], $0x1000, $0x38;
	[tilespmem:$0x1F800] =	vst v63  }
0x47: {  	_ = 	snop  }
0x48: {  	[spmem:s26] =	stream.linear.scatter [tilespmem:s31], [sflag:$0x3], $0x1000, $0x38;
	[tilespmem:$0x1F800] =	vst v63  }
0x49: {  	_ = 	snop  }
0x4a: {  	[spmem:s28] =	stream.linear.scatter [tilespmem:s31], [sflag:$0x3], $0x1000, $0x38;
	[tilespmem:$0x1F800] =	vst v63  }
0x4b: {  	_ = 	snop  }
0x4c: {  	[spmem:s29] =	stream.linear.scatter [tilespmem:s31], [sflag:$0x3], $0x1000, $0x38;
	[tilespmem:$0x1F800] =	vst v63  }
0x4d: {  	_ = 	snop  }
0x4e: {  	[spmem:s30] =	stream.linear.scatter [tilespmem:s31], [sflag:$0x3], $0x1000, $0x38;
	[tilespmem:$0x1F800] =	vst v63  }
0x4f: {  	_ =	swait.ge [sflag:s0], $0x1000  }
0x50: {  	[sflag:s0] =	ssyncset.done $0x0  }
0x51: {  	[sflag:s0] =	ssyncadd.s32 $0xFFFFF000  }
0x52: {  	_ =	swait.ge [sflag:s0], $0x1000  }
0x53: {  	[sflag:s0] =	ssyncset.done $0x0  }
0x54: {  	[sflag:s0] =	ssyncadd.s32 $0xFFFFF000  }
0x55: {  	_ =	swait.ge [sflag:s0], $0x1000  }
0x56: {  	[sflag:s0] =	ssyncset.done $0x0  }
0x57: {  	[sflag:s0] =	ssyncadd.s32 $0xFFFFF000  }
0x58: {  	_ =	swait.ge [sflag:s0], $0x1000  }
0x59: {  	[sflag:s0] =	ssyncset.done $0x0  }
0x5a: {  	[sflag:s0] =	ssyncadd.s32 $0xFFFFF000  }
0x5b: {  	_ =	swait.ge [sflag:s0], $0x1000  }
0x5c: {  	[sflag:s0] =	ssyncset.done $0x0  }
0x5d: {  	[sflag:s0] =	ssyncadd.s32 $0xFFFFF000  }
0x5e: {  	_ =	swait.ge [sflag:s0], $0x1000  }
0x5f: {  	[sflag:s0] =	ssyncset.done $0x0  }
0x60: {  	[sflag:s0] =	ssyncadd.s32 $0xFFFFF000  }
0x61: {  	_ =	swait.ge [sflag:s0], $0x1000  }
0x62: {  	[sflag:s0] =	ssyncset.done $0x0  }
0x63: {  	[sflag:s0] =	ssyncadd.s32 $0xFFFFF000  }
0x64: {  	_ =	swait.ge [sflag:s0], $0x1000  }
0x65: {  	[sflag:s0] =	ssyncset.done $0x0  }
0x66: {  	[sflag:s0] =	ssyncadd.s32 $0xFFFFF000  }
0x67: {  	_ =	swait.ge [sflag:s0], $0x1000  }
0x68: {  	[sflag:s0] =	ssyncset.done $0x0  }
0x69: {  	[sflag:s0] =	ssyncadd.s32 $0xFFFFF000  }
0x6a: {  	_ =	swait.ge [sflag:s0], $0x1000  }
0x6b: {  	[sflag:s0] =	ssyncset.done $0x0  }
0x6c: {  	[sflag:s0] =	ssyncadd.s32 $0xFFFFF000  }
0x6d: {  	_ =	swait.ge [sflag:s0], $0x1000  }
0x6e: {  	[sflag:s0] =	ssyncset.done $0x0  }
0x6f: {  	[sflag:s0] =	ssyncadd.s32 $0xFFFFF000  }
0x70: {  	_ =	swait.ge [sflag:s0], $0x1000  }
0x71: {  	[sflag:s0] =	ssyncset.done $0x0  }
0x72: {  	[sflag:s0] =	ssyncadd.s32 $0xFFFFF000  }
0x73: {  	_ =	swait.ge [sflag:s0], $0x1000  }
0x74: {  	[sflag:s0] =	ssyncset.done $0x0  }
0x75: {  	[sflag:s0] =	ssyncadd.s32 $0xFFFFF000  }
0x76: {  	_ =	swait.ge [sflag:s0], $0x1000  }
0x77: {  	[sflag:s0] =	ssyncset.done $0x0  }
0x78: {  	[sflag:s0] =	ssyncadd.s32 $0xFFFFF000  }
0x79: {  	_ =	swait.ge [sflag:s0], $0x1000  }
0x7a: {  	[sflag:s0] =	ssyncset.done $0x0  }
0x7b: {  	[sflag:s0] =	ssyncadd.s32 $0xFFFFF000  }
0x7c: {  	_ =	swait.ge [sflag:s0], $0x1000  }
0x7d: {  	[sflag:s0] =	ssyncset.done $0x0  }
0x7e: {  	[sflag:s0] =	ssyncadd.s32 $0xFFFFF000  }
0x7f: {  	_ =	swait.ge [sflag:s0], $0x1000  }
0x80: {  	[sflag:s0] =	ssyncset.done $0x0  }
0x81: {  	[sflag:s0] =	ssyncadd.s32 $0xFFFFF000  }
0x82: {  	_ =	swait.ge [sflag:s0], $0x1000  }
0x83: {  	[sflag:s0] =	ssyncset.done $0x0  }
0x84: {  	[sflag:s0] =	ssyncadd.s32 $0xFFFFF000  }
0x85: {  	_ =	swait.ge [sflag:s0], $0x1000  }
0x86: {  	[sflag:s0] =	ssyncset.done $0x0  }
0x87: {  	[sflag:s0] =	ssyncadd.s32 $0xFFFFF000  }
0x88: {  	_ =	swait.ge [sflag:s0], $0x1000  }
0x89: {  	[sflag:s0] =	ssyncset.done $0x0  }
0x8a: {  	[sflag:s0] =	ssyncadd.s32 $0xFFFFF000  }
0x8b: {  	s19 =	simm.s32 $0x0;
	s20 =	simm.s32 $0x0;
	[bflag:$0x0] =	sbarrier.arrive $0xFFFF  }
.LBB2_4:
0x8c: {  	s21 =	smul.u32 $0x28, s20;
	_ =	sdelay $0x1  }
0x8d: {  	s21 =	sadd.s32 s6, s21  }
0x8e: {  	s21 =	sshll.u32 s21, $0x4  }
0x8f: {  	s22 =	sadd.s32 s4, s21  }
0x90: {  	[tilespmem:s2], [sflag:$0x4] =	stream.linear.gather [hbm4b:s22+s19], $0x1400, $0x38;
	[tilespmem:$0x1F800] =	vst v63  }
0x91: {  	_ =	swait.ge [sflag:s3], $0x1400  }
0x92: {  	[sflag:s3] =	ssyncset.done $0x0  }
0x93: {  	s21 =	sadd.s32 s5, s21;
	[sflag:s3] =	ssyncadd.s32 $0xFFFFEC00  }
0x94: {  	[tilespmem:s9], [sflag:$0x4] =	stream.linear.gather [hbm4b:s21+s19], $0x1400, $0x38;
	[tilespmem:$0x1F800] =	vst v63  }
0x95: {  	_ =	swait.ge [sflag:s3], $0x1400  }
0x96: {  	[sflag:s3] =	ssyncset.done $0x0  }
0x97: {  	[sflag:s3] =	ssyncadd.s32 $0xFFFFEC00  }
0x98: {  	[tilespmem:s11], [sflag:$0x1] =	stream.indirect.gather [hbm4b:s8+s10], $0x80, s2, s10, $0xb8;
	[tilespmem:$0x1F800] =	vst v63  }
0x99: {  	s22 =	simm.s32 $0x15080  }
0x9a: {  	[tilespmem:s12], [sflag:$0x2] =	stream.indirect.gather [hbm4b:s8+s10], $0x80, s22, s10, $0xb8;
	[tilespmem:$0x1F800] =	vst v63  }
0x9b: {  	_ =	swait.ge [sflag:s13], $0x4000  }
0x9c: {  	[sflag:s13] =	ssyncset.done $0x0  }
0x9d: {  	s23 =	simm.s32 $0x16400;
	[sflag:s13] =	ssyncadd.s32 $0xFFFFC000  }
0x9e: {  	[spmem:s1] =	stream.indirect.scatter.add.f32 [tilespmem:s11], [sflag:$0x4], $0x80, s23, s10, $0xb8;
	[tilespmem:$0x1F800] =	vst v63  }
0x9f: {  	_ =	swait.ge [sflag:s3], $0x4000  }
0xa0: {  	[sflag:s3] =	ssyncset.done $0x0  }
0xa1: {  	s24 =	simm.s32 $0x15100;
	[sflag:s3] =	ssyncadd.s32 $0xFFFFC000  }
0xa2: {  	[tilespmem:s11], [sflag:$0x1] =	stream.indirect.gather [hbm4b:s8+s10], $0x80, s24, s10, $0xb8;
	[tilespmem:$0x1F800] =	vst v63  }
0xa3: {  	_ =	swait.ge [sflag:s14], $0x4000  }
0xa4: {  	[sflag:s14] =	ssyncset.done $0x0  }
0xa5: {  	s25 =	simm.s32 $0x16480;
	[sflag:s14] =	ssyncadd.s32 $0xFFFFC000  }
0xa6: {  	[spmem:s1] =	stream.indirect.scatter.add.f32 [tilespmem:s12], [sflag:$0x4], $0x80, s25, s10, $0xb8;
	[tilespmem:$0x1F800] =	vst v63  }
0xa7: {  	_ =	swait.ge [sflag:s3], $0x4000  }
0xa8: {  	s21 =	simm.s32 $0x100;
	s22 =	simm.s32 $0x800;
	[sflag:s3] =	ssyncset.done $0x0  }
.LBB2_5:
0xa9: {  	s23 =	sadd.s32 $0x15080, s21  }
0xaa: {  	[sflag:s3] =	ssyncadd.s32 $0xFFFFC000;
	s24 =	smov.u32 s22;
	s25 =	sadd.s32 $0x400, s22  }
0xab: {  	[tilespmem:s12], [sflag:$0x2] =	stream.indirect.gather [hbm4b:s8+s10], $0x80, s23, s10, $0xb8;
	[tilespmem:$0x1F800] =	vst v63  }
0xac: {  	p0 =	sne.s32 s22, $0x4800;
	_ =	swait.ge [sflag:s13], $0x4000  }
0xad: {  	[sflag:s13] =	ssyncset.done $0x0  }
0xae: {  	s22 =	sadd.s32 $0x16400, s21;
	[sflag:s13] =	ssyncadd.s32 $0xFFFFC000  }
0xaf: {  	[spmem:s1] =	stream.indirect.scatter.add.f32 [tilespmem:s11], [sflag:$0x4], $0x80, s22, s10, $0xb8;
	[tilespmem:$0x1F800] =	vst v63  }
0xb0: {  	_ =	swait.ge [sflag:s3], $0x4000  }
0xb1: {  	[sflag:s3] =	ssyncset.done $0x0  }
0xb2: {  	s22 =	sadd.s32 $0x15100, s21;
	[sflag:s3] =	ssyncadd.s32 $0xFFFFC000  }
0xb3: {  	[tilespmem:s11], [sflag:$0x1] =	stream.indirect.gather [hbm4b:s8+s10], $0x80, s22, s10, $0xb8;
	[tilespmem:$0x1F800] =	vst v63  }
0xb4: {  	_ =	swait.ge [sflag:s14], $0x4000  }
.Ltmp1:
0xb5: {  	[sflag:s14] =	ssyncset.done $0x0;
	(pc) =	sbr.rel @p0 .LBB2_5-.Ltmp1, $4  }
0xb6: {  	s21 =	sadd.s32 $0x16480, s21;
	[sflag:s14] =	ssyncadd.s32 $0xFFFFC000  }
0xb7: {  	[spmem:s1] =	stream.indirect.scatter.add.f32 [tilespmem:s12], [sflag:$0x4], $0x80, s21, s10, $0xb8;
	[tilespmem:$0x1F800] =	vst v63  }
0xb8: {  	_ =	swait.ge [sflag:s3], $0x4000  }
0xb9: {  	s22 =	smov.u32 s25;
	s21 =	sshra.s32 s24, $0x2;
	[sflag:s3] =	ssyncset.done $0x0  }
0xba: {  	s22 =	sadd.s32 $0x15080, s21;
	[sflag:s3] =	ssyncadd.s32 $0xFFFFC000  }
0xbb: {  	[tilespmem:s12], [sflag:$0x2] =	stream.indirect.gather [hbm4b:s8+s10], $0x80, s22, s10, $0xb8;
	[tilespmem:$0x1F800] =	vst v63  }
0xbc: {  	_ =	swait.ge [sflag:s13], $0x4000  }
0xbd: {  	[sflag:s13] =	ssyncset.done $0x0  }
0xbe: {  	s23 =	sadd.s32 $0x16400, s21;
	[sflag:s13] =	ssyncadd.s32 $0xFFFFC000  }
0xbf: {  	[spmem:s1] =	stream.indirect.scatter.add.f32 [tilespmem:s11], [sflag:$0x4], $0x80, s23, s10, $0xb8;
	[tilespmem:$0x1F800] =	vst v63  }
0xc0: {  	_ =	swait.ge [sflag:s3], $0x4000  }
0xc1: {  	[sflag:s3] =	ssyncset.done $0x0  }
0xc2: {  	s24 =	sadd.s32 $0x15100, s21;
	[sflag:s3] =	ssyncadd.s32 $0xFFFFC000  }
0xc3: {  	[tilespmem:s11], [sflag:$0x1] =	stream.indirect.gather [hbm4b:s8+s10], $0x80, s24, s10, $0xb8;
	[tilespmem:$0x1F800] =	vst v63  }
0xc4: {  	_ =	swait.ge [sflag:s14], $0x4000  }
0xc5: {  	[sflag:s14] =	ssyncset.done $0x0  }
0xc6: {  	s25 =	sadd.s32 $0x16480, s21;
	[sflag:s14] =	ssyncadd.s32 $0xFFFFC000  }
0xc7: {  	[spmem:s1] =	stream.indirect.scatter.add.f32 [tilespmem:s12], [sflag:$0x4], $0x80, s25, s10, $0xb8;
	[tilespmem:$0x1F800] =	vst v63  }
0xc8: {  	_ =	swait.ge [sflag:s3], $0x4000  }
0xc9: {  	[sflag:s3] =	ssyncset.done $0x0  }
0xca: {  	[sflag:s3] =	ssyncadd.s32 $0xFFFFC000  }
0xcb: {  	[tilespmem:s12], [sflag:$0x2] =	stream.indirect.gather [hbm4b:s8+s10], $0x80, s15, s10, $0xb8;
	[tilespmem:$0x1F800] =	vst v63  }
0xcc: {  	_ =	swait.ge [sflag:s13], $0x4000  }
0xcd: {  	[sflag:s13] =	ssyncset.done $0x0  }
0xce: {  	[sflag:s13] =	ssyncadd.s32 $0xFFFFC000  }
0xcf: {  	[spmem:s1] =	stream.indirect.scatter.add.f32 [tilespmem:s11], [sflag:$0x4], $0x80, s16, s10, $0xb8;
	[tilespmem:$0x1F800] =	vst v63  }
0xd0: {  	_ =	swait.ge [sflag:s3], $0x4000  }
0xd1: {  	[sflag:s3] =	ssyncset.done $0x0  }
0xd2: {  	[sflag:s3] =	ssyncadd.s32 $0xFFFFC000  }
0xd3: {  	s20 =	sadd.s32 $0x1, s20;
	_ =	swait.ge [sflag:s14], $0x4000  }
0xd4: {  	p0 =	sne.s32 s20, $0x4;
	[sflag:s14] =	ssyncset.done $0x0  }
.Ltmp2:
0xd5: {  	[sflag:s14] =	ssyncadd.s32 $0xFFFFC000;
	(pc) =	sbr.rel @p0 .LBB2_4-.Ltmp2, $4  }
0xd6: {  	[spmem:s1] =	stream.indirect.scatter.add.f32 [tilespmem:s12], [sflag:$0x4], $0x80, s17, s10, $0xb8;
	[tilespmem:$0x1F800] =	vst v63  }
0xd7: {  	_ =	swait.ge [sflag:s3], $0x4000  }
0xd8: {  	[sflag:s3] =	ssyncset.done $0x0  }
0xd9: {  	[sflag:s3] =	ssyncadd.s32 $0xFFFFC000  }
0xda: {  	s19 =	stileid.u32  }
0xdb: {  	[bflag:$0x0] =	sbarrier.arrive $0xFFFF;
	s19 =	sshll.u32 s19, $0x6  }
0xdc: {  	s20 =	sshrl.u32 s7, $0x3;
	s21 =	rddreg [dreg:$0x3];
	s19 =	sor.u32 $0x1C04, s19  }
0xdd: {  	[hbm:s21], [sflag:s19] =	dma.local [spmem:s20], $0x2800  }
0xde: {  	_ =	swait.ge [sflag:s3], $0x2800  }
0xdf: {  	s18 =	sadd.s32 $0x1, s18;
	s25 =	rddreg [dreg:$0x4]  }
0xe0: {  	p0 =	sne.s32 s18, s25  }
.Ltmp3:
0xe1: {  	_ = 	snop;
	(pc) =	sbr.rel @p0 .LBB2_1-.Ltmp3, $3  }
0xe2: {  	_ =	sdelay $0x1  }
0xe3: {  	[sflag:s3] =	ssyncset.done $0x0  }
0xe4: {  	[sflag:s3] =	ssyncadd.s32 $0xFFFFD800  }
0xe5: {  	_ =	sfence.sel $0x180000  }
0xe6: {  	[bflag:$0x0] =	sbarrier.arrive $0xFFFF  }
0xe7: {  	_ =	strace $0x9000004D  }
0xe8: {  	s0 =	stileid.u32;
	[bflag:$0x2] =	sbarrier.arrive $0xFFFF  }
0xe9: {  	p0 =	sne.s32 s0, $0x0;
	s0 =	rddreg [dreg:$0x2]  }
0xea: {  	s0 =	sadd.s32 @!p0 $0x100000, s0  }
0xeb: {  	[sflag:s0] =	ssyncadd.tile.s32 @!p0 $0x1;
	_ =	shalt  }
.Lfunc_end2:
_tile_overlayer_lowered:
.L_overlay_start_2:
0xec: {  	(tag) =	ssettag $0x2  }
0xed: {  	s0 =	rddreg [dreg:$0x0];
	s2 =	stileid.u32  }
0xee: {  	s1 =	rddreg [dreg:$0x1];
	p0 =	sne.s32 s2, $0x0  }
0xef: {  	s3 =	rddreg [dreg:$0x2];
	[bflag:$0x3] =	sbarrier.arrive $0xFFFF;
	s2 =	simm.s32 @!p0 $0x1C04  }
0xf0: {  	[timem:s3], [sflag:s2] =	dma.local @!p0 [hbm:s0], s1  }
0xf1: {  	s0 =	simm.s32 @!p0 $0x4  }
0xf2: {  	_ =	swait.ge @!p0 [sflag:s0], s1  }
0xf3: {  	s1 =	ssub.s32 @!p0 $0x0, s1;
	[sflag:s0] =	ssyncset.done @!p0 $0x0  }
0xf4: {  	[sflag:s0] =	ssyncadd.s32 @!p0 s1  }
0xf5: {  	[bflag:$0x3] =	sbarrier.arrive $0xFFFF  }
0xf6: {  	_ =	shalt  }

</sc_bundles>
